<compile_context>
chip_gen: v7x
topology: tpu7x:2x2x1
jax: 0.10.2.dev20260603
libtpu: 0.0.44.dev20260713+nightly
codegen_flags: <defaults>
</compile_context>

<pallas_src>
import functools

import jax
import jax.numpy as jnp
from jax import lax
from jax.experimental import pallas as pl
from jax.experimental.pallas import tpu as pltpu
from jax.experimental.pallas import tpu_sc as plsc

_NBUF = 8


@jax.jit
def kernel(speaker_ids, embed_weight):
    B = speaker_ids.shape[0]
    V, D = embed_weight.shape

    info = plsc.get_sparse_core_info()
    NC, NS = info.num_cores, info.num_subcores
    NW = NC * NS

    b_per_w = B // NW
    n_grp = b_per_w // 16

    ids = speaker_ids.astype(jnp.int32).reshape(NW, 1, b_per_w)
    table_t = embed_weight.T

    mesh = plsc.VectorSubcoreMesh(core_axis_name="c", subcore_axis_name="s")

    @functools.partial(
        pl.kernel,
        out_type=jax.ShapeDtypeStruct((D, B), jnp.float32),
        mesh=mesh,
        compiler_params=pltpu.CompilerParams(
            use_tc_tiling_on_sc=True,
            disable_bounds_checks=True,
            needs_layout_passes=False,
        ),
        scratch_types=[
            pltpu.VMEM((1, b_per_w), jnp.int32),
            pltpu.VMEM((_NBUF, D, 128), jnp.float32),
            pltpu.VMEM((D, b_per_w), jnp.float32),
            pltpu.SemaphoreType.DMA((_NBUF,)),
        ],
    )
    def gather_kernel(idx_hbm, table_hbm, out_hbm, idx_v, blk, buf, sem):
        wid = lax.axis_index("s") * NC + lax.axis_index("c")
        base = pl.multiple_of(wid * b_per_w, 128)
        pltpu.sync_copy(idx_hbm.at[wid], idx_v)

        iota = lax.iota(jnp.int32, 16)

        def copy_for(c, par):
            cb = pl.multiple_of((c >> 7) << 7, 128)
            return pltpu.make_async_copy(
                table_hbm.at[:, pl.ds(cb, 128)],
                blk.at[par],
                sem.at[par],
            )

        first = idx_v[0, pl.ds(0, 16)]
        for t in range(_NBUF - 1):
            copy_for(first[t], t).start()

        def body(g, cur):
            nxt = idx_v[0, pl.ds(((g + 1) % n_grp) * 16, 16)]
            for t in range(16):
                m = g * 16 + t
                ahead = t + _NBUF - 1
                c_next = cur[ahead] if ahead < 16 else nxt[ahead - 16]

                @pl.when(m + _NBUF - 1 < b_per_w)
                def _():
                    copy_for(c_next, ahead & (_NBUF - 1)).start()

                c = cur[t]
                copy_for(c, t & (_NBUF - 1)).wait()
                lane = jnp.full((16,), c & 127, jnp.int32)
                col = jnp.full((16,), m, jnp.int32)
                src = blk.at[t & (_NBUF - 1)]
                for k in range(D // 16):
                    rows = iota + (16 * k)
                    v = plsc.load_gather(src, [rows, lane])
                    plsc.store_scatter(buf, [rows, col], v)
            return nxt

        lax.fori_loop(0, n_grp, body, first)
        pltpu.sync_copy(buf, out_hbm.at[:, pl.ds(base, b_per_w)])

    out_t = gather_kernel(ids, table_t)
    return out_t.T

# --- scband reference (transcript-rebuilt; emitter-appended) ---
"""Pipeline reference for scband-speaker-embedding-78039555768482 (READ-ONLY COPY).

The authoritative reference and input builder live on the scoring server;
editing this copy changes nothing except your own understanding.
"""

import jax, jax.numpy as jnp
import numpy as np

NUM_SPEAKERS = 1000000
DIM = 64
BATCH = 16384

def setup_inputs(seed: int = 0) -> dict:
    key = jax.random.key(seed)
    k1, k2 = jax.random.split(key)
    speaker_ids = jax.random.randint(k1, (BATCH,), 0, NUM_SPEAKERS, dtype=jnp.int64) if jax.config.jax_enable_x64 else jax.random.randint(k1, (BATCH,), 0, NUM_SPEAKERS, dtype=jnp.int32)
    embed_weight = jax.random.normal(k2, (NUM_SPEAKERS, DIM), dtype=jnp.float32) * 0.02
    return {"speaker_ids": speaker_ids, "embed_weight": embed_weight}

def reference(speaker_ids, embed_weight):
    # SpeakerEmbedding.forward with speaker_ids path (no external_emb):
    # return self.embed(speaker_ids) -> embedding lookup
    return jnp.take(embed_weight, speaker_ids, axis=0)

if __name__ == "__main__":
    import jax
    _d = setup_inputs()
    print(jax.jit(kernel)(*tuple(_d.values())))

</pallas_src>

<mosaic_0001>
#map = affine_map<(d0, d1) -> (0, 0, 0)>
#map1 = affine_map<(d0, d1) -> (0, 0)>
module attributes {stable_mosaic.version = 14 : i64} {
  func.func @gather_kernel(%arg0: i32, %arg1: i32, %arg2: memref<32x1x512xi32, #tpu.memory_space<hbm>>, %arg3: memref<64x1000000xf32, #tpu.memory_space<hbm>>, %arg4: memref<64x16384xf32, #tpu.memory_space<hbm>>, %arg5: memref<1x512xi32, #tpu.memory_space<vmem>>, %arg6: memref<8x64x128xf32, #tpu.memory_space<vmem>>, %arg7: memref<64x512xf32, #tpu.memory_space<vmem>>, %arg8: memref<8x!tpu.dma_semaphore, #tpu.memory_space<semaphore_mem>>) attributes {dimension_semantics = [#tpu.dimension_semantics<core_parallel>, #tpu.dimension_semantics<subcore_parallel>], iteration_bounds = array<i64: 2, 16>, scalar_prefetch = 0 : i64, scratch_operands = 4 : i64, tpu.core_type = #tpu.core_type<sc_vector_subcore>, window_params = [{transform_indices = #map}, {transform_indices = #map1}, {transform_indices = #map1}]} {
    %mul3A = arith.constant 2 : i32
    %mul3A_0 = arith.muli %arg1, %mul3A : i32
    %add3A = arith.addi %mul3A_0, %arg0 : i32
    %mul3A_1 = arith.constant 512 : i32
    %mul3A_2 = arith.muli %add3A, %mul3A_1 : i32
    %multiple_of3A = tpu.assume_multiple %mul3A_2, 128 : i32
    "tpu.region"() ({
      %run_scoped3A = tpu.sem_alloc : memref<!tpu.dma_semaphore, #tpu.memory_space<semaphore_mem>>
      %dma_start3A_167 = arith.constant 0 : i32
      %dma_start3A_168 = arith.constant 0 : i32
      %dma_start3A_169 = tpu.memref_slice %arg2[%add3A, %dma_start3A_167, %dma_start3A_168] : memref<32x1x512xi32, #tpu.memory_space<hbm>> -> memref<1x1x512xi32, #tpu.memory_space<hbm>>
      %dma_start3A_170 = tpu.memref_squeeze %dma_start3A_169 : memref<1x1x512xi32, #tpu.memory_space<hbm>> -> memref<1x512xi32, #tpu.memory_space<hbm>>
      %dma_start3A_171 = arith.constant 0 : i32
      %dma_start3A_172 = arith.constant 0 : i32
      %dma_start3A_173 = tpu.memref_slice %arg2[%add3A, %dma_start3A_171, %dma_start3A_172] : memref<32x1x512xi32, #tpu.memory_space<hbm>> -> memref<1x1x512xi32, #tpu.memory_space<hbm>>
      %dma_start3A_174 = tpu.memref_squeeze %dma_start3A_173 : memref<1x1x512xi32, #tpu.memory_space<hbm>> -> memref<1x512xi32, #tpu.memory_space<hbm>>
      tpu.enqueue_dma source(%dma_start3A_174 : memref<1x512xi32, #tpu.memory_space<hbm>>) target(%arg5 : memref<1x512xi32, #tpu.memory_space<vmem>>) target_semaphore(%run_scoped3A : memref<!tpu.dma_semaphore, #tpu.memory_space<semaphore_mem>>)
      %dma_wait3A = arith.constant 0 : i32
      %dma_wait3A_175 = arith.constant 0 : i32
      %dma_wait3A_176 = tpu.memref_slice %arg2[%add3A, %dma_wait3A, %dma_wait3A_175] : memref<32x1x512xi32, #tpu.memory_space<hbm>> -> memref<1x1x512xi32, #tpu.memory_space<hbm>>
      %dma_wait3A_177 = tpu.memref_squeeze %dma_wait3A_176 : memref<1x1x512xi32, #tpu.memory_space<hbm>> -> memref<1x512xi32, #tpu.memory_space<hbm>>
      %dma_wait3A_178 = arith.constant 0 : i32
      %dma_wait3A_179 = arith.constant 0 : i32
      %dma_wait3A_180 = tpu.memref_slice %arg2[%add3A, %dma_wait3A_178, %dma_wait3A_179] : memref<32x1x512xi32, #tpu.memory_space<hbm>> -> memref<1x1x512xi32, #tpu.memory_space<hbm>>
      %dma_wait3A_181 = tpu.memref_squeeze %dma_wait3A_180 : memref<1x1x512xi32, #tpu.memory_space<hbm>> -> memref<1x512xi32, #tpu.memory_space<hbm>>
      tpu.wait_dma2 semaphore(%run_scoped3A : memref<!tpu.dma_semaphore, #tpu.memory_space<semaphore_mem>>) src(%dma_wait3A_181 : memref<1x512xi32, #tpu.memory_space<hbm>>) dst(%arg5 : memref<1x512xi32, #tpu.memory_space<vmem>>)
      tpu.yield
    }) : () -> ()
    %iota3A = tpu.iota {dimensions = array<i32: 0>} : vector<16xi32>
    %get3A = arith.constant 0 : i32
    %get3A_3 = arith.index_cast %get3A : i32 to index
    %get3A_4 = arith.constant 0 : index
    %get3A_5 = tpu.vector_load %arg5[%get3A_3, %get3A_4] {strides = array<i32>} : memref<1x512xi32, #tpu.memory_space<vmem>>, vector<16xi32>,
    %slice3A = vector.extract_strided_slice %get3A_5 {offsets = [0], sizes = [1], strides = [1]} : vector<16xi32> to vector<1xi32>
    %squeeze3A = vector.extract %slice3A[0] : i32 from vector<1xi32>
    %shift_right_arithmetic3A = arith.constant 7 : i32
    %shift_right_arithmetic3A_6 = arith.shrsi %squeeze3A, %shift_right_arithmetic3A : i32
    %shift_left3A = arith.constant 7 : i32
    %shift_left3A_7 = arith.shli %shift_right_arithmetic3A_6, %shift_left3A : i32
    %multiple_of3A_8 = tpu.assume_multiple %shift_left3A_7, 128 : i32
    %dma_start3A = arith.constant 0 : i32
    %dma_start3A_9 = arith.constant 0 : i32
    %dma_start3A_10 = arith.constant 0 : i32
    %dma_start3A_11 = arith.constant 0 : i32
    %dma_start3A_12 = tpu.memref_slice %arg6[%dma_start3A, %dma_start3A_10, %dma_start3A_11] : memref<8x64x128xf32, #tpu.memory_space<vmem>> -> memref<1x64x128xf32, #tpu.memory_space<vmem>>
    %dma_start3A_13 = tpu.memref_squeeze %dma_start3A_12 : memref<1x64x128xf32, #tpu.memory_space<vmem>> -> memref<64x128xf32, #tpu.memory_space<vmem>>
    %dma_start3A_14 = arith.constant 0 : i32
    %dma_start3A_15 = tpu.memref_slice %arg3[%dma_start3A_14, %multiple_of3A_8] : memref<64x1000000xf32, #tpu.memory_space<hbm>> -> memref<64x128xf32, #tpu.memory_space<hbm>>
    %dma_start3A_16 = tpu.memref_slice %arg8[%dma_start3A_9] : memref<8x!tpu.dma_semaphore, #tpu.memory_space<semaphore_mem>> -> memref<1x!tpu.dma_semaphore, #tpu.memory_space<semaphore_mem>>
    %dma_start3A_17 = tpu.memref_squeeze %dma_start3A_16 : memref<1x!tpu.dma_semaphore, #tpu.memory_space<semaphore_mem>> -> memref<!tpu.dma_semaphore, #tpu.memory_space<semaphore_mem>>
    %dma_start3A_18 = arith.constant 0 : i32
    %dma_start3A_19 = arith.constant 0 : i32
    %dma_start3A_20 = tpu.memref_slice %arg6[%dma_start3A, %dma_start3A_18, %dma_start3A_19] : memref<8x64x128xf32, #tpu.memory_space<vmem>> -> memref<1x64x128xf32, #tpu.memory_space<vmem>>
    %dma_start3A_21 = tpu.memref_squeeze %dma_start3A_20 : memref<1x64x128xf32, #tpu.memory_space<vmem>> -> memref<64x128xf32, #tpu.memory_space<vmem>>
    %dma_start3A_22 = arith.constant 0 : i32
    %dma_start3A_23 = tpu.memref_slice %arg3[%dma_start3A_22, %multiple_of3A_8] : memref<64x1000000xf32, #tpu.memory_space<hbm>> -> memref<64x128xf32, #tpu.memory_space<hbm>>
    tpu.enqueue_dma source(%dma_start3A_23 : memref<64x128xf32, #tpu.memory_space<hbm>>) target(%dma_start3A_21 : memref<64x128xf32, #tpu.memory_space<vmem>>) target_semaphore(%dma_start3A_17 : memref<!tpu.dma_semaphore, #tpu.memory_space<semaphore_mem>>)
    %slice3A_24 = vector.extract_strided_slice %get3A_5 {offsets = [1], sizes = [1], strides = [1]} : vector<16xi32> to vector<1xi32>
    %squeeze3A_25 = vector.extract %slice3A_24[0] : i32 from vector<1xi32>
    %shift_right_arithmetic3A_26 = arith.constant 7 : i32
    %shift_right_arithmetic3A_27 = arith.shrsi %squeeze3A_25, %shift_right_arithmetic3A_26 : i32
    %shift_left3A_28 = arith.constant 7 : i32
    %shift_left3A_29 = arith.shli %shift_right_arithmetic3A_27, %shift_left3A_28 : i32
    %multiple_of3A_30 = tpu.assume_multiple %shift_left3A_29, 128 : i32
    %dma_start3A_31 = arith.constant 1 : i32
    %dma_start3A_32 = arith.constant 1 : i32
    %dma_start3A_33 = arith.constant 0 : i32
    %dma_start3A_34 = arith.constant 0 : i32
    %dma_start3A_35 = tpu.memref_slice %arg6[%dma_start3A_31, %dma_start3A_33, %dma_start3A_34] : memref<8x64x128xf32, #tpu.memory_space<vmem>> -> memref<1x64x128xf32, #tpu.memory_space<vmem>>
    %dma_start3A_36 = tpu.memref_squeeze %dma_start3A_35 : memref<1x64x128xf32, #tpu.memory_space<vmem>> -> memref<64x128xf32, #tpu.memory_space<vmem>>
    %dma_start3A_37 = arith.constant 0 : i32
    %dma_start3A_38 = tpu.memref_slice %arg3[%dma_start3A_37, %multiple_of3A_30] : memref<64x1000000xf32, #tpu.memory_space<hbm>> -> memref<64x128xf32, #tpu.memory_space<hbm>>
    %dma_start3A_39 = tpu.memref_slice %arg8[%dma_start3A_32] : memref<8x!tpu.dma_semaphore, #tpu.memory_space<semaphore_mem>> -> memref<1x!tpu.dma_semaphore, #tpu.memory_space<semaphore_mem>>
    %dma_start3A_40 = tpu.memref_squeeze %dma_start3A_39 : memref<1x!tpu.dma_semaphore, #tpu.memory_space<semaphore_mem>> -> memref<!tpu.dma_semaphore, #tpu.memory_space<semaphore_mem>>
    %dma_start3A_41 = arith.constant 0 : i32
    %dma_start3A_42 = arith.constant 0 : i32
    %dma_start3A_43 = tpu.memref_slice %arg6[%dma_start3A_31, %dma_start3A_41, %dma_start3A_42] : memref<8x64x128xf32, #tpu.memory_space<vmem>> -> memref<1x64x128xf32, #tpu.memory_space<vmem>>
    %dma_start3A_44 = tpu.memref_squeeze %dma_start3A_43 : memref<1x64x128xf32, #tpu.memory_space<vmem>> -> memref<64x128xf32, #tpu.memory_space<vmem>>
    %dma_start3A_45 = arith.constant 0 : i32
    %dma_start3A_46 = tpu.memref_slice %arg3[%dma_start3A_45, %multiple_of3A_30] : memref<64x1000000xf32, #tpu.memory_space<hbm>> -> memref<64x128xf32, #tpu.memory_space<hbm>>
    tpu.enqueue_dma source(%dma_start3A_46 : memref<64x128xf32, #tpu.memory_space<hbm>>) target(%dma_start3A_44 : memref<64x128xf32, #tpu.memory_space<vmem>>) target_semaphore(%dma_start3A_40 : memref<!tpu.dma_semaphore, #tpu.memory_space<semaphore_mem>>)
    %slice3A_47 = vector.extract_strided_slice %get3A_5 {offsets = [2], sizes = [1], strides = [1]} : vector<16xi32> to vector<1xi32>
    %squeeze3A_48 = vector.extract %slice3A_47[0] : i32 from vector<1xi32>
    %shift_right_arithmetic3A_49 = arith.constant 7 : i32
    %shift_right_arithmetic3A_50 = arith.shrsi %squeeze3A_48, %shift_right_arithmetic3A_49 : i32
    %shift_left3A_51 = arith.constant 7 : i32
    %shift_left3A_52 = arith.shli %shift_right_arithmetic3A_50, %shift_left3A_51 : i32
    %multiple_of3A_53 = tpu.assume_multiple %shift_left3A_52, 128 : i32
    %dma_start3A_54 = arith.constant 2 : i32
    %dma_start3A_55 = arith.constant 2 : i32
    %dma_start3A_56 = arith.constant 0 : i32
    %dma_start3A_57 = arith.constant 0 : i32
    %dma_start3A_58 = tpu.memref_slice %arg6[%dma_start3A_54, %dma_start3A_56, %dma_start3A_57] : memref<8x64x128xf32, #tpu.memory_space<vmem>> -> memref<1x64x128xf32, #tpu.memory_space<vmem>>
    %dma_start3A_59 = tpu.memref_squeeze %dma_start3A_58 : memref<1x64x128xf32, #tpu.memory_space<vmem>> -> memref<64x128xf32, #tpu.memory_space<vmem>>
    %dma_start3A_60 = arith.constant 0 : i32
    %dma_start3A_61 = tpu.memref_slice %arg3[%dma_start3A_60, %multiple_of3A_53] : memref<64x1000000xf32, #tpu.memory_space<hbm>> -> memref<64x128xf32, #tpu.memory_space<hbm>>
    %dma_start3A_62 = tpu.memref_slice %arg8[%dma_start3A_55] : memref<8x!tpu.dma_semaphore, #tpu.memory_space<semaphore_mem>> -> memref<1x!tpu.dma_semaphore, #tpu.memory_space<semaphore_mem>>
    %dma_start3A_63 = tpu.memref_squeeze %dma_start3A_62 : memref<1x!tpu.dma_semaphore, #tpu.memory_space<semaphore_mem>> -> memref<!tpu.dma_semaphore, #tpu.memory_space<semaphore_mem>>
    %dma_start3A_64 = arith.constant 0 : i32
    %dma_start3A_65 = arith.constant 0 : i32
    %dma_start3A_66 = tpu.memref_slice %arg6[%dma_start3A_54, %dma_start3A_64, %dma_start3A_65] : memref<8x64x128xf32, #tpu.memory_space<vmem>> -> memref<1x64x128xf32, #tpu.memory_space<vmem>>
    %dma_start3A_67 = tpu.memref_squeeze %dma_start3A_66 : memref<1x64x128xf32, #tpu.memory_space<vmem>> -> memref<64x128xf32, #tpu.memory_space<vmem>>
    %dma_start3A_68 = arith.constant 0 : i32
    %dma_start3A_69 = tpu.memref_slice %arg3[%dma_start3A_68, %multiple_of3A_53] : memref<64x1000000xf32, #tpu.memory_space<hbm>> -> memref<64x128xf32, #tpu.memory_space<hbm>>
    tpu.enqueue_dma source(%dma_start3A_69 : memref<64x128xf32, #tpu.memory_space<hbm>>) target(%dma_start3A_67 : memref<64x128xf32, #tpu.memory_space<vmem>>) target_semaphore(%dma_start3A_63 : memref<!tpu.dma_semaphore, #tpu.memory_space<semaphore_mem>>)
    %slice3A_70 = vector.extract_strided_slice %get3A_5 {offsets = [3], sizes = [1], strides = [1]} : vector<16xi32> to vector<1xi32>
    %squeeze3A_71 = vector.extract %slice3A_70[0] : i32 from vector<1xi32>
    %shift_right_arithmetic3A_72 = arith.constant 7 : i32
    %shift_right_arithmetic3A_73 = arith.shrsi %squeeze3A_71, %shift_right_arithmetic3A_72 : i32
    %shift_left3A_74 = arith.constant 7 : i32
    %shift_left3A_75 = arith.shli %shift_right_arithmetic3A_73, %shift_left3A_74 : i32
    %multiple_of3A_76 = tpu.assume_multiple %shift_left3A_75, 128 : i32
    %dma_start3A_77 = arith.constant 3 : i32
    %dma_start3A_78 = arith.constant 3 : i32
    %dma_start3A_79 = arith.constant 0 : i32
    %dma_start3A_80 = arith.constant 0 : i32
    %dma_start3A_81 = tpu.memref_slice %arg6[%dma_start3A_77, %dma_start3A_79, %dma_start3A_80] : memref<8x64x128xf32, #tpu.memory_space<vmem>> -> memref<1x64x128xf32, #tpu.memory_space<vmem>>
    %dma_start3A_82 = tpu.memref_squeeze %dma_start3A_81 : memref<1x64x128xf32, #tpu.memory_space<vmem>> -> memref<64x128xf32, #tpu.memory_space<vmem>>
    %dma_start3A_83 = arith.constant 0 : i32
    %dma_start3A_84 = tpu.memref_slice %arg3[%dma_start3A_83, %multiple_of3A_76] : memref<64x1000000xf32, #tpu.memory_space<hbm>> -> memref<64x128xf32, #tpu.memory_space<hbm>>
    %dma_start3A_85 = tpu.memref_slice %arg8[%dma_start3A_78] : memref<8x!tpu.dma_semaphore, #tpu.memory_space<semaphore_mem>> -> memref<1x!tpu.dma_semaphore, #tpu.memory_space<semaphore_mem>>
    %dma_start3A_86 = tpu.memref_squeeze %dma_start3A_85 : memref<1x!tpu.dma_semaphore, #tpu.memory_space<semaphore_mem>> -> memref<!tpu.dma_semaphore, #tpu.memory_space<semaphore_mem>>
    %dma_start3A_87 = arith.constant 0 : i32
    %dma_start3A_88 = arith.constant 0 : i32
    %dma_start3A_89 = tpu.memref_slice %arg6[%dma_start3A_77, %dma_start3A_87, %dma_start3A_88] : memref<8x64x128xf32, #tpu.memory_space<vmem>> -> memref<1x64x128xf32, #tpu.memory_space<vmem>>
    %dma_start3A_90 = tpu.memref_squeeze %dma_start3A_89 : memref<1x64x128xf32, #tpu.memory_space<vmem>> -> memref<64x128xf32, #tpu.memory_space<vmem>>
    %dma_start3A_91 = arith.constant 0 : i32
    %dma_start3A_92 = tpu.memref_slice %arg3[%dma_start3A_91, %multiple_of3A_76] : memref<64x1000000xf32, #tpu.memory_space<hbm>> -> memref<64x128xf32, #tpu.memory_space<hbm>>
    tpu.enqueue_dma source(%dma_start3A_92 : memref<64x128xf32, #tpu.memory_space<hbm>>) target(%dma_start3A_90 : memref<64x128xf32, #tpu.memory_space<vmem>>) target_semaphore(%dma_start3A_86 : memref<!tpu.dma_semaphore, #tpu.memory_space<semaphore_mem>>)
    %slice3A_93 = vector.extract_strided_slice %get3A_5 {offsets = [4], sizes = [1], strides = [1]} : vector<16xi32> to vector<1xi32>
    %squeeze3A_94 = vector.extract %slice3A_93[0] : i32 from vector<1xi32>
    %shift_right_arithmetic3A_95 = arith.constant 7 : i32
    %shift_right_arithmetic3A_96 = arith.shrsi %squeeze3A_94, %shift_right_arithmetic3A_95 : i32
    %shift_left3A_97 = arith.constant 7 : i32
    %shift_left3A_98 = arith.shli %shift_right_arithmetic3A_96, %shift_left3A_97 : i32
    %multiple_of3A_99 = tpu.assume_multiple %shift_left3A_98, 128 : i32
    %dma_start3A_100 = arith.constant 4 : i32
    %dma_start3A_101 = arith.constant 4 : i32
    %dma_start3A_102 = arith.constant 0 : i32
    %dma_start3A_103 = arith.constant 0 : i32
    %dma_start3A_104 = tpu.memref_slice %arg6[%dma_start3A_100, %dma_start3A_102, %dma_start3A_103] : memref<8x64x128xf32, #tpu.memory_space<vmem>> -> memref<1x64x128xf32, #tpu.memory_space<vmem>>
    %dma_start3A_105 = tpu.memref_squeeze %dma_start3A_104 : memref<1x64x128xf32, #tpu.memory_space<vmem>> -> memref<64x128xf32, #tpu.memory_space<vmem>>
    %dma_start3A_106 = arith.constant 0 : i32
    %dma_start3A_107 = tpu.memref_slice %arg3[%dma_start3A_106, %multiple_of3A_99] : memref<64x1000000xf32, #tpu.memory_space<hbm>> -> memref<64x128xf32, #tpu.memory_space<hbm>>
    %dma_start3A_108 = tpu.memref_slice %arg8[%dma_start3A_101] : memref<8x!tpu.dma_semaphore, #tpu.memory_space<semaphore_mem>> -> memref<1x!tpu.dma_semaphore, #tpu.memory_space<semaphore_mem>>
    %dma_start3A_109 = tpu.memref_squeeze %dma_start3A_108 : memref<1x!tpu.dma_semaphore, #tpu.memory_space<semaphore_mem>> -> memref<!tpu.dma_semaphore, #tpu.memory_space<semaphore_mem>>
    %dma_start3A_110 = arith.constant 0 : i32
    %dma_start3A_111 = arith.constant 0 : i32
    %dma_start3A_112 = tpu.memref_slice %arg6[%dma_start3A_100, %dma_start3A_110, %dma_start3A_111] : memref<8x64x128xf32, #tpu.memory_space<vmem>> -> memref<1x64x128xf32, #tpu.memory_space<vmem>>
    %dma_start3A_113 = tpu.memref_squeeze %dma_start3A_112 : memref<1x64x128xf32, #tpu.memory_space<vmem>> -> memref<64x128xf32, #tpu.memory_space<vmem>>
    %dma_start3A_114 = arith.constant 0 : i32
    %dma_start3A_115 = tpu.memref_slice %arg3[%dma_start3A_114, %multiple_of3A_99] : memref<64x1000000xf32, #tpu.memory_space<hbm>> -> memref<64x128xf32, #tpu.memory_space<hbm>>
    tpu.enqueue_dma source(%dma_start3A_115 : memref<64x128xf32, #tpu.memory_space<hbm>>) target(%dma_start3A_113 : memref<64x128xf32, #tpu.memory_space<vmem>>) target_semaphore(%dma_start3A_109 : memref<!tpu.dma_semaphore, #tpu.memory_space<semaphore_mem>>)
    %slice3A_116 = vector.extract_strided_slice %get3A_5 {offsets = [5], sizes = [1], strides = [1]} : vector<16xi32> to vector<1xi32>
    %squeeze3A_117 = vector.extract %slice3A_116[0] : i32 from vector<1xi32>
    %shift_right_arithmetic3A_118 = arith.constant 7 : i32
    %shift_right_arithmetic3A_119 = arith.shrsi %squeeze3A_117, %shift_right_arithmetic3A_118 : i32
    %shift_left3A_120 = arith.constant 7 : i32
    %shift_left3A_121 = arith.shli %shift_right_arithmetic3A_119, %shift_left3A_120 : i32
    %multiple_of3A_122 = tpu.assume_multiple %shift_left3A_121, 128 : i32
    %dma_start3A_123 = arith.constant 5 : i32
    %dma_start3A_124 = arith.constant 5 : i32
    %dma_start3A_125 = arith.constant 0 : i32
    %dma_start3A_126 = arith.constant 0 : i32
    %dma_start3A_127 = tpu.memref_slice %arg6[%dma_start3A_123, %dma_start3A_125, %dma_start3A_126] : memref<8x64x128xf32, #tpu.memory_space<vmem>> -> memref<1x64x128xf32, #tpu.memory_space<vmem>>
    %dma_start3A_128 = tpu.memref_squeeze %dma_start3A_127 : memref<1x64x128xf32, #tpu.memory_space<vmem>> -> memref<64x128xf32, #tpu.memory_space<vmem>>
    %dma_start3A_129 = arith.constant 0 : i32
    %dma_start3A_130 = tpu.memref_slice %arg3[%dma_start3A_129, %multiple_of3A_122] : memref<64x1000000xf32, #tpu.memory_space<hbm>> -> memref<64x128xf32, #tpu.memory_space<hbm>>
    %dma_start3A_131 = tpu.memref_slice %arg8[%dma_start3A_124] : memref<8x!tpu.dma_semaphore, #tpu.memory_space<semaphore_mem>> -> memref<1x!tpu.dma_semaphore, #tpu.memory_space<semaphore_mem>>
    %dma_start3A_132 = tpu.memref_squeeze %dma_start3A_131 : memref<1x!tpu.dma_semaphore, #tpu.memory_space<semaphore_mem>> -> memref<!tpu.dma_semaphore, #tpu.memory_space<semaphore_mem>>
    %dma_start3A_133 = arith.constant 0 : i32
    %dma_start3A_134 = arith.constant 0 : i32
    %dma_start3A_135 = tpu.memref_slice %arg6[%dma_start3A_123, %dma_start3A_133, %dma_start3A_134] : memref<8x64x128xf32, #tpu.memory_space<vmem>> -> memref<1x64x128xf32, #tpu.memory_space<vmem>>
    %dma_start3A_136 = tpu.memref_squeeze %dma_start3A_135 : memref<1x64x128xf32, #tpu.memory_space<vmem>> -> memref<64x128xf32, #tpu.memory_space<vmem>>
    %dma_start3A_137 = arith.constant 0 : i32
    %dma_start3A_138 = tpu.memref_slice %arg3[%dma_start3A_137, %multiple_of3A_122] : memref<64x1000000xf32, #tpu.memory_space<hbm>> -> memref<64x128xf32, #tpu.memory_space<hbm>>
    tpu.enqueue_dma source(%dma_start3A_138 : memref<64x128xf32, #tpu.memory_space<hbm>>) target(%dma_start3A_136 : memref<64x128xf32, #tpu.memory_space<vmem>>) target_semaphore(%dma_start3A_132 : memref<!tpu.dma_semaphore, #tpu.memory_space<semaphore_mem>>)
    %slice3A_139 = vector.extract_strided_slice %get3A_5 {offsets = [6], sizes = [1], strides = [1]} : vector<16xi32> to vector<1xi32>
    %squeeze3A_140 = vector.extract %slice3A_139[0] : i32 from vector<1xi32>
    %shift_right_arithmetic3A_141 = arith.constant 7 : i32
    %shift_right_arithmetic3A_142 = arith.shrsi %squeeze3A_140, %shift_right_arithmetic3A_141 : i32
    %shift_left3A_143 = arith.constant 7 : i32
    %shift_left3A_144 = arith.shli %shift_right_arithmetic3A_142, %shift_left3A_143 : i32
    %multiple_of3A_145 = tpu.assume_multiple %shift_left3A_144, 128 : i32
    %dma_start3A_146 = arith.constant 6 : i32
    %dma_start3A_147 = arith.constant 6 : i32
    %dma_start3A_148 = arith.constant 0 : i32
    %dma_start3A_149 = arith.constant 0 : i32
    %dma_start3A_150 = tpu.memref_slice %arg6[%dma_start3A_146, %dma_start3A_148, %dma_start3A_149] : memref<8x64x128xf32, #tpu.memory_space<vmem>> -> memref<1x64x128xf32, #tpu.memory_space<vmem>>
    %dma_start3A_151 = tpu.memref_squeeze %dma_start3A_150 : memref<1x64x128xf32, #tpu.memory_space<vmem>> -> memref<64x128xf32, #tpu.memory_space<vmem>>
    %dma_start3A_152 = arith.constant 0 : i32
    %dma_start3A_153 = tpu.memref_slice %arg3[%dma_start3A_152, %multiple_of3A_145] : memref<64x1000000xf32, #tpu.memory_space<hbm>> -> memref<64x128xf32, #tpu.memory_space<hbm>>
    %dma_start3A_154 = tpu.memref_slice %arg8[%dma_start3A_147] : memref<8x!tpu.dma_semaphore, #tpu.memory_space<semaphore_mem>> -> memref<1x!tpu.dma_semaphore, #tpu.memory_space<semaphore_mem>>
    %dma_start3A_155 = tpu.memref_squeeze %dma_start3A_154 : memref<1x!tpu.dma_semaphore, #tpu.memory_space<semaphore_mem>> -> memref<!tpu.dma_semaphore, #tpu.memory_space<semaphore_mem>>
    %dma_start3A_156 = arith.constant 0 : i32
    %dma_start3A_157 = arith.constant 0 : i32
    %dma_start3A_158 = tpu.memref_slice %arg6[%dma_start3A_146, %dma_start3A_156, %dma_start3A_157] : memref<8x64x128xf32, #tpu.memory_space<vmem>> -> memref<1x64x128xf32, #tpu.memory_space<vmem>>
    %dma_start3A_159 = tpu.memref_squeeze %dma_start3A_158 : memref<1x64x128xf32, #tpu.memory_space<vmem>> -> memref<64x128xf32, #tpu.memory_space<vmem>>
    %dma_start3A_160 = arith.constant 0 : i32
    %dma_start3A_161 = tpu.memref_slice %arg3[%dma_start3A_160, %multiple_of3A_145] : memref<64x1000000xf32, #tpu.memory_space<hbm>> -> memref<64x128xf32, #tpu.memory_space<hbm>>
    tpu.enqueue_dma source(%dma_start3A_161 : memref<64x128xf32, #tpu.memory_space<hbm>>) target(%dma_start3A_159 : memref<64x128xf32, #tpu.memory_space<vmem>>) target_semaphore(%dma_start3A_155 : memref<!tpu.dma_semaphore, #tpu.memory_space<semaphore_mem>>)
    %scan3A = arith.constant 0 : i32
    %scan3A_162 = arith.constant 32 : i32
    %scan3A_163 = arith.addi %scan3A, %scan3A_162 : i32
    %scan3A_164 = arith.constant 1 : i32
    %scan3A_165 = scf.for %scan3A_167 = %scan3A to %scan3A_163 step %scan3A_164 iter_args(%scan3A_168 = %get3A_5) -> (vector<16xi32>)  : i32 {
      %add3A_169 = arith.constant 1 : i32
      %add3A_170 = arith.addi %scan3A_167, %add3A_169 : i32
      %jit3A = arith.constant 32 : i32
      %eq3A = arith.constant 0 : i32
      %eq3A_171 = arith.cmpi eq, %jit3A, %eq3A : i32
      %jit3A_172 = arith.constant 1 : i32
      %select_n3A = arith.select %eq3A_171, %jit3A_172, %jit3A : i32
      %rem3A = arith.remsi %add3A_170, %select_n3A : i32
      %ne3A = arith.constant 0 : i32
      %ne3A_173 = arith.cmpi ne, %rem3A, %ne3A : i32
      %lt3A = arith.constant 0 : i32
      %lt3A_174 = arith.cmpi slt, %rem3A, %lt3A : i32
      %lt3A_175 = arith.constant 0 : i32
      %lt3A_176 = arith.cmpi slt, %select_n3A, %lt3A_175 : i32
      %ne3A_177 = arith.xori %lt3A_174, %lt3A_176 : i1
      %and3A = arith.andi %ne3A_177, %ne3A_173 : i1
      %add3A_178 = arith.addi %rem3A, %select_n3A : i32
      %select_n3A_179 = arith.select %and3A, %add3A_178, %rem3A : i32
      %mul3A_180 = arith.constant 16 : i32
      %mul3A_181 = arith.muli %select_n3A_179, %mul3A_180 : i32
      %get3A_182 = arith.constant 0 : i32
      %get3A_183 = arith.index_cast %get3A_182 : i32 to index
      %get3A_184 = arith.index_cast %mul3A_181 : i32 to index
      %get3A_185 = tpu.vector_load %arg5[%get3A_183, %get3A_184] {strides = array<i32>} : memref<1x512xi32, #tpu.memory_space<vmem>>, vector<16xi32>,
      %mul3A_186 = arith.constant 16 : i32
      %mul3A_187 = arith.muli %scan3A_167, %mul3A_186 : i32
      %add3A_188 = arith.constant 0 : i32
      %add3A_189 = arith.addi %mul3A_187, %add3A_188 : i32
      %slice3A_190 = vector.extract_strided_slice %scan3A_168 {offsets = [7], sizes = [1], strides = [1]} : vector<16xi32> to vector<1xi32>
      %squeeze3A_191 = vector.extract %slice3A_190[0] : i32 from vector<1xi32>
      %add3A_192 = arith.constant 8 : i32
      %add3A_193 = arith.addi %add3A_189, %add3A_192 : i32
      %sub3A = arith.constant 1 : i32
      %sub3A_194 = arith.subi %add3A_193, %sub3A : i32
      %lt3A_195 = arith.constant 512 : i32
      %lt3A_196 = arith.cmpi slt, %sub3A_194, %lt3A_195 : i32
      %convert_element_type3A = arith.extui %lt3A_196 : i1 to i32
      %cond3A = arith.constant 0 : i32
      %cond3A_197 = arith.cmpi ne, %convert_element_type3A, %cond3A : i32
      scf.if %cond3A_197 {
        %shift_right_arithmetic3A_1428 = arith.constant 7 : i32
        %shift_right_arithmetic3A_1429 = arith.shrsi %squeeze3A_191, %shift_right_arithmetic3A_1428 : i32
        %shift_left3A_1430 = arith.constant 7 : i32
        %shift_left3A_1431 = arith.shli %shift_right_arithmetic3A_1429, %shift_left3A_1430 : i32
        %multiple_of3A_1432 = tpu.assume_multiple %shift_left3A_1431, 128 : i32
        %dma_start3A_1433 = arith.constant 7 : i32
        %dma_start3A_1434 = arith.constant 7 : i32
        %dma_start3A_1435 = arith.constant 0 : i32
        %dma_start3A_1436 = arith.constant 0 : i32
        %dma_start3A_1437 = tpu.memref_slice %arg6[%dma_start3A_1433, %dma_start3A_1435, %dma_start3A_1436] : memref<8x64x128xf32, #tpu.memory_space<vmem>> -> memref<1x64x128xf32, #tpu.memory_space<vmem>>
        %dma_start3A_1438 = tpu.memref_squeeze %dma_start3A_1437 : memref<1x64x128xf32, #tpu.memory_space<vmem>> -> memref<64x128xf32, #tpu.memory_space<vmem>>
        %dma_start3A_1439 = arith.constant 0 : i32
        %dma_start3A_1440 = tpu.memref_slice %arg3[%dma_start3A_1439, %multiple_of3A_1432] : memref<64x1000000xf32, #tpu.memory_space<hbm>> -> memref<64x128xf32, #tpu.memory_space<hbm>>
        %dma_start3A_1441 = tpu.memref_slice %arg8[%dma_start3A_1434] : memref<8x!tpu.dma_semaphore, #tpu.memory_space<semaphore_mem>> -> memref<1x!tpu.dma_semaphore, #tpu.memory_space<semaphore_mem>>
        %dma_start3A_1442 = tpu.memref_squeeze %dma_start3A_1441 : memref<1x!tpu.dma_semaphore, #tpu.memory_space<semaphore_mem>> -> memref<!tpu.dma_semaphore, #tpu.memory_space<semaphore_mem>>
        %dma_start3A_1443 = arith.constant 0 : i32
        %dma_start3A_1444 = arith.constant 0 : i32
        %dma_start3A_1445 = tpu.memref_slice %arg6[%dma_start3A_1433, %dma_start3A_1443, %dma_start3A_1444] : memref<8x64x128xf32, #tpu.memory_space<vmem>> -> memref<1x64x128xf32, #tpu.memory_space<vmem>>
        %dma_start3A_1446 = tpu.memref_squeeze %dma_start3A_1445 : memref<1x64x128xf32, #tpu.memory_space<vmem>> -> memref<64x128xf32, #tpu.memory_space<vmem>>
        %dma_start3A_1447 = arith.constant 0 : i32
        %dma_start3A_1448 = tpu.memref_slice %arg3[%dma_start3A_1447, %multiple_of3A_1432] : memref<64x1000000xf32, #tpu.memory_space<hbm>> -> memref<64x128xf32, #tpu.memory_space<hbm>>
        tpu.enqueue_dma source(%dma_start3A_1448 : memref<64x128xf32, #tpu.memory_space<hbm>>) target(%dma_start3A_1446 : memref<64x128xf32, #tpu.memory_space<vmem>>) target_semaphore(%dma_start3A_1442 : memref<!tpu.dma_semaphore, #tpu.memory_space<semaphore_mem>>)
      } else {
      }
      %slice3A_198 = vector.extract_strided_slice %scan3A_168 {offsets = [0], sizes = [1], strides = [1]} : vector<16xi32> to vector<1xi32>
      %squeeze3A_199 = vector.extract %slice3A_198[0] : i32 from vector<1xi32>
      %shift_right_arithmetic3A_200 = arith.constant 7 : i32
      %shift_right_arithmetic3A_201 = arith.shrsi %squeeze3A_199, %shift_right_arithmetic3A_200 : i32
      %shift_left3A_202 = arith.constant 7 : i32
      %shift_left3A_203 = arith.shli %shift_right_arithmetic3A_201, %shift_left3A_202 : i32
      %multiple_of3A_204 = tpu.assume_multiple %shift_left3A_203, 128 : i32
      %dma_wait3A = arith.constant 0 : i32
      %dma_wait3A_205 = arith.constant 0 : i32
      %dma_wait3A_206 = arith.constant 0 : i32
      %dma_wait3A_207 = arith.constant 0 : i32
      %dma_wait3A_208 = tpu.memref_slice %arg6[%dma_wait3A, %dma_wait3A_206, %dma_wait3A_207] : memref<8x64x128xf32, #tpu.memory_space<vmem>> -> memref<1x64x128xf32, #tpu.memory_space<vmem>>
      %dma_wait3A_209 = tpu.memref_squeeze %dma_wait3A_208 : memref<1x64x128xf32, #tpu.memory_space<vmem>> -> memref<64x128xf32, #tpu.memory_space<vmem>>
      %dma_wait3A_210 = arith.constant 0 : i32
      %dma_wait3A_211 = tpu.memref_slice %arg3[%dma_wait3A_210, %multiple_of3A_204] : memref<64x1000000xf32, #tpu.memory_space<hbm>> -> memref<64x128xf32, #tpu.memory_space<hbm>>
      %dma_wait3A_212 = tpu.memref_slice %arg8[%dma_wait3A_205] : memref<8x!tpu.dma_semaphore, #tpu.memory_space<semaphore_mem>> -> memref<1x!tpu.dma_semaphore, #tpu.memory_space<semaphore_mem>>
      %dma_wait3A_213 = tpu.memref_squeeze %dma_wait3A_212 : memref<1x!tpu.dma_semaphore, #tpu.memory_space<semaphore_mem>> -> memref<!tpu.dma_semaphore, #tpu.memory_space<semaphore_mem>>
      %dma_wait3A_214 = arith.constant 0 : i32
      %dma_wait3A_215 = arith.constant 0 : i32
      %dma_wait3A_216 = tpu.memref_slice %arg6[%dma_wait3A, %dma_wait3A_214, %dma_wait3A_215] : memref<8x64x128xf32, #tpu.memory_space<vmem>> -> memref<1x64x128xf32, #tpu.memory_space<vmem>>
      %dma_wait3A_217 = tpu.memref_squeeze %dma_wait3A_216 : memref<1x64x128xf32, #tpu.memory_space<vmem>> -> memref<64x128xf32, #tpu.memory_space<vmem>>
      %dma_wait3A_218 = arith.constant 0 : i32
      %dma_wait3A_219 = tpu.memref_slice %arg3[%dma_wait3A_218, %multiple_of3A_204] : memref<64x1000000xf32, #tpu.memory_space<hbm>> -> memref<64x128xf32, #tpu.memory_space<hbm>>
      tpu.wait_dma2 semaphore(%dma_wait3A_213 : memref<!tpu.dma_semaphore, #tpu.memory_space<semaphore_mem>>) src(%dma_wait3A_219 : memref<64x128xf32, #tpu.memory_space<hbm>>) dst(%dma_wait3A_217 : memref<64x128xf32, #tpu.memory_space<vmem>>)
      %and3A_220 = arith.constant 127 : i32
      %and3A_221 = arith.andi %squeeze3A_199, %and3A_220 : i32
      %broadcast_in_dim3A = vector.broadcast %and3A_221 : i32 to vector<16xi32>
      %broadcast_in_dim3A_222 = vector.broadcast %add3A_189 : i32 to vector<16xi32>
      %add3A_223 = arith.constant 0 : i32
      %add3A_224 = vector.broadcast %add3A_223 : i32 to vector<16xi32>
      %add3A_225 = arith.addi %iota3A, %add3A_224 : vector<16xi32>
      %gather3A = arith.constant 0 : i32
      %gather3A_226 = arith.constant 0 : i32
      %gather3A_227 = arith.constant 0 : i32
      %gather3A_228 = tpu.memref_slice %arg6[%gather3A, %gather3A_226, %gather3A_227] : memref<8x64x128xf32, #tpu.memory_space<vmem>> -> memref<1x64x128xf32, #tpu.memory_space<vmem>>
      %gather3A_229 = tpu.memref_squeeze %gather3A_228 : memref<1x64x128xf32, #tpu.memory_space<vmem>> -> memref<64x128xf32, #tpu.memory_space<vmem>>
      %gather3A_230 = tpu.vector_load_idx %gather3A_229[%add3A_225, %broadcast_in_dim3A] : memref<64x128xf32, #tpu.memory_space<vmem>>[vector<16xi32>, vector<16xi32>], vector<16xf32>,
      tpu.vector_store_idx %arg7[%add3A_225, %broadcast_in_dim3A_222], %gather3A_230 : memref<64x512xf32, #tpu.memory_space<vmem>>[vector<16xi32>, vector<16xi32>], vector<16xf32>,
      %add3A_231 = arith.constant 16 : i32
      %add3A_232 = vector.broadcast %add3A_231 : i32 to vector<16xi32>
      %add3A_233 = arith.addi %iota3A, %add3A_232 : vector<16xi32>
      %gather3A_234 = arith.constant 0 : i32
      %gather3A_235 = arith.constant 0 : i32
      %gather3A_236 = arith.constant 0 : i32
      %gather3A_237 = tpu.memref_slice %arg6[%gather3A_234, %gather3A_235, %gather3A_236] : memref<8x64x128xf32, #tpu.memory_space<vmem>> -> memref<1x64x128xf32, #tpu.memory_space<vmem>>
      %gather3A_238 = tpu.memref_squeeze %gather3A_237 : memref<1x64x128xf32, #tpu.memory_space<vmem>> -> memref<64x128xf32, #tpu.memory_space<vmem>>
      %gather3A_239 = tpu.vector_load_idx %gather3A_238[%add3A_233, %broadcast_in_dim3A] : memref<64x128xf32, #tpu.memory_space<vmem>>[vector<16xi32>, vector<16xi32>], vector<16xf32>,
      tpu.vector_store_idx %arg7[%add3A_233, %broadcast_in_dim3A_222], %gather3A_239 : memref<64x512xf32, #tpu.memory_space<vmem>>[vector<16xi32>, vector<16xi32>], vector<16xf32>,
      %add3A_240 = arith.constant 32 : i32
      %add3A_241 = vector.broadcast %add3A_240 : i32 to vector<16xi32>
      %add3A_242 = arith.addi %iota3A, %add3A_241 : vector<16xi32>
      %gather3A_243 = arith.constant 0 : i32
      %gather3A_244 = arith.constant 0 : i32
      %gather3A_245 = arith.constant 0 : i32
      %gather3A_246 = tpu.memref_slice %arg6[%gather3A_243, %gather3A_244, %gather3A_245] : memref<8x64x128xf32, #tpu.memory_space<vmem>> -> memref<1x64x128xf32, #tpu.memory_space<vmem>>
      %gather3A_247 = tpu.memref_squeeze %gather3A_246 : memref<1x64x128xf32, #tpu.memory_space<vmem>> -> memref<64x128xf32, #tpu.memory_space<vmem>>
      %gather3A_248 = tpu.vector_load_idx %gather3A_247[%add3A_242, %broadcast_in_dim3A] : memref<64x128xf32, #tpu.memory_space<vmem>>[vector<16xi32>, vector<16xi32>], vector<16xf32>,
      tpu.vector_store_idx %arg7[%add3A_242, %broadcast_in_dim3A_222], %gather3A_248 : memref<64x512xf32, #tpu.memory_space<vmem>>[vector<16xi32>, vector<16xi32>], vector<16xf32>,
      %add3A_249 = arith.constant 48 : i32
      %add3A_250 = vector.broadcast %add3A_249 : i32 to vector<16xi32>
      %add3A_251 = arith.addi %iota3A, %add3A_250 : vector<16xi32>
      %gather3A_252 = arith.constant 0 : i32
      %gather3A_253 = arith.constant 0 : i32
      %gather3A_254 = arith.constant 0 : i32
      %gather3A_255 = tpu.memref_slice %arg6[%gather3A_252, %gather3A_253, %gather3A_254] : memref<8x64x128xf32, #tpu.memory_space<vmem>> -> memref<1x64x128xf32, #tpu.memory_space<vmem>>
      %gather3A_256 = tpu.memref_squeeze %gather3A_255 : memref<1x64x128xf32, #tpu.memory_space<vmem>> -> memref<64x128xf32, #tpu.memory_space<vmem>>
      %gather3A_257 = tpu.vector_load_idx %gather3A_256[%add3A_251, %broadcast_in_dim3A] : memref<64x128xf32, #tpu.memory_space<vmem>>[vector<16xi32>, vector<16xi32>], vector<16xf32>,
      tpu.vector_store_idx %arg7[%add3A_251, %broadcast_in_dim3A_222], %gather3A_257 : memref<64x512xf32, #tpu.memory_space<vmem>>[vector<16xi32>, vector<16xi32>], vector<16xf32>,
      %mul3A_258 = arith.constant 16 : i32
      %mul3A_259 = arith.muli %scan3A_167, %mul3A_258 : i32
      %add3A_260 = arith.constant 1 : i32
      %add3A_261 = arith.addi %mul3A_259, %add3A_260 : i32
      %slice3A_262 = vector.extract_strided_slice %scan3A_168 {offsets = [8], sizes = [1], strides = [1]} : vector<16xi32> to vector<1xi32>
      %squeeze3A_263 = vector.extract %slice3A_262[0] : i32 from vector<1xi32>
      %add3A_264 = arith.constant 8 : i32
      %add3A_265 = arith.addi %add3A_261, %add3A_264 : i32
      %sub3A_266 = arith.constant 1 : i32
      %sub3A_267 = arith.subi %add3A_265, %sub3A_266 : i32
      %lt3A_268 = arith.constant 512 : i32
      %lt3A_269 = arith.cmpi slt, %sub3A_267, %lt3A_268 : i32
      %convert_element_type3A_270 = arith.extui %lt3A_269 : i1 to i32
      %cond3A_271 = arith.constant 0 : i32
      %cond3A_272 = arith.cmpi ne, %convert_element_type3A_270, %cond3A_271 : i32
      scf.if %cond3A_272 {
        %shift_right_arithmetic3A_1428 = arith.constant 7 : i32
        %shift_right_arithmetic3A_1429 = arith.shrsi %squeeze3A_263, %shift_right_arithmetic3A_1428 : i32
        %shift_left3A_1430 = arith.constant 7 : i32
        %shift_left3A_1431 = arith.shli %shift_right_arithmetic3A_1429, %shift_left3A_1430 : i32
        %multiple_of3A_1432 = tpu.assume_multiple %shift_left3A_1431, 128 : i32
        %dma_start3A_1433 = arith.constant 0 : i32
        %dma_start3A_1434 = arith.constant 0 : i32
        %dma_start3A_1435 = arith.constant 0 : i32
        %dma_start3A_1436 = arith.constant 0 : i32
        %dma_start3A_1437 = tpu.memref_slice %arg6[%dma_start3A_1433, %dma_start3A_1435, %dma_start3A_1436] : memref<8x64x128xf32, #tpu.memory_space<vmem>> -> memref<1x64x128xf32, #tpu.memory_space<vmem>>
        %dma_start3A_1438 = tpu.memref_squeeze %dma_start3A_1437 : memref<1x64x128xf32, #tpu.memory_space<vmem>> -> memref<64x128xf32, #tpu.memory_space<vmem>>
        %dma_start3A_1439 = arith.constant 0 : i32
        %dma_start3A_1440 = tpu.memref_slice %arg3[%dma_start3A_1439, %multiple_of3A_1432] : memref<64x1000000xf32, #tpu.memory_space<hbm>> -> memref<64x128xf32, #tpu.memory_space<hbm>>
        %dma_start3A_1441 = tpu.memref_slice %arg8[%dma_start3A_1434] : memref<8x!tpu.dma_semaphore, #tpu.memory_space<semaphore_mem>> -> memref<1x!tpu.dma_semaphore, #tpu.memory_space<semaphore_mem>>
        %dma_start3A_1442 = tpu.memref_squeeze %dma_start3A_1441 : memref<1x!tpu.dma_semaphore, #tpu.memory_space<semaphore_mem>> -> memref<!tpu.dma_semaphore, #tpu.memory_space<semaphore_mem>>
        %dma_start3A_1443 = arith.constant 0 : i32
        %dma_start3A_1444 = arith.constant 0 : i32
        %dma_start3A_1445 = tpu.memref_slice %arg6[%dma_start3A_1433, %dma_start3A_1443, %dma_start3A_1444] : memref<8x64x128xf32, #tpu.memory_space<vmem>> -> memref<1x64x128xf32, #tpu.memory_space<vmem>>
        %dma_start3A_1446 = tpu.memref_squeeze %dma_start3A_1445 : memref<1x64x128xf32, #tpu.memory_space<vmem>> -> memref<64x128xf32, #tpu.memory_space<vmem>>
        %dma_start3A_1447 = arith.constant 0 : i32
        %dma_start3A_1448 = tpu.memref_slice %arg3[%dma_start3A_1447, %multiple_of3A_1432] : memref<64x1000000xf32, #tpu.memory_space<hbm>> -> memref<64x128xf32, #tpu.memory_space<hbm>>
        tpu.enqueue_dma source(%dma_start3A_1448 : memref<64x128xf32, #tpu.memory_space<hbm>>) target(%dma_start3A_1446 : memref<64x128xf32, #tpu.memory_space<vmem>>) target_semaphore(%dma_start3A_1442 : memref<!tpu.dma_semaphore, #tpu.memory_space<semaphore_mem>>)
      } else {
      }
      %slice3A_273 = vector.extract_strided_slice %scan3A_168 {offsets = [1], sizes = [1], strides = [1]} : vector<16xi32> to vector<1xi32>
      %squeeze3A_274 = vector.extract %slice3A_273[0] : i32 from vector<1xi32>
      %shift_right_arithmetic3A_275 = arith.constant 7 : i32
      %shift_right_arithmetic3A_276 = arith.shrsi %squeeze3A_274, %shift_right_arithmetic3A_275 : i32
      %shift_left3A_277 = arith.constant 7 : i32
      %shift_left3A_278 = arith.shli %shift_right_arithmetic3A_276, %shift_left3A_277 : i32
      %multiple_of3A_279 = tpu.assume_multiple %shift_left3A_278, 128 : i32
      %dma_wait3A_280 = arith.constant 1 : i32
      %dma_wait3A_281 = arith.constant 1 : i32
      %dma_wait3A_282 = arith.constant 0 : i32
      %dma_wait3A_283 = arith.constant 0 : i32
      %dma_wait3A_284 = tpu.memref_slice %arg6[%dma_wait3A_280, %dma_wait3A_282, %dma_wait3A_283] : memref<8x64x128xf32, #tpu.memory_space<vmem>> -> memref<1x64x128xf32, #tpu.memory_space<vmem>>
      %dma_wait3A_285 = tpu.memref_squeeze %dma_wait3A_284 : memref<1x64x128xf32, #tpu.memory_space<vmem>> -> memref<64x128xf32, #tpu.memory_space<vmem>>
      %dma_wait3A_286 = arith.constant 0 : i32
      %dma_wait3A_287 = tpu.memref_slice %arg3[%dma_wait3A_286, %multiple_of3A_279] : memref<64x1000000xf32, #tpu.memory_space<hbm>> -> memref<64x128xf32, #tpu.memory_space<hbm>>
      %dma_wait3A_288 = tpu.memref_slice %arg8[%dma_wait3A_281] : memref<8x!tpu.dma_semaphore, #tpu.memory_space<semaphore_mem>> -> memref<1x!tpu.dma_semaphore, #tpu.memory_space<semaphore_mem>>
      %dma_wait3A_289 = tpu.memref_squeeze %dma_wait3A_288 : memref<1x!tpu.dma_semaphore, #tpu.memory_space<semaphore_mem>> -> memref<!tpu.dma_semaphore, #tpu.memory_space<semaphore_mem>>
      %dma_wait3A_290 = arith.constant 0 : i32
      %dma_wait3A_291 = arith.constant 0 : i32
      %dma_wait3A_292 = tpu.memref_slice %arg6[%dma_wait3A_280, %dma_wait3A_290, %dma_wait3A_291] : memref<8x64x128xf32, #tpu.memory_space<vmem>> -> memref<1x64x128xf32, #tpu.memory_space<vmem>>
      %dma_wait3A_293 = tpu.memref_squeeze %dma_wait3A_292 : memref<1x64x128xf32, #tpu.memory_space<vmem>> -> memref<64x128xf32, #tpu.memory_space<vmem>>
      %dma_wait3A_294 = arith.constant 0 : i32
      %dma_wait3A_295 = tpu.memref_slice %arg3[%dma_wait3A_294, %multiple_of3A_279] : memref<64x1000000xf32, #tpu.memory_space<hbm>> -> memref<64x128xf32, #tpu.memory_space<hbm>>
      tpu.wait_dma2 semaphore(%dma_wait3A_289 : memref<!tpu.dma_semaphore, #tpu.memory_space<semaphore_mem>>) src(%dma_wait3A_295 : memref<64x128xf32, #tpu.memory_space<hbm>>) dst(%dma_wait3A_293 : memref<64x128xf32, #tpu.memory_space<vmem>>)
      %and3A_296 = arith.constant 127 : i32
      %and3A_297 = arith.andi %squeeze3A_274, %and3A_296 : i32
      %broadcast_in_dim3A_298 = vector.broadcast %and3A_297 : i32 to vector<16xi32>
      %broadcast_in_dim3A_299 = vector.broadcast %add3A_261 : i32 to vector<16xi32>
      %add3A_300 = arith.constant 0 : i32
      %add3A_301 = vector.broadcast %add3A_300 : i32 to vector<16xi32>
      %add3A_302 = arith.addi %iota3A, %add3A_301 : vector<16xi32>
      %gather3A_303 = arith.constant 1 : i32
      %gather3A_304 = arith.constant 0 : i32
      %gather3A_305 = arith.constant 0 : i32
      %gather3A_306 = tpu.memref_slice %arg6[%gather3A_303, %gather3A_304, %gather3A_305] : memref<8x64x128xf32, #tpu.memory_space<vmem>> -> memref<1x64x128xf32, #tpu.memory_space<vmem>>
      %gather3A_307 = tpu.memref_squeeze %gather3A_306 : memref<1x64x128xf32, #tpu.memory_space<vmem>> -> memref<64x128xf32, #tpu.memory_space<vmem>>
      %gather3A_308 = tpu.vector_load_idx %gather3A_307[%add3A_302, %broadcast_in_dim3A_298] : memref<64x128xf32, #tpu.memory_space<vmem>>[vector<16xi32>, vector<16xi32>], vector<16xf32>,
      tpu.vector_store_idx %arg7[%add3A_302, %broadcast_in_dim3A_299], %gather3A_308 : memref<64x512xf32, #tpu.memory_space<vmem>>[vector<16xi32>, vector<16xi32>], vector<16xf32>,
      %add3A_309 = arith.constant 16 : i32
      %add3A_310 = vector.broadcast %add3A_309 : i32 to vector<16xi32>
      %add3A_311 = arith.addi %iota3A, %add3A_310 : vector<16xi32>
      %gather3A_312 = arith.constant 1 : i32
      %gather3A_313 = arith.constant 0 : i32
      %gather3A_314 = arith.constant 0 : i32
      %gather3A_315 = tpu.memref_slice %arg6[%gather3A_312, %gather3A_313, %gather3A_314] : memref<8x64x128xf32, #tpu.memory_space<vmem>> -> memref<1x64x128xf32, #tpu.memory_space<vmem>>
      %gather3A_316 = tpu.memref_squeeze %gather3A_315 : memref<1x64x128xf32, #tpu.memory_space<vmem>> -> memref<64x128xf32, #tpu.memory_space<vmem>>
      %gather3A_317 = tpu.vector_load_idx %gather3A_316[%add3A_311, %broadcast_in_dim3A_298] : memref<64x128xf32, #tpu.memory_space<vmem>>[vector<16xi32>, vector<16xi32>], vector<16xf32>,
      tpu.vector_store_idx %arg7[%add3A_311, %broadcast_in_dim3A_299], %gather3A_317 : memref<64x512xf32, #tpu.memory_space<vmem>>[vector<16xi32>, vector<16xi32>], vector<16xf32>,
      %add3A_318 = arith.constant 32 : i32
      %add3A_319 = vector.broadcast %add3A_318 : i32 to vector<16xi32>
      %add3A_320 = arith.addi %iota3A, %add3A_319 : vector<16xi32>
      %gather3A_321 = arith.constant 1 : i32
      %gather3A_322 = arith.constant 0 : i32
      %gather3A_323 = arith.constant 0 : i32
      %gather3A_324 = tpu.memref_slice %arg6[%gather3A_321, %gather3A_322, %gather3A_323] : memref<8x64x128xf32, #tpu.memory_space<vmem>> -> memref<1x64x128xf32, #tpu.memory_space<vmem>>
      %gather3A_325 = tpu.memref_squeeze %gather3A_324 : memref<1x64x128xf32, #tpu.memory_space<vmem>> -> memref<64x128xf32, #tpu.memory_space<vmem>>
      %gather3A_326 = tpu.vector_load_idx %gather3A_325[%add3A_320, %broadcast_in_dim3A_298] : memref<64x128xf32, #tpu.memory_space<vmem>>[vector<16xi32>, vector<16xi32>], vector<16xf32>,
      tpu.vector_store_idx %arg7[%add3A_320, %broadcast_in_dim3A_299], %gather3A_326 : memref<64x512xf32, #tpu.memory_space<vmem>>[vector<16xi32>, vector<16xi32>], vector<16xf32>,
      %add3A_327 = arith.constant 48 : i32
      %add3A_328 = vector.broadcast %add3A_327 : i32 to vector<16xi32>
      %add3A_329 = arith.addi %iota3A, %add3A_328 : vector<16xi32>
      %gather3A_330 = arith.constant 1 : i32
      %gather3A_331 = arith.constant 0 : i32
      %gather3A_332 = arith.constant 0 : i32
      %gather3A_333 = tpu.memref_slice %arg6[%gather3A_330, %gather3A_331, %gather3A_332] : memref<8x64x128xf32, #tpu.memory_space<vmem>> -> memref<1x64x128xf32, #tpu.memory_space<vmem>>
      %gather3A_334 = tpu.memref_squeeze %gather3A_333 : memref<1x64x128xf32, #tpu.memory_space<vmem>> -> memref<64x128xf32, #tpu.memory_space<vmem>>
      %gather3A_335 = tpu.vector_load_idx %gather3A_334[%add3A_329, %broadcast_in_dim3A_298] : memref<64x128xf32, #tpu.memory_space<vmem>>[vector<16xi32>, vector<16xi32>], vector<16xf32>,
      tpu.vector_store_idx %arg7[%add3A_329, %broadcast_in_dim3A_299], %gather3A_335 : memref<64x512xf32, #tpu.memory_space<vmem>>[vector<16xi32>, vector<16xi32>], vector<16xf32>,
      %mul3A_336 = arith.constant 16 : i32
      %mul3A_337 = arith.muli %scan3A_167, %mul3A_336 : i32
      %add3A_338 = arith.constant 2 : i32
      %add3A_339 = arith.addi %mul3A_337, %add3A_338 : i32
      %slice3A_340 = vector.extract_strided_slice %scan3A_168 {offsets = [9], sizes = [1], strides = [1]} : vector<16xi32> to vector<1xi32>
      %squeeze3A_341 = vector.extract %slice3A_340[0] : i32 from vector<1xi32>
      %add3A_342 = arith.constant 8 : i32
      %add3A_343 = arith.addi %add3A_339, %add3A_342 : i32
      %sub3A_344 = arith.constant 1 : i32
      %sub3A_345 = arith.subi %add3A_343, %sub3A_344 : i32
      %lt3A_346 = arith.constant 512 : i32
      %lt3A_347 = arith.cmpi slt, %sub3A_345, %lt3A_346 : i32
      %convert_element_type3A_348 = arith.extui %lt3A_347 : i1 to i32
      %cond3A_349 = arith.constant 0 : i32
      %cond3A_350 = arith.cmpi ne, %convert_element_type3A_348, %cond3A_349 : i32
      scf.if %cond3A_350 {
        %shift_right_arithmetic3A_1428 = arith.constant 7 : i32
        %shift_right_arithmetic3A_1429 = arith.shrsi %squeeze3A_341, %shift_right_arithmetic3A_1428 : i32
        %shift_left3A_1430 = arith.constant 7 : i32
        %shift_left3A_1431 = arith.shli %shift_right_arithmetic3A_1429, %shift_left3A_1430 : i32
        %multiple_of3A_1432 = tpu.assume_multiple %shift_left3A_1431, 128 : i32
        %dma_start3A_1433 = arith.constant 1 : i32
        %dma_start3A_1434 = arith.constant 1 : i32
        %dma_start3A_1435 = arith.constant 0 : i32
        %dma_start3A_1436 = arith.constant 0 : i32
        %dma_start3A_1437 = tpu.memref_slice %arg6[%dma_start3A_1433, %dma_start3A_1435, %dma_start3A_1436] : memref<8x64x128xf32, #tpu.memory_space<vmem>> -> memref<1x64x128xf32, #tpu.memory_space<vmem>>
        %dma_start3A_1438 = tpu.memref_squeeze %dma_start3A_1437 : memref<1x64x128xf32, #tpu.memory_space<vmem>> -> memref<64x128xf32, #tpu.memory_space<vmem>>
        %dma_start3A_1439 = arith.constant 0 : i32
        %dma_start3A_1440 = tpu.memref_slice %arg3[%dma_start3A_1439, %multiple_of3A_1432] : memref<64x1000000xf32, #tpu.memory_space<hbm>> -> memref<64x128xf32, #tpu.memory_space<hbm>>
        %dma_start3A_1441 = tpu.memref_slice %arg8[%dma_start3A_1434] : memref<8x!tpu.dma_semaphore, #tpu.memory_space<semaphore_mem>> -> memref<1x!tpu.dma_semaphore, #tpu.memory_space<semaphore_mem>>
        %dma_start3A_1442 = tpu.memref_squeeze %dma_start3A_1441 : memref<1x!tpu.dma_semaphore, #tpu.memory_space<semaphore_mem>> -> memref<!tpu.dma_semaphore, #tpu.memory_space<semaphore_mem>>
        %dma_start3A_1443 = arith.constant 0 : i32
        %dma_start3A_1444 = arith.constant 0 : i32
        %dma_start3A_1445 = tpu.memref_slice %arg6[%dma_start3A_1433, %dma_start3A_1443, %dma_start3A_1444] : memref<8x64x128xf32, #tpu.memory_space<vmem>> -> memref<1x64x128xf32, #tpu.memory_space<vmem>>
        %dma_start3A_1446 = tpu.memref_squeeze %dma_start3A_1445 : memref<1x64x128xf32, #tpu.memory_space<vmem>> -> memref<64x128xf32, #tpu.memory_space<vmem>>
        %dma_start3A_1447 = arith.constant 0 : i32
        %dma_start3A_1448 = tpu.memref_slice %arg3[%dma_start3A_1447, %multiple_of3A_1432] : memref<64x1000000xf32, #tpu.memory_space<hbm>> -> memref<64x128xf32, #tpu.memory_space<hbm>>
        tpu.enqueue_dma source(%dma_start3A_1448 : memref<64x128xf32, #tpu.memory_space<hbm>>) target(%dma_start3A_1446 : memref<64x128xf32, #tpu.memory_space<vmem>>) target_semaphore(%dma_start3A_1442 : memref<!tpu.dma_semaphore, #tpu.memory_space<semaphore_mem>>)
      } else {
      }
      %slice3A_351 = vector.extract_strided_slice %scan3A_168 {offsets = [2], sizes = [1], strides = [1]} : vector<16xi32> to vector<1xi32>
      %squeeze3A_352 = vector.extract %slice3A_351[0] : i32 from vector<1xi32>
      %shift_right_arithmetic3A_353 = arith.constant 7 : i32
      %shift_right_arithmetic3A_354 = arith.shrsi %squeeze3A_352, %shift_right_arithmetic3A_353 : i32
      %shift_left3A_355 = arith.constant 7 : i32
      %shift_left3A_356 = arith.shli %shift_right_arithmetic3A_354, %shift_left3A_355 : i32
      %multiple_of3A_357 = tpu.assume_multiple %shift_left3A_356, 128 : i32
      %dma_wait3A_358 = arith.constant 2 : i32
      %dma_wait3A_359 = arith.constant 2 : i32
      %dma_wait3A_360 = arith.constant 0 : i32
      %dma_wait3A_361 = arith.constant 0 : i32
      %dma_wait3A_362 = tpu.memref_slice %arg6[%dma_wait3A_358, %dma_wait3A_360, %dma_wait3A_361] : memref<8x64x128xf32, #tpu.memory_space<vmem>> -> memref<1x64x128xf32, #tpu.memory_space<vmem>>
      %dma_wait3A_363 = tpu.memref_squeeze %dma_wait3A_362 : memref<1x64x128xf32, #tpu.memory_space<vmem>> -> memref<64x128xf32, #tpu.memory_space<vmem>>
      %dma_wait3A_364 = arith.constant 0 : i32
      %dma_wait3A_365 = tpu.memref_slice %arg3[%dma_wait3A_364, %multiple_of3A_357] : memref<64x1000000xf32, #tpu.memory_space<hbm>> -> memref<64x128xf32, #tpu.memory_space<hbm>>
      %dma_wait3A_366 = tpu.memref_slice %arg8[%dma_wait3A_359] : memref<8x!tpu.dma_semaphore, #tpu.memory_space<semaphore_mem>> -> memref<1x!tpu.dma_semaphore, #tpu.memory_space<semaphore_mem>>
      %dma_wait3A_367 = tpu.memref_squeeze %dma_wait3A_366 : memref<1x!tpu.dma_semaphore, #tpu.memory_space<semaphore_mem>> -> memref<!tpu.dma_semaphore, #tpu.memory_space<semaphore_mem>>
      %dma_wait3A_368 = arith.constant 0 : i32
      %dma_wait3A_369 = arith.constant 0 : i32
      %dma_wait3A_370 = tpu.memref_slice %arg6[%dma_wait3A_358, %dma_wait3A_368, %dma_wait3A_369] : memref<8x64x128xf32, #tpu.memory_space<vmem>> -> memref<1x64x128xf32, #tpu.memory_space<vmem>>
      %dma_wait3A_371 = tpu.memref_squeeze %dma_wait3A_370 : memref<1x64x128xf32, #tpu.memory_space<vmem>> -> memref<64x128xf32, #tpu.memory_space<vmem>>
      %dma_wait3A_372 = arith.constant 0 : i32
      %dma_wait3A_373 = tpu.memref_slice %arg3[%dma_wait3A_372, %multiple_of3A_357] : memref<64x1000000xf32, #tpu.memory_space<hbm>> -> memref<64x128xf32, #tpu.memory_space<hbm>>
      tpu.wait_dma2 semaphore(%dma_wait3A_367 : memref<!tpu.dma_semaphore, #tpu.memory_space<semaphore_mem>>) src(%dma_wait3A_373 : memref<64x128xf32, #tpu.memory_space<hbm>>) dst(%dma_wait3A_371 : memref<64x128xf32, #tpu.memory_space<vmem>>)
      %and3A_374 = arith.constant 127 : i32
      %and3A_375 = arith.andi %squeeze3A_352, %and3A_374 : i32
      %broadcast_in_dim3A_376 = vector.broadcast %and3A_375 : i32 to vector<16xi32>
      %broadcast_in_dim3A_377 = vector.broadcast %add3A_339 : i32 to vector<16xi32>
      %add3A_378 = arith.constant 0 : i32
      %add3A_379 = vector.broadcast %add3A_378 : i32 to vector<16xi32>
      %add3A_380 = arith.addi %iota3A, %add3A_379 : vector<16xi32>
      %gather3A_381 = arith.constant 2 : i32
      %gather3A_382 = arith.constant 0 : i32
      %gather3A_383 = arith.constant 0 : i32
      %gather3A_384 = tpu.memref_slice %arg6[%gather3A_381, %gather3A_382, %gather3A_383] : memref<8x64x128xf32, #tpu.memory_space<vmem>> -> memref<1x64x128xf32, #tpu.memory_space<vmem>>
      %gather3A_385 = tpu.memref_squeeze %gather3A_384 : memref<1x64x128xf32, #tpu.memory_space<vmem>> -> memref<64x128xf32, #tpu.memory_space<vmem>>
      %gather3A_386 = tpu.vector_load_idx %gather3A_385[%add3A_380, %broadcast_in_dim3A_376] : memref<64x128xf32, #tpu.memory_space<vmem>>[vector<16xi32>, vector<16xi32>], vector<16xf32>,
      tpu.vector_store_idx %arg7[%add3A_380, %broadcast_in_dim3A_377], %gather3A_386 : memref<64x512xf32, #tpu.memory_space<vmem>>[vector<16xi32>, vector<16xi32>], vector<16xf32>,
      %add3A_387 = arith.constant 16 : i32
      %add3A_388 = vector.broadcast %add3A_387 : i32 to vector<16xi32>
      %add3A_389 = arith.addi %iota3A, %add3A_388 : vector<16xi32>
      %gather3A_390 = arith.constant 2 : i32
      %gather3A_391 = arith.constant 0 : i32
      %gather3A_392 = arith.constant 0 : i32
      %gather3A_393 = tpu.memref_slice %arg6[%gather3A_390, %gather3A_391, %gather3A_392] : memref<8x64x128xf32, #tpu.memory_space<vmem>> -> memref<1x64x128xf32, #tpu.memory_space<vmem>>
      %gather3A_394 = tpu.memref_squeeze %gather3A_393 : memref<1x64x128xf32, #tpu.memory_space<vmem>> -> memref<64x128xf32, #tpu.memory_space<vmem>>
      %gather3A_395 = tpu.vector_load_idx %gather3A_394[%add3A_389, %broadcast_in_dim3A_376] : memref<64x128xf32, #tpu.memory_space<vmem>>[vector<16xi32>, vector<16xi32>], vector<16xf32>,
      tpu.vector_store_idx %arg7[%add3A_389, %broadcast_in_dim3A_377], %gather3A_395 : memref<64x512xf32, #tpu.memory_space<vmem>>[vector<16xi32>, vector<16xi32>], vector<16xf32>,
      %add3A_396 = arith.constant 32 : i32
      %add3A_397 = vector.broadcast %add3A_396 : i32 to vector<16xi32>
      %add3A_398 = arith.addi %iota3A, %add3A_397 : vector<16xi32>
      %gather3A_399 = arith.constant 2 : i32
      %gather3A_400 = arith.constant 0 : i32
      %gather3A_401 = arith.constant 0 : i32
      %gather3A_402 = tpu.memref_slice %arg6[%gather3A_399, %gather3A_400, %gather3A_401] : memref<8x64x128xf32, #tpu.memory_space<vmem>> -> memref<1x64x128xf32, #tpu.memory_space<vmem>>
      %gather3A_403 = tpu.memref_squeeze %gather3A_402 : memref<1x64x128xf32, #tpu.memory_space<vmem>> -> memref<64x128xf32, #tpu.memory_space<vmem>>
      %gather3A_404 = tpu.vector_load_idx %gather3A_403[%add3A_398, %broadcast_in_dim3A_376] : memref<64x128xf32, #tpu.memory_space<vmem>>[vector<16xi32>, vector<16xi32>], vector<16xf32>,
      tpu.vector_store_idx %arg7[%add3A_398, %broadcast_in_dim3A_377], %gather3A_404 : memref<64x512xf32, #tpu.memory_space<vmem>>[vector<16xi32>, vector<16xi32>], vector<16xf32>,
      %add3A_405 = arith.constant 48 : i32
      %add3A_406 = vector.broadcast %add3A_405 : i32 to vector<16xi32>
      %add3A_407 = arith.addi %iota3A, %add3A_406 : vector<16xi32>
      %gather3A_408 = arith.constant 2 : i32
      %gather3A_409 = arith.constant 0 : i32
      %gather3A_410 = arith.constant 0 : i32
      %gather3A_411 = tpu.memref_slice %arg6[%gather3A_408, %gather3A_409, %gather3A_410] : memref<8x64x128xf32, #tpu.memory_space<vmem>> -> memref<1x64x128xf32, #tpu.memory_space<vmem>>
      %gather3A_412 = tpu.memref_squeeze %gather3A_411 : memref<1x64x128xf32, #tpu.memory_space<vmem>> -> memref<64x128xf32, #tpu.memory_space<vmem>>
      %gather3A_413 = tpu.vector_load_idx %gather3A_412[%add3A_407, %broadcast_in_dim3A_376] : memref<64x128xf32, #tpu.memory_space<vmem>>[vector<16xi32>, vector<16xi32>], vector<16xf32>,
      tpu.vector_store_idx %arg7[%add3A_407, %broadcast_in_dim3A_377], %gather3A_413 : memref<64x512xf32, #tpu.memory_space<vmem>>[vector<16xi32>, vector<16xi32>], vector<16xf32>,
      %mul3A_414 = arith.constant 16 : i32
      %mul3A_415 = arith.muli %scan3A_167, %mul3A_414 : i32
      %add3A_416 = arith.constant 3 : i32
      %add3A_417 = arith.addi %mul3A_415, %add3A_416 : i32
      %slice3A_418 = vector.extract_strided_slice %scan3A_168 {offsets = [10], sizes = [1], strides = [1]} : vector<16xi32> to vector<1xi32>
      %squeeze3A_419 = vector.extract %slice3A_418[0] : i32 from vector<1xi32>
      %add3A_420 = arith.constant 8 : i32
      %add3A_421 = arith.addi %add3A_417, %add3A_420 : i32
      %sub3A_422 = arith.constant 1 : i32
      %sub3A_423 = arith.subi %add3A_421, %sub3A_422 : i32
      %lt3A_424 = arith.constant 512 : i32
      %lt3A_425 = arith.cmpi slt, %sub3A_423, %lt3A_424 : i32
      %convert_element_type3A_426 = arith.extui %lt3A_425 : i1 to i32
      %cond3A_427 = arith.constant 0 : i32
      %cond3A_428 = arith.cmpi ne, %convert_element_type3A_426, %cond3A_427 : i32
      scf.if %cond3A_428 {
        %shift_right_arithmetic3A_1428 = arith.constant 7 : i32
        %shift_right_arithmetic3A_1429 = arith.shrsi %squeeze3A_419, %shift_right_arithmetic3A_1428 : i32
        %shift_left3A_1430 = arith.constant 7 : i32
        %shift_left3A_1431 = arith.shli %shift_right_arithmetic3A_1429, %shift_left3A_1430 : i32
        %multiple_of3A_1432 = tpu.assume_multiple %shift_left3A_1431, 128 : i32
        %dma_start3A_1433 = arith.constant 2 : i32
        %dma_start3A_1434 = arith.constant 2 : i32
        %dma_start3A_1435 = arith.constant 0 : i32
        %dma_start3A_1436 = arith.constant 0 : i32
        %dma_start3A_1437 = tpu.memref_slice %arg6[%dma_start3A_1433, %dma_start3A_1435, %dma_start3A_1436] : memref<8x64x128xf32, #tpu.memory_space<vmem>> -> memref<1x64x128xf32, #tpu.memory_space<vmem>>
        %dma_start3A_1438 = tpu.memref_squeeze %dma_start3A_1437 : memref<1x64x128xf32, #tpu.memory_space<vmem>> -> memref<64x128xf32, #tpu.memory_space<vmem>>
        %dma_start3A_1439 = arith.constant 0 : i32
        %dma_start3A_1440 = tpu.memref_slice %arg3[%dma_start3A_1439, %multiple_of3A_1432] : memref<64x1000000xf32, #tpu.memory_space<hbm>> -> memref<64x128xf32, #tpu.memory_space<hbm>>
        %dma_start3A_1441 = tpu.memref_slice %arg8[%dma_start3A_1434] : memref<8x!tpu.dma_semaphore, #tpu.memory_space<semaphore_mem>> -> memref<1x!tpu.dma_semaphore, #tpu.memory_space<semaphore_mem>>
        %dma_start3A_1442 = tpu.memref_squeeze %dma_start3A_1441 : memref<1x!tpu.dma_semaphore, #tpu.memory_space<semaphore_mem>> -> memref<!tpu.dma_semaphore, #tpu.memory_space<semaphore_mem>>
        %dma_start3A_1443 = arith.constant 0 : i32
        %dma_start3A_1444 = arith.constant 0 : i32
        %dma_start3A_1445 = tpu.memref_slice %arg6[%dma_start3A_1433, %dma_start3A_1443, %dma_start3A_1444] : memref<8x64x128xf32, #tpu.memory_space<vmem>> -> memref<1x64x128xf32, #tpu.memory_space<vmem>>
        %dma_start3A_1446 = tpu.memref_squeeze %dma_start3A_1445 : memref<1x64x128xf32, #tpu.memory_space<vmem>> -> memref<64x128xf32, #tpu.memory_space<vmem>>
        %dma_start3A_1447 = arith.constant 0 : i32
        %dma_start3A_1448 = tpu.memref_slice %arg3[%dma_start3A_1447, %multiple_of3A_1432] : memref<64x1000000xf32, #tpu.memory_space<hbm>> -> memref<64x128xf32, #tpu.memory_space<hbm>>
        tpu.enqueue_dma source(%dma_start3A_1448 : memref<64x128xf32, #tpu.memory_space<hbm>>) target(%dma_start3A_1446 : memref<64x128xf32, #tpu.memory_space<vmem>>) target_semaphore(%dma_start3A_1442 : memref<!tpu.dma_semaphore, #tpu.memory_space<semaphore_mem>>)
      } else {
      }
      %slice3A_429 = vector.extract_strided_slice %scan3A_168 {offsets = [3], sizes = [1], strides = [1]} : vector<16xi32> to vector<1xi32>
      %squeeze3A_430 = vector.extract %slice3A_429[0] : i32 from vector<1xi32>
      %shift_right_arithmetic3A_431 = arith.constant 7 : i32
      %shift_right_arithmetic3A_432 = arith.shrsi %squeeze3A_430, %shift_right_arithmetic3A_431 : i32
      %shift_left3A_433 = arith.constant 7 : i32
      %shift_left3A_434 = arith.shli %shift_right_arithmetic3A_432, %shift_left3A_433 : i32
      %multiple_of3A_435 = tpu.assume_multiple %shift_left3A_434, 128 : i32
      %dma_wait3A_436 = arith.constant 3 : i32
      %dma_wait3A_437 = arith.constant 3 : i32
      %dma_wait3A_438 = arith.constant 0 : i32
      %dma_wait3A_439 = arith.constant 0 : i32
      %dma_wait3A_440 = tpu.memref_slice %arg6[%dma_wait3A_436, %dma_wait3A_438, %dma_wait3A_439] : memref<8x64x128xf32, #tpu.memory_space<vmem>> -> memref<1x64x128xf32, #tpu.memory_space<vmem>>
      %dma_wait3A_441 = tpu.memref_squeeze %dma_wait3A_440 : memref<1x64x128xf32, #tpu.memory_space<vmem>> -> memref<64x128xf32, #tpu.memory_space<vmem>>
      %dma_wait3A_442 = arith.constant 0 : i32
      %dma_wait3A_443 = tpu.memref_slice %arg3[%dma_wait3A_442, %multiple_of3A_435] : memref<64x1000000xf32, #tpu.memory_space<hbm>> -> memref<64x128xf32, #tpu.memory_space<hbm>>
      %dma_wait3A_444 = tpu.memref_slice %arg8[%dma_wait3A_437] : memref<8x!tpu.dma_semaphore, #tpu.memory_space<semaphore_mem>> -> memref<1x!tpu.dma_semaphore, #tpu.memory_space<semaphore_mem>>
      %dma_wait3A_445 = tpu.memref_squeeze %dma_wait3A_444 : memref<1x!tpu.dma_semaphore, #tpu.memory_space<semaphore_mem>> -> memref<!tpu.dma_semaphore, #tpu.memory_space<semaphore_mem>>
      %dma_wait3A_446 = arith.constant 0 : i32
      %dma_wait3A_447 = arith.constant 0 : i32
      %dma_wait3A_448 = tpu.memref_slice %arg6[%dma_wait3A_436, %dma_wait3A_446, %dma_wait3A_447] : memref<8x64x128xf32, #tpu.memory_space<vmem>> -> memref<1x64x128xf32, #tpu.memory_space<vmem>>
      %dma_wait3A_449 = tpu.memref_squeeze %dma_wait3A_448 : memref<1x64x128xf32, #tpu.memory_space<vmem>> -> memref<64x128xf32, #tpu.memory_space<vmem>>
      %dma_wait3A_450 = arith.constant 0 : i32
      %dma_wait3A_451 = tpu.memref_slice %arg3[%dma_wait3A_450, %multiple_of3A_435] : memref<64x1000000xf32, #tpu.memory_space<hbm>> -> memref<64x128xf32, #tpu.memory_space<hbm>>
      tpu.wait_dma2 semaphore(%dma_wait3A_445 : memref<!tpu.dma_semaphore, #tpu.memory_space<semaphore_mem>>) src(%dma_wait3A_451 : memref<64x128xf32, #tpu.memory_space<hbm>>) dst(%dma_wait3A_449 : memref<64x128xf32, #tpu.memory_space<vmem>>)
      %and3A_452 = arith.constant 127 : i32
      %and3A_453 = arith.andi %squeeze3A_430, %and3A_452 : i32
      %broadcast_in_dim3A_454 = vector.broadcast %and3A_453 : i32 to vector<16xi32>
      %broadcast_in_dim3A_455 = vector.broadcast %add3A_417 : i32 to vector<16xi32>
      %add3A_456 = arith.constant 0 : i32
      %add3A_457 = vector.broadcast %add3A_456 : i32 to vector<16xi32>
      %add3A_458 = arith.addi %iota3A, %add3A_457 : vector<16xi32>
      %gather3A_459 = arith.constant 3 : i32
      %gather3A_460 = arith.constant 0 : i32
      %gather3A_461 = arith.constant 0 : i32
      %gather3A_462 = tpu.memref_slice %arg6[%gather3A_459, %gather3A_460, %gather3A_461] : memref<8x64x128xf32, #tpu.memory_space<vmem>> -> memref<1x64x128xf32, #tpu.memory_space<vmem>>
      %gather3A_463 = tpu.memref_squeeze %gather3A_462 : memref<1x64x128xf32, #tpu.memory_space<vmem>> -> memref<64x128xf32, #tpu.memory_space<vmem>>
      %gather3A_464 = tpu.vector_load_idx %gather3A_463[%add3A_458, %broadcast_in_dim3A_454] : memref<64x128xf32, #tpu.memory_space<vmem>>[vector<16xi32>, vector<16xi32>], vector<16xf32>,
      tpu.vector_store_idx %arg7[%add3A_458, %broadcast_in_dim3A_455], %gather3A_464 : memref<64x512xf32, #tpu.memory_space<vmem>>[vector<16xi32>, vector<16xi32>], vector<16xf32>,
      %add3A_465 = arith.constant 16 : i32
      %add3A_466 = vector.broadcast %add3A_465 : i32 to vector<16xi32>
      %add3A_467 = arith.addi %iota3A, %add3A_466 : vector<16xi32>
      %gather3A_468 = arith.constant 3 : i32
      %gather3A_469 = arith.constant 0 : i32
      %gather3A_470 = arith.constant 0 : i32
      %gather3A_471 = tpu.memref_slice %arg6[%gather3A_468, %gather3A_469, %gather3A_470] : memref<8x64x128xf32, #tpu.memory_space<vmem>> -> memref<1x64x128xf32, #tpu.memory_space<vmem>>
      %gather3A_472 = tpu.memref_squeeze %gather3A_471 : memref<1x64x128xf32, #tpu.memory_space<vmem>> -> memref<64x128xf32, #tpu.memory_space<vmem>>
      %gather3A_473 = tpu.vector_load_idx %gather3A_472[%add3A_467, %broadcast_in_dim3A_454] : memref<64x128xf32, #tpu.memory_space<vmem>>[vector<16xi32>, vector<16xi32>], vector<16xf32>,
      tpu.vector_store_idx %arg7[%add3A_467, %broadcast_in_dim3A_455], %gather3A_473 : memref<64x512xf32, #tpu.memory_space<vmem>>[vector<16xi32>, vector<16xi32>], vector<16xf32>,
      %add3A_474 = arith.constant 32 : i32
      %add3A_475 = vector.broadcast %add3A_474 : i32 to vector<16xi32>
      %add3A_476 = arith.addi %iota3A, %add3A_475 : vector<16xi32>
      %gather3A_477 = arith.constant 3 : i32
      %gather3A_478 = arith.constant 0 : i32
      %gather3A_479 = arith.constant 0 : i32
      %gather3A_480 = tpu.memref_slice %arg6[%gather3A_477, %gather3A_478, %gather3A_479] : memref<8x64x128xf32, #tpu.memory_space<vmem>> -> memref<1x64x128xf32, #tpu.memory_space<vmem>>
      %gather3A_481 = tpu.memref_squeeze %gather3A_480 : memref<1x64x128xf32, #tpu.memory_space<vmem>> -> memref<64x128xf32, #tpu.memory_space<vmem>>
      %gather3A_482 = tpu.vector_load_idx %gather3A_481[%add3A_476, %broadcast_in_dim3A_454] : memref<64x128xf32, #tpu.memory_space<vmem>>[vector<16xi32>, vector<16xi32>], vector<16xf32>,
      tpu.vector_store_idx %arg7[%add3A_476, %broadcast_in_dim3A_455], %gather3A_482 : memref<64x512xf32, #tpu.memory_space<vmem>>[vector<16xi32>, vector<16xi32>], vector<16xf32>,
      %add3A_483 = arith.constant 48 : i32
      %add3A_484 = vector.broadcast %add3A_483 : i32 to vector<16xi32>
      %add3A_485 = arith.addi %iota3A, %add3A_484 : vector<16xi32>
      %gather3A_486 = arith.constant 3 : i32
      %gather3A_487 = arith.constant 0 : i32
      %gather3A_488 = arith.constant 0 : i32
      %gather3A_489 = tpu.memref_slice %arg6[%gather3A_486, %gather3A_487, %gather3A_488] : memref<8x64x128xf32, #tpu.memory_space<vmem>> -> memref<1x64x128xf32, #tpu.memory_space<vmem>>
      %gather3A_490 = tpu.memref_squeeze %gather3A_489 : memref<1x64x128xf32, #tpu.memory_space<vmem>> -> memref<64x128xf32, #tpu.memory_space<vmem>>
      %gather3A_491 = tpu.vector_load_idx %gather3A_490[%add3A_485, %broadcast_in_dim3A_454] : memref<64x128xf32, #tpu.memory_space<vmem>>[vector<16xi32>, vector<16xi32>], vector<16xf32>,
      tpu.vector_store_idx %arg7[%add3A_485, %broadcast_in_dim3A_455], %gather3A_491 : memref<64x512xf32, #tpu.memory_space<vmem>>[vector<16xi32>, vector<16xi32>], vector<16xf32>,
      %mul3A_492 = arith.constant 16 : i32
      %mul3A_493 = arith.muli %scan3A_167, %mul3A_492 : i32
      %add3A_494 = arith.constant 4 : i32
      %add3A_495 = arith.addi %mul3A_493, %add3A_494 : i32
      %slice3A_496 = vector.extract_strided_slice %scan3A_168 {offsets = [11], sizes = [1], strides = [1]} : vector<16xi32> to vector<1xi32>
      %squeeze3A_497 = vector.extract %slice3A_496[0] : i32 from vector<1xi32>
      %add3A_498 = arith.constant 8 : i32
      %add3A_499 = arith.addi %add3A_495, %add3A_498 : i32
      %sub3A_500 = arith.constant 1 : i32
      %sub3A_501 = arith.subi %add3A_499, %sub3A_500 : i32
      %lt3A_502 = arith.constant 512 : i32
      %lt3A_503 = arith.cmpi slt, %sub3A_501, %lt3A_502 : i32
      %convert_element_type3A_504 = arith.extui %lt3A_503 : i1 to i32
      %cond3A_505 = arith.constant 0 : i32
      %cond3A_506 = arith.cmpi ne, %convert_element_type3A_504, %cond3A_505 : i32
      scf.if %cond3A_506 {
        %shift_right_arithmetic3A_1428 = arith.constant 7 : i32
        %shift_right_arithmetic3A_1429 = arith.shrsi %squeeze3A_497, %shift_right_arithmetic3A_1428 : i32
        %shift_left3A_1430 = arith.constant 7 : i32
        %shift_left3A_1431 = arith.shli %shift_right_arithmetic3A_1429, %shift_left3A_1430 : i32
        %multiple_of3A_1432 = tpu.assume_multiple %shift_left3A_1431, 128 : i32
        %dma_start3A_1433 = arith.constant 3 : i32
        %dma_start3A_1434 = arith.constant 3 : i32
        %dma_start3A_1435 = arith.constant 0 : i32
        %dma_start3A_1436 = arith.constant 0 : i32
        %dma_start3A_1437 = tpu.memref_slice %arg6[%dma_start3A_1433, %dma_start3A_1435, %dma_start3A_1436] : memref<8x64x128xf32, #tpu.memory_space<vmem>> -> memref<1x64x128xf32, #tpu.memory_space<vmem>>
        %dma_start3A_1438 = tpu.memref_squeeze %dma_start3A_1437 : memref<1x64x128xf32, #tpu.memory_space<vmem>> -> memref<64x128xf32, #tpu.memory_space<vmem>>
        %dma_start3A_1439 = arith.constant 0 : i32
        %dma_start3A_1440 = tpu.memref_slice %arg3[%dma_start3A_1439, %multiple_of3A_1432] : memref<64x1000000xf32, #tpu.memory_space<hbm>> -> memref<64x128xf32, #tpu.memory_space<hbm>>
        %dma_start3A_1441 = tpu.memref_slice %arg8[%dma_start3A_1434] : memref<8x!tpu.dma_semaphore, #tpu.memory_space<semaphore_mem>> -> memref<1x!tpu.dma_semaphore, #tpu.memory_space<semaphore_mem>>
        %dma_start3A_1442 = tpu.memref_squeeze %dma_start3A_1441 : memref<1x!tpu.dma_semaphore, #tpu.memory_space<semaphore_mem>> -> memref<!tpu.dma_semaphore, #tpu.memory_space<semaphore_mem>>
        %dma_start3A_1443 = arith.constant 0 : i32
        %dma_start3A_1444 = arith.constant 0 : i32
        %dma_start3A_1445 = tpu.memref_slice %arg6[%dma_start3A_1433, %dma_start3A_1443, %dma_start3A_1444] : memref<8x64x128xf32, #tpu.memory_space<vmem>> -> memref<1x64x128xf32, #tpu.memory_space<vmem>>
        %dma_start3A_1446 = tpu.memref_squeeze %dma_start3A_1445 : memref<1x64x128xf32, #tpu.memory_space<vmem>> -> memref<64x128xf32, #tpu.memory_space<vmem>>
        %dma_start3A_1447 = arith.constant 0 : i32
        %dma_start3A_1448 = tpu.memref_slice %arg3[%dma_start3A_1447, %multiple_of3A_1432] : memref<64x1000000xf32, #tpu.memory_space<hbm>> -> memref<64x128xf32, #tpu.memory_space<hbm>>
        tpu.enqueue_dma source(%dma_start3A_1448 : memref<64x128xf32, #tpu.memory_space<hbm>>) target(%dma_start3A_1446 : memref<64x128xf32, #tpu.memory_space<vmem>>) target_semaphore(%dma_start3A_1442 : memref<!tpu.dma_semaphore, #tpu.memory_space<semaphore_mem>>)
      } else {
      }
      %slice3A_507 = vector.extract_strided_slice %scan3A_168 {offsets = [4], sizes = [1], strides = [1]} : vector<16xi32> to vector<1xi32>
      %squeeze3A_508 = vector.extract %slice3A_507[0] : i32 from vector<1xi32>
      %shift_right_arithmetic3A_509 = arith.constant 7 : i32
      %shift_right_arithmetic3A_510 = arith.shrsi %squeeze3A_508, %shift_right_arithmetic3A_509 : i32
      %shift_left3A_511 = arith.constant 7 : i32
      %shift_left3A_512 = arith.shli %shift_right_arithmetic3A_510, %shift_left3A_511 : i32
      %multiple_of3A_513 = tpu.assume_multiple %shift_left3A_512, 128 : i32
      %dma_wait3A_514 = arith.constant 4 : i32
      %dma_wait3A_515 = arith.constant 4 : i32
      %dma_wait3A_516 = arith.constant 0 : i32
      %dma_wait3A_517 = arith.constant 0 : i32
      %dma_wait3A_518 = tpu.memref_slice %arg6[%dma_wait3A_514, %dma_wait3A_516, %dma_wait3A_517] : memref<8x64x128xf32, #tpu.memory_space<vmem>> -> memref<1x64x128xf32, #tpu.memory_space<vmem>>
      %dma_wait3A_519 = tpu.memref_squeeze %dma_wait3A_518 : memref<1x64x128xf32, #tpu.memory_space<vmem>> -> memref<64x128xf32, #tpu.memory_space<vmem>>
      %dma_wait3A_520 = arith.constant 0 : i32
      %dma_wait3A_521 = tpu.memref_slice %arg3[%dma_wait3A_520, %multiple_of3A_513] : memref<64x1000000xf32, #tpu.memory_space<hbm>> -> memref<64x128xf32, #tpu.memory_space<hbm>>
      %dma_wait3A_522 = tpu.memref_slice %arg8[%dma_wait3A_515] : memref<8x!tpu.dma_semaphore, #tpu.memory_space<semaphore_mem>> -> memref<1x!tpu.dma_semaphore, #tpu.memory_space<semaphore_mem>>
      %dma_wait3A_523 = tpu.memref_squeeze %dma_wait3A_522 : memref<1x!tpu.dma_semaphore, #tpu.memory_space<semaphore_mem>> -> memref<!tpu.dma_semaphore, #tpu.memory_space<semaphore_mem>>
      %dma_wait3A_524 = arith.constant 0 : i32
      %dma_wait3A_525 = arith.constant 0 : i32
      %dma_wait3A_526 = tpu.memref_slice %arg6[%dma_wait3A_514, %dma_wait3A_524, %dma_wait3A_525] : memref<8x64x128xf32, #tpu.memory_space<vmem>> -> memref<1x64x128xf32, #tpu.memory_space<vmem>>
      %dma_wait3A_527 = tpu.memref_squeeze %dma_wait3A_526 : memref<1x64x128xf32, #tpu.memory_space<vmem>> -> memref<64x128xf32, #tpu.memory_space<vmem>>
      %dma_wait3A_528 = arith.constant 0 : i32
      %dma_wait3A_529 = tpu.memref_slice %arg3[%dma_wait3A_528, %multiple_of3A_513] : memref<64x1000000xf32, #tpu.memory_space<hbm>> -> memref<64x128xf32, #tpu.memory_space<hbm>>
      tpu.wait_dma2 semaphore(%dma_wait3A_523 : memref<!tpu.dma_semaphore, #tpu.memory_space<semaphore_mem>>) src(%dma_wait3A_529 : memref<64x128xf32, #tpu.memory_space<hbm>>) dst(%dma_wait3A_527 : memref<64x128xf32, #tpu.memory_space<vmem>>)
      %and3A_530 = arith.constant 127 : i32
      %and3A_531 = arith.andi %squeeze3A_508, %and3A_530 : i32
      %broadcast_in_dim3A_532 = vector.broadcast %and3A_531 : i32 to vector<16xi32>
      %broadcast_in_dim3A_533 = vector.broadcast %add3A_495 : i32 to vector<16xi32>
      %add3A_534 = arith.constant 0 : i32
      %add3A_535 = vector.broadcast %add3A_534 : i32 to vector<16xi32>
      %add3A_536 = arith.addi %iota3A, %add3A_535 : vector<16xi32>
      %gather3A_537 = arith.constant 4 : i32
      %gather3A_538 = arith.constant 0 : i32
      %gather3A_539 = arith.constant 0 : i32
      %gather3A_540 = tpu.memref_slice %arg6[%gather3A_537, %gather3A_538, %gather3A_539] : memref<8x64x128xf32, #tpu.memory_space<vmem>> -> memref<1x64x128xf32, #tpu.memory_space<vmem>>
      %gather3A_541 = tpu.memref_squeeze %gather3A_540 : memref<1x64x128xf32, #tpu.memory_space<vmem>> -> memref<64x128xf32, #tpu.memory_space<vmem>>
      %gather3A_542 = tpu.vector_load_idx %gather3A_541[%add3A_536, %broadcast_in_dim3A_532] : memref<64x128xf32, #tpu.memory_space<vmem>>[vector<16xi32>, vector<16xi32>], vector<16xf32>,
      tpu.vector_store_idx %arg7[%add3A_536, %broadcast_in_dim3A_533], %gather3A_542 : memref<64x512xf32, #tpu.memory_space<vmem>>[vector<16xi32>, vector<16xi32>], vector<16xf32>,
      %add3A_543 = arith.constant 16 : i32
      %add3A_544 = vector.broadcast %add3A_543 : i32 to vector<16xi32>
      %add3A_545 = arith.addi %iota3A, %add3A_544 : vector<16xi32>
      %gather3A_546 = arith.constant 4 : i32
      %gather3A_547 = arith.constant 0 : i32
      %gather3A_548 = arith.constant 0 : i32
      %gather3A_549 = tpu.memref_slice %arg6[%gather3A_546, %gather3A_547, %gather3A_548] : memref<8x64x128xf32, #tpu.memory_space<vmem>> -> memref<1x64x128xf32, #tpu.memory_space<vmem>>
      %gather3A_550 = tpu.memref_squeeze %gather3A_549 : memref<1x64x128xf32, #tpu.memory_space<vmem>> -> memref<64x128xf32, #tpu.memory_space<vmem>>
      %gather3A_551 = tpu.vector_load_idx %gather3A_550[%add3A_545, %broadcast_in_dim3A_532] : memref<64x128xf32, #tpu.memory_space<vmem>>[vector<16xi32>, vector<16xi32>], vector<16xf32>,
      tpu.vector_store_idx %arg7[%add3A_545, %broadcast_in_dim3A_533], %gather3A_551 : memref<64x512xf32, #tpu.memory_space<vmem>>[vector<16xi32>, vector<16xi32>], vector<16xf32>,
      %add3A_552 = arith.constant 32 : i32
      %add3A_553 = vector.broadcast %add3A_552 : i32 to vector<16xi32>
      %add3A_554 = arith.addi %iota3A, %add3A_553 : vector<16xi32>
      %gather3A_555 = arith.constant 4 : i32
      %gather3A_556 = arith.constant 0 : i32
      %gather3A_557 = arith.constant 0 : i32
      %gather3A_558 = tpu.memref_slice %arg6[%gather3A_555, %gather3A_556, %gather3A_557] : memref<8x64x128xf32, #tpu.memory_space<vmem>> -> memref<1x64x128xf32, #tpu.memory_space<vmem>>
      %gather3A_559 = tpu.memref_squeeze %gather3A_558 : memref<1x64x128xf32, #tpu.memory_space<vmem>> -> memref<64x128xf32, #tpu.memory_space<vmem>>
      %gather3A_560 = tpu.vector_load_idx %gather3A_559[%add3A_554, %broadcast_in_dim3A_532] : memref<64x128xf32, #tpu.memory_space<vmem>>[vector<16xi32>, vector<16xi32>], vector<16xf32>,
      tpu.vector_store_idx %arg7[%add3A_554, %broadcast_in_dim3A_533], %gather3A_560 : memref<64x512xf32, #tpu.memory_space<vmem>>[vector<16xi32>, vector<16xi32>], vector<16xf32>,
      %add3A_561 = arith.constant 48 : i32
      %add3A_562 = vector.broadcast %add3A_561 : i32 to vector<16xi32>
      %add3A_563 = arith.addi %iota3A, %add3A_562 : vector<16xi32>
      %gather3A_564 = arith.constant 4 : i32
      %gather3A_565 = arith.constant 0 : i32
      %gather3A_566 = arith.constant 0 : i32
      %gather3A_567 = tpu.memref_slice %arg6[%gather3A_564, %gather3A_565, %gather3A_566] : memref<8x64x128xf32, #tpu.memory_space<vmem>> -> memref<1x64x128xf32, #tpu.memory_space<vmem>>
      %gather3A_568 = tpu.memref_squeeze %gather3A_567 : memref<1x64x128xf32, #tpu.memory_space<vmem>> -> memref<64x128xf32, #tpu.memory_space<vmem>>
      %gather3A_569 = tpu.vector_load_idx %gather3A_568[%add3A_563, %broadcast_in_dim3A_532] : memref<64x128xf32, #tpu.memory_space<vmem>>[vector<16xi32>, vector<16xi32>], vector<16xf32>,
      tpu.vector_store_idx %arg7[%add3A_563, %broadcast_in_dim3A_533], %gather3A_569 : memref<64x512xf32, #tpu.memory_space<vmem>>[vector<16xi32>, vector<16xi32>], vector<16xf32>,
      %mul3A_570 = arith.constant 16 : i32
      %mul3A_571 = arith.muli %scan3A_167, %mul3A_570 : i32
      %add3A_572 = arith.constant 5 : i32
      %add3A_573 = arith.addi %mul3A_571, %add3A_572 : i32
      %slice3A_574 = vector.extract_strided_slice %scan3A_168 {offsets = [12], sizes = [1], strides = [1]} : vector<16xi32> to vector<1xi32>
      %squeeze3A_575 = vector.extract %slice3A_574[0] : i32 from vector<1xi32>
      %add3A_576 = arith.constant 8 : i32
      %add3A_577 = arith.addi %add3A_573, %add3A_576 : i32
      %sub3A_578 = arith.constant 1 : i32
      %sub3A_579 = arith.subi %add3A_577, %sub3A_578 : i32
      %lt3A_580 = arith.constant 512 : i32
      %lt3A_581 = arith.cmpi slt, %sub3A_579, %lt3A_580 : i32
      %convert_element_type3A_582 = arith.extui %lt3A_581 : i1 to i32
      %cond3A_583 = arith.constant 0 : i32
      %cond3A_584 = arith.cmpi ne, %convert_element_type3A_582, %cond3A_583 : i32
      scf.if %cond3A_584 {
        %shift_right_arithmetic3A_1428 = arith.constant 7 : i32
        %shift_right_arithmetic3A_1429 = arith.shrsi %squeeze3A_575, %shift_right_arithmetic3A_1428 : i32
        %shift_left3A_1430 = arith.constant 7 : i32
        %shift_left3A_1431 = arith.shli %shift_right_arithmetic3A_1429, %shift_left3A_1430 : i32
        %multiple_of3A_1432 = tpu.assume_multiple %shift_left3A_1431, 128 : i32
        %dma_start3A_1433 = arith.constant 4 : i32
        %dma_start3A_1434 = arith.constant 4 : i32
        %dma_start3A_1435 = arith.constant 0 : i32
        %dma_start3A_1436 = arith.constant 0 : i32
        %dma_start3A_1437 = tpu.memref_slice %arg6[%dma_start3A_1433, %dma_start3A_1435, %dma_start3A_1436] : memref<8x64x128xf32, #tpu.memory_space<vmem>> -> memref<1x64x128xf32, #tpu.memory_space<vmem>>
        %dma_start3A_1438 = tpu.memref_squeeze %dma_start3A_1437 : memref<1x64x128xf32, #tpu.memory_space<vmem>> -> memref<64x128xf32, #tpu.memory_space<vmem>>
        %dma_start3A_1439 = arith.constant 0 : i32
        %dma_start3A_1440 = tpu.memref_slice %arg3[%dma_start3A_1439, %multiple_of3A_1432] : memref<64x1000000xf32, #tpu.memory_space<hbm>> -> memref<64x128xf32, #tpu.memory_space<hbm>>
        %dma_start3A_1441 = tpu.memref_slice %arg8[%dma_start3A_1434] : memref<8x!tpu.dma_semaphore, #tpu.memory_space<semaphore_mem>> -> memref<1x!tpu.dma_semaphore, #tpu.memory_space<semaphore_mem>>
        %dma_start3A_1442 = tpu.memref_squeeze %dma_start3A_1441 : memref<1x!tpu.dma_semaphore, #tpu.memory_space<semaphore_mem>> -> memref<!tpu.dma_semaphore, #tpu.memory_space<semaphore_mem>>
        %dma_start3A_1443 = arith.constant 0 : i32
        %dma_start3A_1444 = arith.constant 0 : i32
        %dma_start3A_1445 = tpu.memref_slice %arg6[%dma_start3A_1433, %dma_start3A_1443, %dma_start3A_1444] : memref<8x64x128xf32, #tpu.memory_space<vmem>> -> memref<1x64x128xf32, #tpu.memory_space<vmem>>
        %dma_start3A_1446 = tpu.memref_squeeze %dma_start3A_1445 : memref<1x64x128xf32, #tpu.memory_space<vmem>> -> memref<64x128xf32, #tpu.memory_space<vmem>>
        %dma_start3A_1447 = arith.constant 0 : i32
        %dma_start3A_1448 = tpu.memref_slice %arg3[%dma_start3A_1447, %multiple_of3A_1432] : memref<64x1000000xf32, #tpu.memory_space<hbm>> -> memref<64x128xf32, #tpu.memory_space<hbm>>
        tpu.enqueue_dma source(%dma_start3A_1448 : memref<64x128xf32, #tpu.memory_space<hbm>>) target(%dma_start3A_1446 : memref<64x128xf32, #tpu.memory_space<vmem>>) target_semaphore(%dma_start3A_1442 : memref<!tpu.dma_semaphore, #tpu.memory_space<semaphore_mem>>)
      } else {
      }
      %slice3A_585 = vector.extract_strided_slice %scan3A_168 {offsets = [5], sizes = [1], strides = [1]} : vector<16xi32> to vector<1xi32>
      %squeeze3A_586 = vector.extract %slice3A_585[0] : i32 from vector<1xi32>
      %shift_right_arithmetic3A_587 = arith.constant 7 : i32
      %shift_right_arithmetic3A_588 = arith.shrsi %squeeze3A_586, %shift_right_arithmetic3A_587 : i32
      %shift_left3A_589 = arith.constant 7 : i32
      %shift_left3A_590 = arith.shli %shift_right_arithmetic3A_588, %shift_left3A_589 : i32
      %multiple_of3A_591 = tpu.assume_multiple %shift_left3A_590, 128 : i32
      %dma_wait3A_592 = arith.constant 5 : i32
      %dma_wait3A_593 = arith.constant 5 : i32
      %dma_wait3A_594 = arith.constant 0 : i32
      %dma_wait3A_595 = arith.constant 0 : i32
      %dma_wait3A_596 = tpu.memref_slice %arg6[%dma_wait3A_592, %dma_wait3A_594, %dma_wait3A_595] : memref<8x64x128xf32, #tpu.memory_space<vmem>> -> memref<1x64x128xf32, #tpu.memory_space<vmem>>
      %dma_wait3A_597 = tpu.memref_squeeze %dma_wait3A_596 : memref<1x64x128xf32, #tpu.memory_space<vmem>> -> memref<64x128xf32, #tpu.memory_space<vmem>>
      %dma_wait3A_598 = arith.constant 0 : i32
      %dma_wait3A_599 = tpu.memref_slice %arg3[%dma_wait3A_598, %multiple_of3A_591] : memref<64x1000000xf32, #tpu.memory_space<hbm>> -> memref<64x128xf32, #tpu.memory_space<hbm>>
      %dma_wait3A_600 = tpu.memref_slice %arg8[%dma_wait3A_593] : memref<8x!tpu.dma_semaphore, #tpu.memory_space<semaphore_mem>> -> memref<1x!tpu.dma_semaphore, #tpu.memory_space<semaphore_mem>>
      %dma_wait3A_601 = tpu.memref_squeeze %dma_wait3A_600 : memref<1x!tpu.dma_semaphore, #tpu.memory_space<semaphore_mem>> -> memref<!tpu.dma_semaphore, #tpu.memory_space<semaphore_mem>>
      %dma_wait3A_602 = arith.constant 0 : i32
      %dma_wait3A_603 = arith.constant 0 : i32
      %dma_wait3A_604 = tpu.memref_slice %arg6[%dma_wait3A_592, %dma_wait3A_602, %dma_wait3A_603] : memref<8x64x128xf32, #tpu.memory_space<vmem>> -> memref<1x64x128xf32, #tpu.memory_space<vmem>>
      %dma_wait3A_605 = tpu.memref_squeeze %dma_wait3A_604 : memref<1x64x128xf32, #tpu.memory_space<vmem>> -> memref<64x128xf32, #tpu.memory_space<vmem>>
      %dma_wait3A_606 = arith.constant 0 : i32
      %dma_wait3A_607 = tpu.memref_slice %arg3[%dma_wait3A_606, %multiple_of3A_591] : memref<64x1000000xf32, #tpu.memory_space<hbm>> -> memref<64x128xf32, #tpu.memory_space<hbm>>
      tpu.wait_dma2 semaphore(%dma_wait3A_601 : memref<!tpu.dma_semaphore, #tpu.memory_space<semaphore_mem>>) src(%dma_wait3A_607 : memref<64x128xf32, #tpu.memory_space<hbm>>) dst(%dma_wait3A_605 : memref<64x128xf32, #tpu.memory_space<vmem>>)
      %and3A_608 = arith.constant 127 : i32
      %and3A_609 = arith.andi %squeeze3A_586, %and3A_608 : i32
      %broadcast_in_dim3A_610 = vector.broadcast %and3A_609 : i32 to vector<16xi32>
      %broadcast_in_dim3A_611 = vector.broadcast %add3A_573 : i32 to vector<16xi32>
      %add3A_612 = arith.constant 0 : i32
      %add3A_613 = vector.broadcast %add3A_612 : i32 to vector<16xi32>
      %add3A_614 = arith.addi %iota3A, %add3A_613 : vector<16xi32>
      %gather3A_615 = arith.constant 5 : i32
      %gather3A_616 = arith.constant 0 : i32
      %gather3A_617 = arith.constant 0 : i32
      %gather3A_618 = tpu.memref_slice %arg6[%gather3A_615, %gather3A_616, %gather3A_617] : memref<8x64x128xf32, #tpu.memory_space<vmem>> -> memref<1x64x128xf32, #tpu.memory_space<vmem>>
      %gather3A_619 = tpu.memref_squeeze %gather3A_618 : memref<1x64x128xf32, #tpu.memory_space<vmem>> -> memref<64x128xf32, #tpu.memory_space<vmem>>
      %gather3A_620 = tpu.vector_load_idx %gather3A_619[%add3A_614, %broadcast_in_dim3A_610] : memref<64x128xf32, #tpu.memory_space<vmem>>[vector<16xi32>, vector<16xi32>], vector<16xf32>,
      tpu.vector_store_idx %arg7[%add3A_614, %broadcast_in_dim3A_611], %gather3A_620 : memref<64x512xf32, #tpu.memory_space<vmem>>[vector<16xi32>, vector<16xi32>], vector<16xf32>,
      %add3A_621 = arith.constant 16 : i32
      %add3A_622 = vector.broadcast %add3A_621 : i32 to vector<16xi32>
      %add3A_623 = arith.addi %iota3A, %add3A_622 : vector<16xi32>
      %gather3A_624 = arith.constant 5 : i32
      %gather3A_625 = arith.constant 0 : i32
      %gather3A_626 = arith.constant 0 : i32
      %gather3A_627 = tpu.memref_slice %arg6[%gather3A_624, %gather3A_625, %gather3A_626] : memref<8x64x128xf32, #tpu.memory_space<vmem>> -> memref<1x64x128xf32, #tpu.memory_space<vmem>>
      %gather3A_628 = tpu.memref_squeeze %gather3A_627 : memref<1x64x128xf32, #tpu.memory_space<vmem>> -> memref<64x128xf32, #tpu.memory_space<vmem>>
      %gather3A_629 = tpu.vector_load_idx %gather3A_628[%add3A_623, %broadcast_in_dim3A_610] : memref<64x128xf32, #tpu.memory_space<vmem>>[vector<16xi32>, vector<16xi32>], vector<16xf32>,
      tpu.vector_store_idx %arg7[%add3A_623, %broadcast_in_dim3A_611], %gather3A_629 : memref<64x512xf32, #tpu.memory_space<vmem>>[vector<16xi32>, vector<16xi32>], vector<16xf32>,
      %add3A_630 = arith.constant 32 : i32
      %add3A_631 = vector.broadcast %add3A_630 : i32 to vector<16xi32>
      %add3A_632 = arith.addi %iota3A, %add3A_631 : vector<16xi32>
      %gather3A_633 = arith.constant 5 : i32
      %gather3A_634 = arith.constant 0 : i32
      %gather3A_635 = arith.constant 0 : i32
      %gather3A_636 = tpu.memref_slice %arg6[%gather3A_633, %gather3A_634, %gather3A_635] : memref<8x64x128xf32, #tpu.memory_space<vmem>> -> memref<1x64x128xf32, #tpu.memory_space<vmem>>
      %gather3A_637 = tpu.memref_squeeze %gather3A_636 : memref<1x64x128xf32, #tpu.memory_space<vmem>> -> memref<64x128xf32, #tpu.memory_space<vmem>>
      %gather3A_638 = tpu.vector_load_idx %gather3A_637[%add3A_632, %broadcast_in_dim3A_610] : memref<64x128xf32, #tpu.memory_space<vmem>>[vector<16xi32>, vector<16xi32>], vector<16xf32>,
      tpu.vector_store_idx %arg7[%add3A_632, %broadcast_in_dim3A_611], %gather3A_638 : memref<64x512xf32, #tpu.memory_space<vmem>>[vector<16xi32>, vector<16xi32>], vector<16xf32>,
      %add3A_639 = arith.constant 48 : i32
      %add3A_640 = vector.broadcast %add3A_639 : i32 to vector<16xi32>
      %add3A_641 = arith.addi %iota3A, %add3A_640 : vector<16xi32>
      %gather3A_642 = arith.constant 5 : i32
      %gather3A_643 = arith.constant 0 : i32
      %gather3A_644 = arith.constant 0 : i32
      %gather3A_645 = tpu.memref_slice %arg6[%gather3A_642, %gather3A_643, %gather3A_644] : memref<8x64x128xf32, #tpu.memory_space<vmem>> -> memref<1x64x128xf32, #tpu.memory_space<vmem>>
      %gather3A_646 = tpu.memref_squeeze %gather3A_645 : memref<1x64x128xf32, #tpu.memory_space<vmem>> -> memref<64x128xf32, #tpu.memory_space<vmem>>
      %gather3A_647 = tpu.vector_load_idx %gather3A_646[%add3A_641, %broadcast_in_dim3A_610] : memref<64x128xf32, #tpu.memory_space<vmem>>[vector<16xi32>, vector<16xi32>], vector<16xf32>,
      tpu.vector_store_idx %arg7[%add3A_641, %broadcast_in_dim3A_611], %gather3A_647 : memref<64x512xf32, #tpu.memory_space<vmem>>[vector<16xi32>, vector<16xi32>], vector<16xf32>,
      %mul3A_648 = arith.constant 16 : i32
      %mul3A_649 = arith.muli %scan3A_167, %mul3A_648 : i32
      %add3A_650 = arith.constant 6 : i32
      %add3A_651 = arith.addi %mul3A_649, %add3A_650 : i32
      %slice3A_652 = vector.extract_strided_slice %scan3A_168 {offsets = [13], sizes = [1], strides = [1]} : vector<16xi32> to vector<1xi32>
      %squeeze3A_653 = vector.extract %slice3A_652[0] : i32 from vector<1xi32>
      %add3A_654 = arith.constant 8 : i32
      %add3A_655 = arith.addi %add3A_651, %add3A_654 : i32
      %sub3A_656 = arith.constant 1 : i32
      %sub3A_657 = arith.subi %add3A_655, %sub3A_656 : i32
      %lt3A_658 = arith.constant 512 : i32
      %lt3A_659 = arith.cmpi slt, %sub3A_657, %lt3A_658 : i32
      %convert_element_type3A_660 = arith.extui %lt3A_659 : i1 to i32
      %cond3A_661 = arith.constant 0 : i32
      %cond3A_662 = arith.cmpi ne, %convert_element_type3A_660, %cond3A_661 : i32
      scf.if %cond3A_662 {
        %shift_right_arithmetic3A_1428 = arith.constant 7 : i32
        %shift_right_arithmetic3A_1429 = arith.shrsi %squeeze3A_653, %shift_right_arithmetic3A_1428 : i32
        %shift_left3A_1430 = arith.constant 7 : i32
        %shift_left3A_1431 = arith.shli %shift_right_arithmetic3A_1429, %shift_left3A_1430 : i32
        %multiple_of3A_1432 = tpu.assume_multiple %shift_left3A_1431, 128 : i32
        %dma_start3A_1433 = arith.constant 5 : i32
        %dma_start3A_1434 = arith.constant 5 : i32
        %dma_start3A_1435 = arith.constant 0 : i32
        %dma_start3A_1436 = arith.constant 0 : i32
        %dma_start3A_1437 = tpu.memref_slice %arg6[%dma_start3A_1433, %dma_start3A_1435, %dma_start3A_1436] : memref<8x64x128xf32, #tpu.memory_space<vmem>> -> memref<1x64x128xf32, #tpu.memory_space<vmem>>
        %dma_start3A_1438 = tpu.memref_squeeze %dma_start3A_1437 : memref<1x64x128xf32, #tpu.memory_space<vmem>> -> memref<64x128xf32, #tpu.memory_space<vmem>>
        %dma_start3A_1439 = arith.constant 0 : i32
        %dma_start3A_1440 = tpu.memref_slice %arg3[%dma_start3A_1439, %multiple_of3A_1432] : memref<64x1000000xf32, #tpu.memory_space<hbm>> -> memref<64x128xf32, #tpu.memory_space<hbm>>
        %dma_start3A_1441 = tpu.memref_slice %arg8[%dma_start3A_1434] : memref<8x!tpu.dma_semaphore, #tpu.memory_space<semaphore_mem>> -> memref<1x!tpu.dma_semaphore, #tpu.memory_space<semaphore_mem>>
        %dma_start3A_1442 = tpu.memref_squeeze %dma_start3A_1441 : memref<1x!tpu.dma_semaphore, #tpu.memory_space<semaphore_mem>> -> memref<!tpu.dma_semaphore, #tpu.memory_space<semaphore_mem>>
        %dma_start3A_1443 = arith.constant 0 : i32
        %dma_start3A_1444 = arith.constant 0 : i32
        %dma_start3A_1445 = tpu.memref_slice %arg6[%dma_start3A_1433, %dma_start3A_1443, %dma_start3A_1444] : memref<8x64x128xf32, #tpu.memory_space<vmem>> -> memref<1x64x128xf32, #tpu.memory_space<vmem>>
        %dma_start3A_1446 = tpu.memref_squeeze %dma_start3A_1445 : memref<1x64x128xf32, #tpu.memory_space<vmem>> -> memref<64x128xf32, #tpu.memory_space<vmem>>
        %dma_start3A_1447 = arith.constant 0 : i32
        %dma_start3A_1448 = tpu.memref_slice %arg3[%dma_start3A_1447, %multiple_of3A_1432] : memref<64x1000000xf32, #tpu.memory_space<hbm>> -> memref<64x128xf32, #tpu.memory_space<hbm>>
        tpu.enqueue_dma source(%dma_start3A_1448 : memref<64x128xf32, #tpu.memory_space<hbm>>) target(%dma_start3A_1446 : memref<64x128xf32, #tpu.memory_space<vmem>>) target_semaphore(%dma_start3A_1442 : memref<!tpu.dma_semaphore, #tpu.memory_space<semaphore_mem>>)
      } else {
      }
      %slice3A_663 = vector.extract_strided_slice %scan3A_168 {offsets = [6], sizes = [1], strides = [1]} : vector<16xi32> to vector<1xi32>
      %squeeze3A_664 = vector.extract %slice3A_663[0] : i32 from vector<1xi32>
      %shift_right_arithmetic3A_665 = arith.constant 7 : i32
      %shift_right_arithmetic3A_666 = arith.shrsi %squeeze3A_664, %shift_right_arithmetic3A_665 : i32
      %shift_left3A_667 = arith.constant 7 : i32
      %shift_left3A_668 = arith.shli %shift_right_arithmetic3A_666, %shift_left3A_667 : i32
      %multiple_of3A_669 = tpu.assume_multiple %shift_left3A_668, 128 : i32
      %dma_wait3A_670 = arith.constant 6 : i32
      %dma_wait3A_671 = arith.constant 6 : i32
      %dma_wait3A_672 = arith.constant 0 : i32
      %dma_wait3A_673 = arith.constant 0 : i32
      %dma_wait3A_674 = tpu.memref_slice %arg6[%dma_wait3A_670, %dma_wait3A_672, %dma_wait3A_673] : memref<8x64x128xf32, #tpu.memory_space<vmem>> -> memref<1x64x128xf32, #tpu.memory_space<vmem>>
      %dma_wait3A_675 = tpu.memref_squeeze %dma_wait3A_674 : memref<1x64x128xf32, #tpu.memory_space<vmem>> -> memref<64x128xf32, #tpu.memory_space<vmem>>
      %dma_wait3A_676 = arith.constant 0 : i32
      %dma_wait3A_677 = tpu.memref_slice %arg3[%dma_wait3A_676, %multiple_of3A_669] : memref<64x1000000xf32, #tpu.memory_space<hbm>> -> memref<64x128xf32, #tpu.memory_space<hbm>>
      %dma_wait3A_678 = tpu.memref_slice %arg8[%dma_wait3A_671] : memref<8x!tpu.dma_semaphore, #tpu.memory_space<semaphore_mem>> -> memref<1x!tpu.dma_semaphore, #tpu.memory_space<semaphore_mem>>
      %dma_wait3A_679 = tpu.memref_squeeze %dma_wait3A_678 : memref<1x!tpu.dma_semaphore, #tpu.memory_space<semaphore_mem>> -> memref<!tpu.dma_semaphore, #tpu.memory_space<semaphore_mem>>
      %dma_wait3A_680 = arith.constant 0 : i32
      %dma_wait3A_681 = arith.constant 0 : i32
      %dma_wait3A_682 = tpu.memref_slice %arg6[%dma_wait3A_670, %dma_wait3A_680, %dma_wait3A_681] : memref<8x64x128xf32, #tpu.memory_space<vmem>> -> memref<1x64x128xf32, #tpu.memory_space<vmem>>
      %dma_wait3A_683 = tpu.memref_squeeze %dma_wait3A_682 : memref<1x64x128xf32, #tpu.memory_space<vmem>> -> memref<64x128xf32, #tpu.memory_space<vmem>>
      %dma_wait3A_684 = arith.constant 0 : i32
      %dma_wait3A_685 = tpu.memref_slice %arg3[%dma_wait3A_684, %multiple_of3A_669] : memref<64x1000000xf32, #tpu.memory_space<hbm>> -> memref<64x128xf32, #tpu.memory_space<hbm>>
      tpu.wait_dma2 semaphore(%dma_wait3A_679 : memref<!tpu.dma_semaphore, #tpu.memory_space<semaphore_mem>>) src(%dma_wait3A_685 : memref<64x128xf32, #tpu.memory_space<hbm>>) dst(%dma_wait3A_683 : memref<64x128xf32, #tpu.memory_space<vmem>>)
      %and3A_686 = arith.constant 127 : i32
      %and3A_687 = arith.andi %squeeze3A_664, %and3A_686 : i32
      %broadcast_in_dim3A_688 = vector.broadcast %and3A_687 : i32 to vector<16xi32>
      %broadcast_in_dim3A_689 = vector.broadcast %add3A_651 : i32 to vector<16xi32>
      %add3A_690 = arith.constant 0 : i32
      %add3A_691 = vector.broadcast %add3A_690 : i32 to vector<16xi32>
      %add3A_692 = arith.addi %iota3A, %add3A_691 : vector<16xi32>
      %gather3A_693 = arith.constant 6 : i32
      %gather3A_694 = arith.constant 0 : i32
      %gather3A_695 = arith.constant 0 : i32
      %gather3A_696 = tpu.memref_slice %arg6[%gather3A_693, %gather3A_694, %gather3A_695] : memref<8x64x128xf32, #tpu.memory_space<vmem>> -> memref<1x64x128xf32, #tpu.memory_space<vmem>>
      %gather3A_697 = tpu.memref_squeeze %gather3A_696 : memref<1x64x128xf32, #tpu.memory_space<vmem>> -> memref<64x128xf32, #tpu.memory_space<vmem>>
      %gather3A_698 = tpu.vector_load_idx %gather3A_697[%add3A_692, %broadcast_in_dim3A_688] : memref<64x128xf32, #tpu.memory_space<vmem>>[vector<16xi32>, vector<16xi32>], vector<16xf32>,
      tpu.vector_store_idx %arg7[%add3A_692, %broadcast_in_dim3A_689], %gather3A_698 : memref<64x512xf32, #tpu.memory_space<vmem>>[vector<16xi32>, vector<16xi32>], vector<16xf32>,
      %add3A_699 = arith.constant 16 : i32
      %add3A_700 = vector.broadcast %add3A_699 : i32 to vector<16xi32>
      %add3A_701 = arith.addi %iota3A, %add3A_700 : vector<16xi32>
      %gather3A_702 = arith.constant 6 : i32
      %gather3A_703 = arith.constant 0 : i32
      %gather3A_704 = arith.constant 0 : i32
      %gather3A_705 = tpu.memref_slice %arg6[%gather3A_702, %gather3A_703, %gather3A_704] : memref<8x64x128xf32, #tpu.memory_space<vmem>> -> memref<1x64x128xf32, #tpu.memory_space<vmem>>
      %gather3A_706 = tpu.memref_squeeze %gather3A_705 : memref<1x64x128xf32, #tpu.memory_space<vmem>> -> memref<64x128xf32, #tpu.memory_space<vmem>>
      %gather3A_707 = tpu.vector_load_idx %gather3A_706[%add3A_701, %broadcast_in_dim3A_688] : memref<64x128xf32, #tpu.memory_space<vmem>>[vector<16xi32>, vector<16xi32>], vector<16xf32>,
      tpu.vector_store_idx %arg7[%add3A_701, %broadcast_in_dim3A_689], %gather3A_707 : memref<64x512xf32, #tpu.memory_space<vmem>>[vector<16xi32>, vector<16xi32>], vector<16xf32>,
      %add3A_708 = arith.constant 32 : i32
      %add3A_709 = vector.broadcast %add3A_708 : i32 to vector<16xi32>
      %add3A_710 = arith.addi %iota3A, %add3A_709 : vector<16xi32>
      %gather3A_711 = arith.constant 6 : i32
      %gather3A_712 = arith.constant 0 : i32
      %gather3A_713 = arith.constant 0 : i32
      %gather3A_714 = tpu.memref_slice %arg6[%gather3A_711, %gather3A_712, %gather3A_713] : memref<8x64x128xf32, #tpu.memory_space<vmem>> -> memref<1x64x128xf32, #tpu.memory_space<vmem>>
      %gather3A_715 = tpu.memref_squeeze %gather3A_714 : memref<1x64x128xf32, #tpu.memory_space<vmem>> -> memref<64x128xf32, #tpu.memory_space<vmem>>
      %gather3A_716 = tpu.vector_load_idx %gather3A_715[%add3A_710, %broadcast_in_dim3A_688] : memref<64x128xf32, #tpu.memory_space<vmem>>[vector<16xi32>, vector<16xi32>], vector<16xf32>,
      tpu.vector_store_idx %arg7[%add3A_710, %broadcast_in_dim3A_689], %gather3A_716 : memref<64x512xf32, #tpu.memory_space<vmem>>[vector<16xi32>, vector<16xi32>], vector<16xf32>,
      %add3A_717 = arith.constant 48 : i32
      %add3A_718 = vector.broadcast %add3A_717 : i32 to vector<16xi32>
      %add3A_719 = arith.addi %iota3A, %add3A_718 : vector<16xi32>
      %gather3A_720 = arith.constant 6 : i32
      %gather3A_721 = arith.constant 0 : i32
      %gather3A_722 = arith.constant 0 : i32
      %gather3A_723 = tpu.memref_slice %arg6[%gather3A_720, %gather3A_721, %gather3A_722] : memref<8x64x128xf32, #tpu.memory_space<vmem>> -> memref<1x64x128xf32, #tpu.memory_space<vmem>>
      %gather3A_724 = tpu.memref_squeeze %gather3A_723 : memref<1x64x128xf32, #tpu.memory_space<vmem>> -> memref<64x128xf32, #tpu.memory_space<vmem>>
      %gather3A_725 = tpu.vector_load_idx %gather3A_724[%add3A_719, %broadcast_in_dim3A_688] : memref<64x128xf32, #tpu.memory_space<vmem>>[vector<16xi32>, vector<16xi32>], vector<16xf32>,
      tpu.vector_store_idx %arg7[%add3A_719, %broadcast_in_dim3A_689], %gather3A_725 : memref<64x512xf32, #tpu.memory_space<vmem>>[vector<16xi32>, vector<16xi32>], vector<16xf32>,
      %mul3A_726 = arith.constant 16 : i32
      %mul3A_727 = arith.muli %scan3A_167, %mul3A_726 : i32
      %add3A_728 = arith.constant 7 : i32
      %add3A_729 = arith.addi %mul3A_727, %add3A_728 : i32
      %slice3A_730 = vector.extract_strided_slice %scan3A_168 {offsets = [14], sizes = [1], strides = [1]} : vector<16xi32> to vector<1xi32>
      %squeeze3A_731 = vector.extract %slice3A_730[0] : i32 from vector<1xi32>
      %add3A_732 = arith.constant 8 : i32
      %add3A_733 = arith.addi %add3A_729, %add3A_732 : i32
      %sub3A_734 = arith.constant 1 : i32
      %sub3A_735 = arith.subi %add3A_733, %sub3A_734 : i32
      %lt3A_736 = arith.constant 512 : i32
      %lt3A_737 = arith.cmpi slt, %sub3A_735, %lt3A_736 : i32
      %convert_element_type3A_738 = arith.extui %lt3A_737 : i1 to i32
      %cond3A_739 = arith.constant 0 : i32
      %cond3A_740 = arith.cmpi ne, %convert_element_type3A_738, %cond3A_739 : i32
      scf.if %cond3A_740 {
        %shift_right_arithmetic3A_1428 = arith.constant 7 : i32
        %shift_right_arithmetic3A_1429 = arith.shrsi %squeeze3A_731, %shift_right_arithmetic3A_1428 : i32
        %shift_left3A_1430 = arith.constant 7 : i32
        %shift_left3A_1431 = arith.shli %shift_right_arithmetic3A_1429, %shift_left3A_1430 : i32
        %multiple_of3A_1432 = tpu.assume_multiple %shift_left3A_1431, 128 : i32
        %dma_start3A_1433 = arith.constant 6 : i32
        %dma_start3A_1434 = arith.constant 6 : i32
        %dma_start3A_1435 = arith.constant 0 : i32
        %dma_start3A_1436 = arith.constant 0 : i32
        %dma_start3A_1437 = tpu.memref_slice %arg6[%dma_start3A_1433, %dma_start3A_1435, %dma_start3A_1436] : memref<8x64x128xf32, #tpu.memory_space<vmem>> -> memref<1x64x128xf32, #tpu.memory_space<vmem>>
        %dma_start3A_1438 = tpu.memref_squeeze %dma_start3A_1437 : memref<1x64x128xf32, #tpu.memory_space<vmem>> -> memref<64x128xf32, #tpu.memory_space<vmem>>
        %dma_start3A_1439 = arith.constant 0 : i32
        %dma_start3A_1440 = tpu.memref_slice %arg3[%dma_start3A_1439, %multiple_of3A_1432] : memref<64x1000000xf32, #tpu.memory_space<hbm>> -> memref<64x128xf32, #tpu.memory_space<hbm>>
        %dma_start3A_1441 = tpu.memref_slice %arg8[%dma_start3A_1434] : memref<8x!tpu.dma_semaphore, #tpu.memory_space<semaphore_mem>> -> memref<1x!tpu.dma_semaphore, #tpu.memory_space<semaphore_mem>>
        %dma_start3A_1442 = tpu.memref_squeeze %dma_start3A_1441 : memref<1x!tpu.dma_semaphore, #tpu.memory_space<semaphore_mem>> -> memref<!tpu.dma_semaphore, #tpu.memory_space<semaphore_mem>>
        %dma_start3A_1443 = arith.constant 0 : i32
        %dma_start3A_1444 = arith.constant 0 : i32
        %dma_start3A_1445 = tpu.memref_slice %arg6[%dma_start3A_1433, %dma_start3A_1443, %dma_start3A_1444] : memref<8x64x128xf32, #tpu.memory_space<vmem>> -> memref<1x64x128xf32, #tpu.memory_space<vmem>>
        %dma_start3A_1446 = tpu.memref_squeeze %dma_start3A_1445 : memref<1x64x128xf32, #tpu.memory_space<vmem>> -> memref<64x128xf32, #tpu.memory_space<vmem>>
        %dma_start3A_1447 = arith.constant 0 : i32
        %dma_start3A_1448 = tpu.memref_slice %arg3[%dma_start3A_1447, %multiple_of3A_1432] : memref<64x1000000xf32, #tpu.memory_space<hbm>> -> memref<64x128xf32, #tpu.memory_space<hbm>>
        tpu.enqueue_dma source(%dma_start3A_1448 : memref<64x128xf32, #tpu.memory_space<hbm>>) target(%dma_start3A_1446 : memref<64x128xf32, #tpu.memory_space<vmem>>) target_semaphore(%dma_start3A_1442 : memref<!tpu.dma_semaphore, #tpu.memory_space<semaphore_mem>>)
      } else {
      }
      %slice3A_741 = vector.extract_strided_slice %scan3A_168 {offsets = [7], sizes = [1], strides = [1]} : vector<16xi32> to vector<1xi32>
      %squeeze3A_742 = vector.extract %slice3A_741[0] : i32 from vector<1xi32>
      %shift_right_arithmetic3A_743 = arith.constant 7 : i32
      %shift_right_arithmetic3A_744 = arith.shrsi %squeeze3A_742, %shift_right_arithmetic3A_743 : i32
      %shift_left3A_745 = arith.constant 7 : i32
      %shift_left3A_746 = arith.shli %shift_right_arithmetic3A_744, %shift_left3A_745 : i32
      %multiple_of3A_747 = tpu.assume_multiple %shift_left3A_746, 128 : i32
      %dma_wait3A_748 = arith.constant 7 : i32
      %dma_wait3A_749 = arith.constant 7 : i32
      %dma_wait3A_750 = arith.constant 0 : i32
      %dma_wait3A_751 = arith.constant 0 : i32
      %dma_wait3A_752 = tpu.memref_slice %arg6[%dma_wait3A_748, %dma_wait3A_750, %dma_wait3A_751] : memref<8x64x128xf32, #tpu.memory_space<vmem>> -> memref<1x64x128xf32, #tpu.memory_space<vmem>>
      %dma_wait3A_753 = tpu.memref_squeeze %dma_wait3A_752 : memref<1x64x128xf32, #tpu.memory_space<vmem>> -> memref<64x128xf32, #tpu.memory_space<vmem>>
      %dma_wait3A_754 = arith.constant 0 : i32
      %dma_wait3A_755 = tpu.memref_slice %arg3[%dma_wait3A_754, %multiple_of3A_747] : memref<64x1000000xf32, #tpu.memory_space<hbm>> -> memref<64x128xf32, #tpu.memory_space<hbm>>
      %dma_wait3A_756 = tpu.memref_slice %arg8[%dma_wait3A_749] : memref<8x!tpu.dma_semaphore, #tpu.memory_space<semaphore_mem>> -> memref<1x!tpu.dma_semaphore, #tpu.memory_space<semaphore_mem>>
      %dma_wait3A_757 = tpu.memref_squeeze %dma_wait3A_756 : memref<1x!tpu.dma_semaphore, #tpu.memory_space<semaphore_mem>> -> memref<!tpu.dma_semaphore, #tpu.memory_space<semaphore_mem>>
      %dma_wait3A_758 = arith.constant 0 : i32
      %dma_wait3A_759 = arith.constant 0 : i32
      %dma_wait3A_760 = tpu.memref_slice %arg6[%dma_wait3A_748, %dma_wait3A_758, %dma_wait3A_759] : memref<8x64x128xf32, #tpu.memory_space<vmem>> -> memref<1x64x128xf32, #tpu.memory_space<vmem>>
      %dma_wait3A_761 = tpu.memref_squeeze %dma_wait3A_760 : memref<1x64x128xf32, #tpu.memory_space<vmem>> -> memref<64x128xf32, #tpu.memory_space<vmem>>
      %dma_wait3A_762 = arith.constant 0 : i32
      %dma_wait3A_763 = tpu.memref_slice %arg3[%dma_wait3A_762, %multiple_of3A_747] : memref<64x1000000xf32, #tpu.memory_space<hbm>> -> memref<64x128xf32, #tpu.memory_space<hbm>>
      tpu.wait_dma2 semaphore(%dma_wait3A_757 : memref<!tpu.dma_semaphore, #tpu.memory_space<semaphore_mem>>) src(%dma_wait3A_763 : memref<64x128xf32, #tpu.memory_space<hbm>>) dst(%dma_wait3A_761 : memref<64x128xf32, #tpu.memory_space<vmem>>)
      %and3A_764 = arith.constant 127 : i32
      %and3A_765 = arith.andi %squeeze3A_742, %and3A_764 : i32
      %broadcast_in_dim3A_766 = vector.broadcast %and3A_765 : i32 to vector<16xi32>
      %broadcast_in_dim3A_767 = vector.broadcast %add3A_729 : i32 to vector<16xi32>
      %add3A_768 = arith.constant 0 : i32
      %add3A_769 = vector.broadcast %add3A_768 : i32 to vector<16xi32>
      %add3A_770 = arith.addi %iota3A, %add3A_769 : vector<16xi32>
      %gather3A_771 = arith.constant 7 : i32
      %gather3A_772 = arith.constant 0 : i32
      %gather3A_773 = arith.constant 0 : i32
      %gather3A_774 = tpu.memref_slice %arg6[%gather3A_771, %gather3A_772, %gather3A_773] : memref<8x64x128xf32, #tpu.memory_space<vmem>> -> memref<1x64x128xf32, #tpu.memory_space<vmem>>
      %gather3A_775 = tpu.memref_squeeze %gather3A_774 : memref<1x64x128xf32, #tpu.memory_space<vmem>> -> memref<64x128xf32, #tpu.memory_space<vmem>>
      %gather3A_776 = tpu.vector_load_idx %gather3A_775[%add3A_770, %broadcast_in_dim3A_766] : memref<64x128xf32, #tpu.memory_space<vmem>>[vector<16xi32>, vector<16xi32>], vector<16xf32>,
      tpu.vector_store_idx %arg7[%add3A_770, %broadcast_in_dim3A_767], %gather3A_776 : memref<64x512xf32, #tpu.memory_space<vmem>>[vector<16xi32>, vector<16xi32>], vector<16xf32>,
      %add3A_777 = arith.constant 16 : i32
      %add3A_778 = vector.broadcast %add3A_777 : i32 to vector<16xi32>
      %add3A_779 = arith.addi %iota3A, %add3A_778 : vector<16xi32>
      %gather3A_780 = arith.constant 7 : i32
      %gather3A_781 = arith.constant 0 : i32
      %gather3A_782 = arith.constant 0 : i32
      %gather3A_783 = tpu.memref_slice %arg6[%gather3A_780, %gather3A_781, %gather3A_782] : memref<8x64x128xf32, #tpu.memory_space<vmem>> -> memref<1x64x128xf32, #tpu.memory_space<vmem>>
      %gather3A_784 = tpu.memref_squeeze %gather3A_783 : memref<1x64x128xf32, #tpu.memory_space<vmem>> -> memref<64x128xf32, #tpu.memory_space<vmem>>
      %gather3A_785 = tpu.vector_load_idx %gather3A_784[%add3A_779, %broadcast_in_dim3A_766] : memref<64x128xf32, #tpu.memory_space<vmem>>[vector<16xi32>, vector<16xi32>], vector<16xf32>,
      tpu.vector_store_idx %arg7[%add3A_779, %broadcast_in_dim3A_767], %gather3A_785 : memref<64x512xf32, #tpu.memory_space<vmem>>[vector<16xi32>, vector<16xi32>], vector<16xf32>,
      %add3A_786 = arith.constant 32 : i32
      %add3A_787 = vector.broadcast %add3A_786 : i32 to vector<16xi32>
      %add3A_788 = arith.addi %iota3A, %add3A_787 : vector<16xi32>
      %gather3A_789 = arith.constant 7 : i32
      %gather3A_790 = arith.constant 0 : i32
      %gather3A_791 = arith.constant 0 : i32
      %gather3A_792 = tpu.memref_slice %arg6[%gather3A_789, %gather3A_790, %gather3A_791] : memref<8x64x128xf32, #tpu.memory_space<vmem>> -> memref<1x64x128xf32, #tpu.memory_space<vmem>>
      %gather3A_793 = tpu.memref_squeeze %gather3A_792 : memref<1x64x128xf32, #tpu.memory_space<vmem>> -> memref<64x128xf32, #tpu.memory_space<vmem>>
      %gather3A_794 = tpu.vector_load_idx %gather3A_793[%add3A_788, %broadcast_in_dim3A_766] : memref<64x128xf32, #tpu.memory_space<vmem>>[vector<16xi32>, vector<16xi32>], vector<16xf32>,
      tpu.vector_store_idx %arg7[%add3A_788, %broadcast_in_dim3A_767], %gather3A_794 : memref<64x512xf32, #tpu.memory_space<vmem>>[vector<16xi32>, vector<16xi32>], vector<16xf32>,
      %add3A_795 = arith.constant 48 : i32
      %add3A_796 = vector.broadcast %add3A_795 : i32 to vector<16xi32>
      %add3A_797 = arith.addi %iota3A, %add3A_796 : vector<16xi32>
      %gather3A_798 = arith.constant 7 : i32
      %gather3A_799 = arith.constant 0 : i32
      %gather3A_800 = arith.constant 0 : i32
      %gather3A_801 = tpu.memref_slice %arg6[%gather3A_798, %gather3A_799, %gather3A_800] : memref<8x64x128xf32, #tpu.memory_space<vmem>> -> memref<1x64x128xf32, #tpu.memory_space<vmem>>
      %gather3A_802 = tpu.memref_squeeze %gather3A_801 : memref<1x64x128xf32, #tpu.memory_space<vmem>> -> memref<64x128xf32, #tpu.memory_space<vmem>>
      %gather3A_803 = tpu.vector_load_idx %gather3A_802[%add3A_797, %broadcast_in_dim3A_766] : memref<64x128xf32, #tpu.memory_space<vmem>>[vector<16xi32>, vector<16xi32>], vector<16xf32>,
      tpu.vector_store_idx %arg7[%add3A_797, %broadcast_in_dim3A_767], %gather3A_803 : memref<64x512xf32, #tpu.memory_space<vmem>>[vector<16xi32>, vector<16xi32>], vector<16xf32>,
      %mul3A_804 = arith.constant 16 : i32
      %mul3A_805 = arith.muli %scan3A_167, %mul3A_804 : i32
      %add3A_806 = arith.constant 8 : i32
      %add3A_807 = arith.addi %mul3A_805, %add3A_806 : i32
      %slice3A_808 = vector.extract_strided_slice %scan3A_168 {offsets = [15], sizes = [1], strides = [1]} : vector<16xi32> to vector<1xi32>
      %squeeze3A_809 = vector.extract %slice3A_808[0] : i32 from vector<1xi32>
      %add3A_810 = arith.constant 8 : i32
      %add3A_811 = arith.addi %add3A_807, %add3A_810 : i32
      %sub3A_812 = arith.constant 1 : i32
      %sub3A_813 = arith.subi %add3A_811, %sub3A_812 : i32
      %lt3A_814 = arith.constant 512 : i32
      %lt3A_815 = arith.cmpi slt, %sub3A_813, %lt3A_814 : i32
      %convert_element_type3A_816 = arith.extui %lt3A_815 : i1 to i32
      %cond3A_817 = arith.constant 0 : i32
      %cond3A_818 = arith.cmpi ne, %convert_element_type3A_816, %cond3A_817 : i32
      scf.if %cond3A_818 {
        %shift_right_arithmetic3A_1428 = arith.constant 7 : i32
        %shift_right_arithmetic3A_1429 = arith.shrsi %squeeze3A_809, %shift_right_arithmetic3A_1428 : i32
        %shift_left3A_1430 = arith.constant 7 : i32
        %shift_left3A_1431 = arith.shli %shift_right_arithmetic3A_1429, %shift_left3A_1430 : i32
        %multiple_of3A_1432 = tpu.assume_multiple %shift_left3A_1431, 128 : i32
        %dma_start3A_1433 = arith.constant 7 : i32
        %dma_start3A_1434 = arith.constant 7 : i32
        %dma_start3A_1435 = arith.constant 0 : i32
        %dma_start3A_1436 = arith.constant 0 : i32
        %dma_start3A_1437 = tpu.memref_slice %arg6[%dma_start3A_1433, %dma_start3A_1435, %dma_start3A_1436] : memref<8x64x128xf32, #tpu.memory_space<vmem>> -> memref<1x64x128xf32, #tpu.memory_space<vmem>>
        %dma_start3A_1438 = tpu.memref_squeeze %dma_start3A_1437 : memref<1x64x128xf32, #tpu.memory_space<vmem>> -> memref<64x128xf32, #tpu.memory_space<vmem>>
        %dma_start3A_1439 = arith.constant 0 : i32
        %dma_start3A_1440 = tpu.memref_slice %arg3[%dma_start3A_1439, %multiple_of3A_1432] : memref<64x1000000xf32, #tpu.memory_space<hbm>> -> memref<64x128xf32, #tpu.memory_space<hbm>>
        %dma_start3A_1441 = tpu.memref_slice %arg8[%dma_start3A_1434] : memref<8x!tpu.dma_semaphore, #tpu.memory_space<semaphore_mem>> -> memref<1x!tpu.dma_semaphore, #tpu.memory_space<semaphore_mem>>
        %dma_start3A_1442 = tpu.memref_squeeze %dma_start3A_1441 : memref<1x!tpu.dma_semaphore, #tpu.memory_space<semaphore_mem>> -> memref<!tpu.dma_semaphore, #tpu.memory_space<semaphore_mem>>
        %dma_start3A_1443 = arith.constant 0 : i32
        %dma_start3A_1444 = arith.constant 0 : i32
        %dma_start3A_1445 = tpu.memref_slice %arg6[%dma_start3A_1433, %dma_start3A_1443, %dma_start3A_1444] : memref<8x64x128xf32, #tpu.memory_space<vmem>> -> memref<1x64x128xf32, #tpu.memory_space<vmem>>
        %dma_start3A_1446 = tpu.memref_squeeze %dma_start3A_1445 : memref<1x64x128xf32, #tpu.memory_space<vmem>> -> memref<64x128xf32, #tpu.memory_space<vmem>>
        %dma_start3A_1447 = arith.constant 0 : i32
        %dma_start3A_1448 = tpu.memref_slice %arg3[%dma_start3A_1447, %multiple_of3A_1432] : memref<64x1000000xf32, #tpu.memory_space<hbm>> -> memref<64x128xf32, #tpu.memory_space<hbm>>
        tpu.enqueue_dma source(%dma_start3A_1448 : memref<64x128xf32, #tpu.memory_space<hbm>>) target(%dma_start3A_1446 : memref<64x128xf32, #tpu.memory_space<vmem>>) target_semaphore(%dma_start3A_1442 : memref<!tpu.dma_semaphore, #tpu.memory_space<semaphore_mem>>)
      } else {
      }
      %slice3A_819 = vector.extract_strided_slice %scan3A_168 {offsets = [8], sizes = [1], strides = [1]} : vector<16xi32> to vector<1xi32>
      %squeeze3A_820 = vector.extract %slice3A_819[0] : i32 from vector<1xi32>
      %shift_right_arithmetic3A_821 = arith.constant 7 : i32
      %shift_right_arithmetic3A_822 = arith.shrsi %squeeze3A_820, %shift_right_arithmetic3A_821 : i32
      %shift_left3A_823 = arith.constant 7 : i32
      %shift_left3A_824 = arith.shli %shift_right_arithmetic3A_822, %shift_left3A_823 : i32
      %multiple_of3A_825 = tpu.assume_multiple %shift_left3A_824, 128 : i32
      %dma_wait3A_826 = arith.constant 0 : i32
      %dma_wait3A_827 = arith.constant 0 : i32
      %dma_wait3A_828 = arith.constant 0 : i32
      %dma_wait3A_829 = arith.constant 0 : i32
      %dma_wait3A_830 = tpu.memref_slice %arg6[%dma_wait3A_826, %dma_wait3A_828, %dma_wait3A_829] : memref<8x64x128xf32, #tpu.memory_space<vmem>> -> memref<1x64x128xf32, #tpu.memory_space<vmem>>
      %dma_wait3A_831 = tpu.memref_squeeze %dma_wait3A_830 : memref<1x64x128xf32, #tpu.memory_space<vmem>> -> memref<64x128xf32, #tpu.memory_space<vmem>>
      %dma_wait3A_832 = arith.constant 0 : i32
      %dma_wait3A_833 = tpu.memref_slice %arg3[%dma_wait3A_832, %multiple_of3A_825] : memref<64x1000000xf32, #tpu.memory_space<hbm>> -> memref<64x128xf32, #tpu.memory_space<hbm>>
      %dma_wait3A_834 = tpu.memref_slice %arg8[%dma_wait3A_827] : memref<8x!tpu.dma_semaphore, #tpu.memory_space<semaphore_mem>> -> memref<1x!tpu.dma_semaphore, #tpu.memory_space<semaphore_mem>>
      %dma_wait3A_835 = tpu.memref_squeeze %dma_wait3A_834 : memref<1x!tpu.dma_semaphore, #tpu.memory_space<semaphore_mem>> -> memref<!tpu.dma_semaphore, #tpu.memory_space<semaphore_mem>>
      %dma_wait3A_836 = arith.constant 0 : i32
      %dma_wait3A_837 = arith.constant 0 : i32
      %dma_wait3A_838 = tpu.memref_slice %arg6[%dma_wait3A_826, %dma_wait3A_836, %dma_wait3A_837] : memref<8x64x128xf32, #tpu.memory_space<vmem>> -> memref<1x64x128xf32, #tpu.memory_space<vmem>>
      %dma_wait3A_839 = tpu.memref_squeeze %dma_wait3A_838 : memref<1x64x128xf32, #tpu.memory_space<vmem>> -> memref<64x128xf32, #tpu.memory_space<vmem>>
      %dma_wait3A_840 = arith.constant 0 : i32
      %dma_wait3A_841 = tpu.memref_slice %arg3[%dma_wait3A_840, %multiple_of3A_825] : memref<64x1000000xf32, #tpu.memory_space<hbm>> -> memref<64x128xf32, #tpu.memory_space<hbm>>
      tpu.wait_dma2 semaphore(%dma_wait3A_835 : memref<!tpu.dma_semaphore, #tpu.memory_space<semaphore_mem>>) src(%dma_wait3A_841 : memref<64x128xf32, #tpu.memory_space<hbm>>) dst(%dma_wait3A_839 : memref<64x128xf32, #tpu.memory_space<vmem>>)
      %and3A_842 = arith.constant 127 : i32
      %and3A_843 = arith.andi %squeeze3A_820, %and3A_842 : i32
      %broadcast_in_dim3A_844 = vector.broadcast %and3A_843 : i32 to vector<16xi32>
      %broadcast_in_dim3A_845 = vector.broadcast %add3A_807 : i32 to vector<16xi32>
      %add3A_846 = arith.constant 0 : i32
      %add3A_847 = vector.broadcast %add3A_846 : i32 to vector<16xi32>
      %add3A_848 = arith.addi %iota3A, %add3A_847 : vector<16xi32>
      %gather3A_849 = arith.constant 0 : i32
      %gather3A_850 = arith.constant 0 : i32
      %gather3A_851 = arith.constant 0 : i32
      %gather3A_852 = tpu.memref_slice %arg6[%gather3A_849, %gather3A_850, %gather3A_851] : memref<8x64x128xf32, #tpu.memory_space<vmem>> -> memref<1x64x128xf32, #tpu.memory_space<vmem>>
      %gather3A_853 = tpu.memref_squeeze %gather3A_852 : memref<1x64x128xf32, #tpu.memory_space<vmem>> -> memref<64x128xf32, #tpu.memory_space<vmem>>
      %gather3A_854 = tpu.vector_load_idx %gather3A_853[%add3A_848, %broadcast_in_dim3A_844] : memref<64x128xf32, #tpu.memory_space<vmem>>[vector<16xi32>, vector<16xi32>], vector<16xf32>,
      tpu.vector_store_idx %arg7[%add3A_848, %broadcast_in_dim3A_845], %gather3A_854 : memref<64x512xf32, #tpu.memory_space<vmem>>[vector<16xi32>, vector<16xi32>], vector<16xf32>,
      %add3A_855 = arith.constant 16 : i32
      %add3A_856 = vector.broadcast %add3A_855 : i32 to vector<16xi32>
      %add3A_857 = arith.addi %iota3A, %add3A_856 : vector<16xi32>
      %gather3A_858 = arith.constant 0 : i32
      %gather3A_859 = arith.constant 0 : i32
      %gather3A_860 = arith.constant 0 : i32
      %gather3A_861 = tpu.memref_slice %arg6[%gather3A_858, %gather3A_859, %gather3A_860] : memref<8x64x128xf32, #tpu.memory_space<vmem>> -> memref<1x64x128xf32, #tpu.memory_space<vmem>>
      %gather3A_862 = tpu.memref_squeeze %gather3A_861 : memref<1x64x128xf32, #tpu.memory_space<vmem>> -> memref<64x128xf32, #tpu.memory_space<vmem>>
      %gather3A_863 = tpu.vector_load_idx %gather3A_862[%add3A_857, %broadcast_in_dim3A_844] : memref<64x128xf32, #tpu.memory_space<vmem>>[vector<16xi32>, vector<16xi32>], vector<16xf32>,
      tpu.vector_store_idx %arg7[%add3A_857, %broadcast_in_dim3A_845], %gather3A_863 : memref<64x512xf32, #tpu.memory_space<vmem>>[vector<16xi32>, vector<16xi32>], vector<16xf32>,
      %add3A_864 = arith.constant 32 : i32
      %add3A_865 = vector.broadcast %add3A_864 : i32 to vector<16xi32>
      %add3A_866 = arith.addi %iota3A, %add3A_865 : vector<16xi32>
      %gather3A_867 = arith.constant 0 : i32
      %gather3A_868 = arith.constant 0 : i32
      %gather3A_869 = arith.constant 0 : i32
      %gather3A_870 = tpu.memref_slice %arg6[%gather3A_867, %gather3A_868, %gather3A_869] : memref<8x64x128xf32, #tpu.memory_space<vmem>> -> memref<1x64x128xf32, #tpu.memory_space<vmem>>
      %gather3A_871 = tpu.memref_squeeze %gather3A_870 : memref<1x64x128xf32, #tpu.memory_space<vmem>> -> memref<64x128xf32, #tpu.memory_space<vmem>>
      %gather3A_872 = tpu.vector_load_idx %gather3A_871[%add3A_866, %broadcast_in_dim3A_844] : memref<64x128xf32, #tpu.memory_space<vmem>>[vector<16xi32>, vector<16xi32>], vector<16xf32>,
      tpu.vector_store_idx %arg7[%add3A_866, %broadcast_in_dim3A_845], %gather3A_872 : memref<64x512xf32, #tpu.memory_space<vmem>>[vector<16xi32>, vector<16xi32>], vector<16xf32>,
      %add3A_873 = arith.constant 48 : i32
      %add3A_874 = vector.broadcast %add3A_873 : i32 to vector<16xi32>
      %add3A_875 = arith.addi %iota3A, %add3A_874 : vector<16xi32>
      %gather3A_876 = arith.constant 0 : i32
      %gather3A_877 = arith.constant 0 : i32
      %gather3A_878 = arith.constant 0 : i32
      %gather3A_879 = tpu.memref_slice %arg6[%gather3A_876, %gather3A_877, %gather3A_878] : memref<8x64x128xf32, #tpu.memory_space<vmem>> -> memref<1x64x128xf32, #tpu.memory_space<vmem>>
      %gather3A_880 = tpu.memref_squeeze %gather3A_879 : memref<1x64x128xf32, #tpu.memory_space<vmem>> -> memref<64x128xf32, #tpu.memory_space<vmem>>
      %gather3A_881 = tpu.vector_load_idx %gather3A_880[%add3A_875, %broadcast_in_dim3A_844] : memref<64x128xf32, #tpu.memory_space<vmem>>[vector<16xi32>, vector<16xi32>], vector<16xf32>,
      tpu.vector_store_idx %arg7[%add3A_875, %broadcast_in_dim3A_845], %gather3A_881 : memref<64x512xf32, #tpu.memory_space<vmem>>[vector<16xi32>, vector<16xi32>], vector<16xf32>,
      %mul3A_882 = arith.constant 16 : i32
      %mul3A_883 = arith.muli %scan3A_167, %mul3A_882 : i32
      %add3A_884 = arith.constant 9 : i32
      %add3A_885 = arith.addi %mul3A_883, %add3A_884 : i32
      %slice3A_886 = vector.extract_strided_slice %get3A_185 {offsets = [0], sizes = [1], strides = [1]} : vector<16xi32> to vector<1xi32>
      %squeeze3A_887 = vector.extract %slice3A_886[0] : i32 from vector<1xi32>
      %add3A_888 = arith.constant 8 : i32
      %add3A_889 = arith.addi %add3A_885, %add3A_888 : i32
      %sub3A_890 = arith.constant 1 : i32
      %sub3A_891 = arith.subi %add3A_889, %sub3A_890 : i32
      %lt3A_892 = arith.constant 512 : i32
      %lt3A_893 = arith.cmpi slt, %sub3A_891, %lt3A_892 : i32
      %convert_element_type3A_894 = arith.extui %lt3A_893 : i1 to i32
      %cond3A_895 = arith.constant 0 : i32
      %cond3A_896 = arith.cmpi ne, %convert_element_type3A_894, %cond3A_895 : i32
      scf.if %cond3A_896 {
        %shift_right_arithmetic3A_1428 = arith.constant 7 : i32
        %shift_right_arithmetic3A_1429 = arith.shrsi %squeeze3A_887, %shift_right_arithmetic3A_1428 : i32
        %shift_left3A_1430 = arith.constant 7 : i32
        %shift_left3A_1431 = arith.shli %shift_right_arithmetic3A_1429, %shift_left3A_1430 : i32
        %multiple_of3A_1432 = tpu.assume_multiple %shift_left3A_1431, 128 : i32
        %dma_start3A_1433 = arith.constant 0 : i32
        %dma_start3A_1434 = arith.constant 0 : i32
        %dma_start3A_1435 = arith.constant 0 : i32
        %dma_start3A_1436 = arith.constant 0 : i32
        %dma_start3A_1437 = tpu.memref_slice %arg6[%dma_start3A_1433, %dma_start3A_1435, %dma_start3A_1436] : memref<8x64x128xf32, #tpu.memory_space<vmem>> -> memref<1x64x128xf32, #tpu.memory_space<vmem>>
        %dma_start3A_1438 = tpu.memref_squeeze %dma_start3A_1437 : memref<1x64x128xf32, #tpu.memory_space<vmem>> -> memref<64x128xf32, #tpu.memory_space<vmem>>
        %dma_start3A_1439 = arith.constant 0 : i32
        %dma_start3A_1440 = tpu.memref_slice %arg3[%dma_start3A_1439, %multiple_of3A_1432] : memref<64x1000000xf32, #tpu.memory_space<hbm>> -> memref<64x128xf32, #tpu.memory_space<hbm>>
        %dma_start3A_1441 = tpu.memref_slice %arg8[%dma_start3A_1434] : memref<8x!tpu.dma_semaphore, #tpu.memory_space<semaphore_mem>> -> memref<1x!tpu.dma_semaphore, #tpu.memory_space<semaphore_mem>>
        %dma_start3A_1442 = tpu.memref_squeeze %dma_start3A_1441 : memref<1x!tpu.dma_semaphore, #tpu.memory_space<semaphore_mem>> -> memref<!tpu.dma_semaphore, #tpu.memory_space<semaphore_mem>>
        %dma_start3A_1443 = arith.constant 0 : i32
        %dma_start3A_1444 = arith.constant 0 : i32
        %dma_start3A_1445 = tpu.memref_slice %arg6[%dma_start3A_1433, %dma_start3A_1443, %dma_start3A_1444] : memref<8x64x128xf32, #tpu.memory_space<vmem>> -> memref<1x64x128xf32, #tpu.memory_space<vmem>>
        %dma_start3A_1446 = tpu.memref_squeeze %dma_start3A_1445 : memref<1x64x128xf32, #tpu.memory_space<vmem>> -> memref<64x128xf32, #tpu.memory_space<vmem>>
        %dma_start3A_1447 = arith.constant 0 : i32
        %dma_start3A_1448 = tpu.memref_slice %arg3[%dma_start3A_1447, %multiple_of3A_1432] : memref<64x1000000xf32, #tpu.memory_space<hbm>> -> memref<64x128xf32, #tpu.memory_space<hbm>>
        tpu.enqueue_dma source(%dma_start3A_1448 : memref<64x128xf32, #tpu.memory_space<hbm>>) target(%dma_start3A_1446 : memref<64x128xf32, #tpu.memory_space<vmem>>) target_semaphore(%dma_start3A_1442 : memref<!tpu.dma_semaphore, #tpu.memory_space<semaphore_mem>>)
      } else {
      }
      %slice3A_897 = vector.extract_strided_slice %scan3A_168 {offsets = [9], sizes = [1], strides = [1]} : vector<16xi32> to vector<1xi32>
      %squeeze3A_898 = vector.extract %slice3A_897[0] : i32 from vector<1xi32>
      %shift_right_arithmetic3A_899 = arith.constant 7 : i32
      %shift_right_arithmetic3A_900 = arith.shrsi %squeeze3A_898, %shift_right_arithmetic3A_899 : i32
      %shift_left3A_901 = arith.constant 7 : i32
      %shift_left3A_902 = arith.shli %shift_right_arithmetic3A_900, %shift_left3A_901 : i32
      %multiple_of3A_903 = tpu.assume_multiple %shift_left3A_902, 128 : i32
      %dma_wait3A_904 = arith.constant 1 : i32
      %dma_wait3A_905 = arith.constant 1 : i32
      %dma_wait3A_906 = arith.constant 0 : i32
      %dma_wait3A_907 = arith.constant 0 : i32
      %dma_wait3A_908 = tpu.memref_slice %arg6[%dma_wait3A_904, %dma_wait3A_906, %dma_wait3A_907] : memref<8x64x128xf32, #tpu.memory_space<vmem>> -> memref<1x64x128xf32, #tpu.memory_space<vmem>>
      %dma_wait3A_909 = tpu.memref_squeeze %dma_wait3A_908 : memref<1x64x128xf32, #tpu.memory_space<vmem>> -> memref<64x128xf32, #tpu.memory_space<vmem>>
      %dma_wait3A_910 = arith.constant 0 : i32
      %dma_wait3A_911 = tpu.memref_slice %arg3[%dma_wait3A_910, %multiple_of3A_903] : memref<64x1000000xf32, #tpu.memory_space<hbm>> -> memref<64x128xf32, #tpu.memory_space<hbm>>
      %dma_wait3A_912 = tpu.memref_slice %arg8[%dma_wait3A_905] : memref<8x!tpu.dma_semaphore, #tpu.memory_space<semaphore_mem>> -> memref<1x!tpu.dma_semaphore, #tpu.memory_space<semaphore_mem>>
      %dma_wait3A_913 = tpu.memref_squeeze %dma_wait3A_912 : memref<1x!tpu.dma_semaphore, #tpu.memory_space<semaphore_mem>> -> memref<!tpu.dma_semaphore, #tpu.memory_space<semaphore_mem>>
      %dma_wait3A_914 = arith.constant 0 : i32
      %dma_wait3A_915 = arith.constant 0 : i32
      %dma_wait3A_916 = tpu.memref_slice %arg6[%dma_wait3A_904, %dma_wait3A_914, %dma_wait3A_915] : memref<8x64x128xf32, #tpu.memory_space<vmem>> -> memref<1x64x128xf32, #tpu.memory_space<vmem>>
      %dma_wait3A_917 = tpu.memref_squeeze %dma_wait3A_916 : memref<1x64x128xf32, #tpu.memory_space<vmem>> -> memref<64x128xf32, #tpu.memory_space<vmem>>
      %dma_wait3A_918 = arith.constant 0 : i32
      %dma_wait3A_919 = tpu.memref_slice %arg3[%dma_wait3A_918, %multiple_of3A_903] : memref<64x1000000xf32, #tpu.memory_space<hbm>> -> memref<64x128xf32, #tpu.memory_space<hbm>>
      tpu.wait_dma2 semaphore(%dma_wait3A_913 : memref<!tpu.dma_semaphore, #tpu.memory_space<semaphore_mem>>) src(%dma_wait3A_919 : memref<64x128xf32, #tpu.memory_space<hbm>>) dst(%dma_wait3A_917 : memref<64x128xf32, #tpu.memory_space<vmem>>)
      %and3A_920 = arith.constant 127 : i32
      %and3A_921 = arith.andi %squeeze3A_898, %and3A_920 : i32
      %broadcast_in_dim3A_922 = vector.broadcast %and3A_921 : i32 to vector<16xi32>
      %broadcast_in_dim3A_923 = vector.broadcast %add3A_885 : i32 to vector<16xi32>
      %add3A_924 = arith.constant 0 : i32
      %add3A_925 = vector.broadcast %add3A_924 : i32 to vector<16xi32>
      %add3A_926 = arith.addi %iota3A, %add3A_925 : vector<16xi32>
      %gather3A_927 = arith.constant 1 : i32
      %gather3A_928 = arith.constant 0 : i32
      %gather3A_929 = arith.constant 0 : i32
      %gather3A_930 = tpu.memref_slice %arg6[%gather3A_927, %gather3A_928, %gather3A_929] : memref<8x64x128xf32, #tpu.memory_space<vmem>> -> memref<1x64x128xf32, #tpu.memory_space<vmem>>
      %gather3A_931 = tpu.memref_squeeze %gather3A_930 : memref<1x64x128xf32, #tpu.memory_space<vmem>> -> memref<64x128xf32, #tpu.memory_space<vmem>>
      %gather3A_932 = tpu.vector_load_idx %gather3A_931[%add3A_926, %broadcast_in_dim3A_922] : memref<64x128xf32, #tpu.memory_space<vmem>>[vector<16xi32>, vector<16xi32>], vector<16xf32>,
      tpu.vector_store_idx %arg7[%add3A_926, %broadcast_in_dim3A_923], %gather3A_932 : memref<64x512xf32, #tpu.memory_space<vmem>>[vector<16xi32>, vector<16xi32>], vector<16xf32>,
      %add3A_933 = arith.constant 16 : i32
      %add3A_934 = vector.broadcast %add3A_933 : i32 to vector<16xi32>
      %add3A_935 = arith.addi %iota3A, %add3A_934 : vector<16xi32>
      %gather3A_936 = arith.constant 1 : i32
      %gather3A_937 = arith.constant 0 : i32
      %gather3A_938 = arith.constant 0 : i32
      %gather3A_939 = tpu.memref_slice %arg6[%gather3A_936, %gather3A_937, %gather3A_938] : memref<8x64x128xf32, #tpu.memory_space<vmem>> -> memref<1x64x128xf32, #tpu.memory_space<vmem>>
      %gather3A_940 = tpu.memref_squeeze %gather3A_939 : memref<1x64x128xf32, #tpu.memory_space<vmem>> -> memref<64x128xf32, #tpu.memory_space<vmem>>
      %gather3A_941 = tpu.vector_load_idx %gather3A_940[%add3A_935, %broadcast_in_dim3A_922] : memref<64x128xf32, #tpu.memory_space<vmem>>[vector<16xi32>, vector<16xi32>], vector<16xf32>,
      tpu.vector_store_idx %arg7[%add3A_935, %broadcast_in_dim3A_923], %gather3A_941 : memref<64x512xf32, #tpu.memory_space<vmem>>[vector<16xi32>, vector<16xi32>], vector<16xf32>,
      %add3A_942 = arith.constant 32 : i32
      %add3A_943 = vector.broadcast %add3A_942 : i32 to vector<16xi32>
      %add3A_944 = arith.addi %iota3A, %add3A_943 : vector<16xi32>
      %gather3A_945 = arith.constant 1 : i32
      %gather3A_946 = arith.constant 0 : i32
      %gather3A_947 = arith.constant 0 : i32
      %gather3A_948 = tpu.memref_slice %arg6[%gather3A_945, %gather3A_946, %gather3A_947] : memref<8x64x128xf32, #tpu.memory_space<vmem>> -> memref<1x64x128xf32, #tpu.memory_space<vmem>>
      %gather3A_949 = tpu.memref_squeeze %gather3A_948 : memref<1x64x128xf32, #tpu.memory_space<vmem>> -> memref<64x128xf32, #tpu.memory_space<vmem>>
      %gather3A_950 = tpu.vector_load_idx %gather3A_949[%add3A_944, %broadcast_in_dim3A_922] : memref<64x128xf32, #tpu.memory_space<vmem>>[vector<16xi32>, vector<16xi32>], vector<16xf32>,
      tpu.vector_store_idx %arg7[%add3A_944, %broadcast_in_dim3A_923], %gather3A_950 : memref<64x512xf32, #tpu.memory_space<vmem>>[vector<16xi32>, vector<16xi32>], vector<16xf32>,
      %add3A_951 = arith.constant 48 : i32
      %add3A_952 = vector.broadcast %add3A_951 : i32 to vector<16xi32>
      %add3A_953 = arith.addi %iota3A, %add3A_952 : vector<16xi32>
      %gather3A_954 = arith.constant 1 : i32
      %gather3A_955 = arith.constant 0 : i32
      %gather3A_956 = arith.constant 0 : i32
      %gather3A_957 = tpu.memref_slice %arg6[%gather3A_954, %gather3A_955, %gather3A_956] : memref<8x64x128xf32, #tpu.memory_space<vmem>> -> memref<1x64x128xf32, #tpu.memory_space<vmem>>
      %gather3A_958 = tpu.memref_squeeze %gather3A_957 : memref<1x64x128xf32, #tpu.memory_space<vmem>> -> memref<64x128xf32, #tpu.memory_space<vmem>>
      %gather3A_959 = tpu.vector_load_idx %gather3A_958[%add3A_953, %broadcast_in_dim3A_922] : memref<64x128xf32, #tpu.memory_space<vmem>>[vector<16xi32>, vector<16xi32>], vector<16xf32>,
      tpu.vector_store_idx %arg7[%add3A_953, %broadcast_in_dim3A_923], %gather3A_959 : memref<64x512xf32, #tpu.memory_space<vmem>>[vector<16xi32>, vector<16xi32>], vector<16xf32>,
      %mul3A_960 = arith.constant 16 : i32
      %mul3A_961 = arith.muli %scan3A_167, %mul3A_960 : i32
      %add3A_962 = arith.constant 10 : i32
      %add3A_963 = arith.addi %mul3A_961, %add3A_962 : i32
      %slice3A_964 = vector.extract_strided_slice %get3A_185 {offsets = [1], sizes = [1], strides = [1]} : vector<16xi32> to vector<1xi32>
      %squeeze3A_965 = vector.extract %slice3A_964[0] : i32 from vector<1xi32>
      %add3A_966 = arith.constant 8 : i32
      %add3A_967 = arith.addi %add3A_963, %add3A_966 : i32
      %sub3A_968 = arith.constant 1 : i32
      %sub3A_969 = arith.subi %add3A_967, %sub3A_968 : i32
      %lt3A_970 = arith.constant 512 : i32
      %lt3A_971 = arith.cmpi slt, %sub3A_969, %lt3A_970 : i32
      %convert_element_type3A_972 = arith.extui %lt3A_971 : i1 to i32
      %cond3A_973 = arith.constant 0 : i32
      %cond3A_974 = arith.cmpi ne, %convert_element_type3A_972, %cond3A_973 : i32
      scf.if %cond3A_974 {
        %shift_right_arithmetic3A_1428 = arith.constant 7 : i32
        %shift_right_arithmetic3A_1429 = arith.shrsi %squeeze3A_965, %shift_right_arithmetic3A_1428 : i32
        %shift_left3A_1430 = arith.constant 7 : i32
        %shift_left3A_1431 = arith.shli %shift_right_arithmetic3A_1429, %shift_left3A_1430 : i32
        %multiple_of3A_1432 = tpu.assume_multiple %shift_left3A_1431, 128 : i32
        %dma_start3A_1433 = arith.constant 1 : i32
        %dma_start3A_1434 = arith.constant 1 : i32
        %dma_start3A_1435 = arith.constant 0 : i32
        %dma_start3A_1436 = arith.constant 0 : i32
        %dma_start3A_1437 = tpu.memref_slice %arg6[%dma_start3A_1433, %dma_start3A_1435, %dma_start3A_1436] : memref<8x64x128xf32, #tpu.memory_space<vmem>> -> memref<1x64x128xf32, #tpu.memory_space<vmem>>
        %dma_start3A_1438 = tpu.memref_squeeze %dma_start3A_1437 : memref<1x64x128xf32, #tpu.memory_space<vmem>> -> memref<64x128xf32, #tpu.memory_space<vmem>>
        %dma_start3A_1439 = arith.constant 0 : i32
        %dma_start3A_1440 = tpu.memref_slice %arg3[%dma_start3A_1439, %multiple_of3A_1432] : memref<64x1000000xf32, #tpu.memory_space<hbm>> -> memref<64x128xf32, #tpu.memory_space<hbm>>
        %dma_start3A_1441 = tpu.memref_slice %arg8[%dma_start3A_1434] : memref<8x!tpu.dma_semaphore, #tpu.memory_space<semaphore_mem>> -> memref<1x!tpu.dma_semaphore, #tpu.memory_space<semaphore_mem>>
        %dma_start3A_1442 = tpu.memref_squeeze %dma_start3A_1441 : memref<1x!tpu.dma_semaphore, #tpu.memory_space<semaphore_mem>> -> memref<!tpu.dma_semaphore, #tpu.memory_space<semaphore_mem>>
        %dma_start3A_1443 = arith.constant 0 : i32
        %dma_start3A_1444 = arith.constant 0 : i32
        %dma_start3A_1445 = tpu.memref_slice %arg6[%dma_start3A_1433, %dma_start3A_1443, %dma_start3A_1444] : memref<8x64x128xf32, #tpu.memory_space<vmem>> -> memref<1x64x128xf32, #tpu.memory_space<vmem>>
        %dma_start3A_1446 = tpu.memref_squeeze %dma_start3A_1445 : memref<1x64x128xf32, #tpu.memory_space<vmem>> -> memref<64x128xf32, #tpu.memory_space<vmem>>
        %dma_start3A_1447 = arith.constant 0 : i32
        %dma_start3A_1448 = tpu.memref_slice %arg3[%dma_start3A_1447, %multiple_of3A_1432] : memref<64x1000000xf32, #tpu.memory_space<hbm>> -> memref<64x128xf32, #tpu.memory_space<hbm>>
        tpu.enqueue_dma source(%dma_start3A_1448 : memref<64x128xf32, #tpu.memory_space<hbm>>) target(%dma_start3A_1446 : memref<64x128xf32, #tpu.memory_space<vmem>>) target_semaphore(%dma_start3A_1442 : memref<!tpu.dma_semaphore, #tpu.memory_space<semaphore_mem>>)
      } else {
      }
      %slice3A_975 = vector.extract_strided_slice %scan3A_168 {offsets = [10], sizes = [1], strides = [1]} : vector<16xi32> to vector<1xi32>
      %squeeze3A_976 = vector.extract %slice3A_975[0] : i32 from vector<1xi32>
      %shift_right_arithmetic3A_977 = arith.constant 7 : i32
      %shift_right_arithmetic3A_978 = arith.shrsi %squeeze3A_976, %shift_right_arithmetic3A_977 : i32
      %shift_left3A_979 = arith.constant 7 : i32
      %shift_left3A_980 = arith.shli %shift_right_arithmetic3A_978, %shift_left3A_979 : i32
      %multiple_of3A_981 = tpu.assume_multiple %shift_left3A_980, 128 : i32
      %dma_wait3A_982 = arith.constant 2 : i32
      %dma_wait3A_983 = arith.constant 2 : i32
      %dma_wait3A_984 = arith.constant 0 : i32
      %dma_wait3A_985 = arith.constant 0 : i32
      %dma_wait3A_986 = tpu.memref_slice %arg6[%dma_wait3A_982, %dma_wait3A_984, %dma_wait3A_985] : memref<8x64x128xf32, #tpu.memory_space<vmem>> -> memref<1x64x128xf32, #tpu.memory_space<vmem>>
      %dma_wait3A_987 = tpu.memref_squeeze %dma_wait3A_986 : memref<1x64x128xf32, #tpu.memory_space<vmem>> -> memref<64x128xf32, #tpu.memory_space<vmem>>
      %dma_wait3A_988 = arith.constant 0 : i32
      %dma_wait3A_989 = tpu.memref_slice %arg3[%dma_wait3A_988, %multiple_of3A_981] : memref<64x1000000xf32, #tpu.memory_space<hbm>> -> memref<64x128xf32, #tpu.memory_space<hbm>>
      %dma_wait3A_990 = tpu.memref_slice %arg8[%dma_wait3A_983] : memref<8x!tpu.dma_semaphore, #tpu.memory_space<semaphore_mem>> -> memref<1x!tpu.dma_semaphore, #tpu.memory_space<semaphore_mem>>
      %dma_wait3A_991 = tpu.memref_squeeze %dma_wait3A_990 : memref<1x!tpu.dma_semaphore, #tpu.memory_space<semaphore_mem>> -> memref<!tpu.dma_semaphore, #tpu.memory_space<semaphore_mem>>
      %dma_wait3A_992 = arith.constant 0 : i32
      %dma_wait3A_993 = arith.constant 0 : i32
      %dma_wait3A_994 = tpu.memref_slice %arg6[%dma_wait3A_982, %dma_wait3A_992, %dma_wait3A_993] : memref<8x64x128xf32, #tpu.memory_space<vmem>> -> memref<1x64x128xf32, #tpu.memory_space<vmem>>
      %dma_wait3A_995 = tpu.memref_squeeze %dma_wait3A_994 : memref<1x64x128xf32, #tpu.memory_space<vmem>> -> memref<64x128xf32, #tpu.memory_space<vmem>>
      %dma_wait3A_996 = arith.constant 0 : i32
      %dma_wait3A_997 = tpu.memref_slice %arg3[%dma_wait3A_996, %multiple_of3A_981] : memref<64x1000000xf32, #tpu.memory_space<hbm>> -> memref<64x128xf32, #tpu.memory_space<hbm>>
      tpu.wait_dma2 semaphore(%dma_wait3A_991 : memref<!tpu.dma_semaphore, #tpu.memory_space<semaphore_mem>>) src(%dma_wait3A_997 : memref<64x128xf32, #tpu.memory_space<hbm>>) dst(%dma_wait3A_995 : memref<64x128xf32, #tpu.memory_space<vmem>>)
      %and3A_998 = arith.constant 127 : i32
      %and3A_999 = arith.andi %squeeze3A_976, %and3A_998 : i32
      %broadcast_in_dim3A_1000 = vector.broadcast %and3A_999 : i32 to vector<16xi32>
      %broadcast_in_dim3A_1001 = vector.broadcast %add3A_963 : i32 to vector<16xi32>
      %add3A_1002 = arith.constant 0 : i32
      %add3A_1003 = vector.broadcast %add3A_1002 : i32 to vector<16xi32>
      %add3A_1004 = arith.addi %iota3A, %add3A_1003 : vector<16xi32>
      %gather3A_1005 = arith.constant 2 : i32
      %gather3A_1006 = arith.constant 0 : i32
      %gather3A_1007 = arith.constant 0 : i32
      %gather3A_1008 = tpu.memref_slice %arg6[%gather3A_1005, %gather3A_1006, %gather3A_1007] : memref<8x64x128xf32, #tpu.memory_space<vmem>> -> memref<1x64x128xf32, #tpu.memory_space<vmem>>
      %gather3A_1009 = tpu.memref_squeeze %gather3A_1008 : memref<1x64x128xf32, #tpu.memory_space<vmem>> -> memref<64x128xf32, #tpu.memory_space<vmem>>
      %gather3A_1010 = tpu.vector_load_idx %gather3A_1009[%add3A_1004, %broadcast_in_dim3A_1000] : memref<64x128xf32, #tpu.memory_space<vmem>>[vector<16xi32>, vector<16xi32>], vector<16xf32>,
      tpu.vector_store_idx %arg7[%add3A_1004, %broadcast_in_dim3A_1001], %gather3A_1010 : memref<64x512xf32, #tpu.memory_space<vmem>>[vector<16xi32>, vector<16xi32>], vector<16xf32>,
      %add3A_1011 = arith.constant 16 : i32
      %add3A_1012 = vector.broadcast %add3A_1011 : i32 to vector<16xi32>
      %add3A_1013 = arith.addi %iota3A, %add3A_1012 : vector<16xi32>
      %gather3A_1014 = arith.constant 2 : i32
      %gather3A_1015 = arith.constant 0 : i32
      %gather3A_1016 = arith.constant 0 : i32
      %gather3A_1017 = tpu.memref_slice %arg6[%gather3A_1014, %gather3A_1015, %gather3A_1016] : memref<8x64x128xf32, #tpu.memory_space<vmem>> -> memref<1x64x128xf32, #tpu.memory_space<vmem>>
      %gather3A_1018 = tpu.memref_squeeze %gather3A_1017 : memref<1x64x128xf32, #tpu.memory_space<vmem>> -> memref<64x128xf32, #tpu.memory_space<vmem>>
      %gather3A_1019 = tpu.vector_load_idx %gather3A_1018[%add3A_1013, %broadcast_in_dim3A_1000] : memref<64x128xf32, #tpu.memory_space<vmem>>[vector<16xi32>, vector<16xi32>], vector<16xf32>,
      tpu.vector_store_idx %arg7[%add3A_1013, %broadcast_in_dim3A_1001], %gather3A_1019 : memref<64x512xf32, #tpu.memory_space<vmem>>[vector<16xi32>, vector<16xi32>], vector<16xf32>,
      %add3A_1020 = arith.constant 32 : i32
      %add3A_1021 = vector.broadcast %add3A_1020 : i32 to vector<16xi32>
      %add3A_1022 = arith.addi %iota3A, %add3A_1021 : vector<16xi32>
      %gather3A_1023 = arith.constant 2 : i32
      %gather3A_1024 = arith.constant 0 : i32
      %gather3A_1025 = arith.constant 0 : i32
      %gather3A_1026 = tpu.memref_slice %arg6[%gather3A_1023, %gather3A_1024, %gather3A_1025] : memref<8x64x128xf32, #tpu.memory_space<vmem>> -> memref<1x64x128xf32, #tpu.memory_space<vmem>>
      %gather3A_1027 = tpu.memref_squeeze %gather3A_1026 : memref<1x64x128xf32, #tpu.memory_space<vmem>> -> memref<64x128xf32, #tpu.memory_space<vmem>>
      %gather3A_1028 = tpu.vector_load_idx %gather3A_1027[%add3A_1022, %broadcast_in_dim3A_1000] : memref<64x128xf32, #tpu.memory_space<vmem>>[vector<16xi32>, vector<16xi32>], vector<16xf32>,
      tpu.vector_store_idx %arg7[%add3A_1022, %broadcast_in_dim3A_1001], %gather3A_1028 : memref<64x512xf32, #tpu.memory_space<vmem>>[vector<16xi32>, vector<16xi32>], vector<16xf32>,
      %add3A_1029 = arith.constant 48 : i32
      %add3A_1030 = vector.broadcast %add3A_1029 : i32 to vector<16xi32>
      %add3A_1031 = arith.addi %iota3A, %add3A_1030 : vector<16xi32>
      %gather3A_1032 = arith.constant 2 : i32
      %gather3A_1033 = arith.constant 0 : i32
      %gather3A_1034 = arith.constant 0 : i32
      %gather3A_1035 = tpu.memref_slice %arg6[%gather3A_1032, %gather3A_1033, %gather3A_1034] : memref<8x64x128xf32, #tpu.memory_space<vmem>> -> memref<1x64x128xf32, #tpu.memory_space<vmem>>
      %gather3A_1036 = tpu.memref_squeeze %gather3A_1035 : memref<1x64x128xf32, #tpu.memory_space<vmem>> -> memref<64x128xf32, #tpu.memory_space<vmem>>
      %gather3A_1037 = tpu.vector_load_idx %gather3A_1036[%add3A_1031, %broadcast_in_dim3A_1000] : memref<64x128xf32, #tpu.memory_space<vmem>>[vector<16xi32>, vector<16xi32>], vector<16xf32>,
      tpu.vector_store_idx %arg7[%add3A_1031, %broadcast_in_dim3A_1001], %gather3A_1037 : memref<64x512xf32, #tpu.memory_space<vmem>>[vector<16xi32>, vector<16xi32>], vector<16xf32>,
      %mul3A_1038 = arith.constant 16 : i32
      %mul3A_1039 = arith.muli %scan3A_167, %mul3A_1038 : i32
      %add3A_1040 = arith.constant 11 : i32
      %add3A_1041 = arith.addi %mul3A_1039, %add3A_1040 : i32
      %slice3A_1042 = vector.extract_strided_slice %get3A_185 {offsets = [2], sizes = [1], strides = [1]} : vector<16xi32> to vector<1xi32>
      %squeeze3A_1043 = vector.extract %slice3A_1042[0] : i32 from vector<1xi32>
      %add3A_1044 = arith.constant 8 : i32
      %add3A_1045 = arith.addi %add3A_1041, %add3A_1044 : i32
      %sub3A_1046 = arith.constant 1 : i32
      %sub3A_1047 = arith.subi %add3A_1045, %sub3A_1046 : i32
      %lt3A_1048 = arith.constant 512 : i32
      %lt3A_1049 = arith.cmpi slt, %sub3A_1047, %lt3A_1048 : i32
      %convert_element_type3A_1050 = arith.extui %lt3A_1049 : i1 to i32
      %cond3A_1051 = arith.constant 0 : i32
      %cond3A_1052 = arith.cmpi ne, %convert_element_type3A_1050, %cond3A_1051 : i32
      scf.if %cond3A_1052 {
        %shift_right_arithmetic3A_1428 = arith.constant 7 : i32
        %shift_right_arithmetic3A_1429 = arith.shrsi %squeeze3A_1043, %shift_right_arithmetic3A_1428 : i32
        %shift_left3A_1430 = arith.constant 7 : i32
        %shift_left3A_1431 = arith.shli %shift_right_arithmetic3A_1429, %shift_left3A_1430 : i32
        %multiple_of3A_1432 = tpu.assume_multiple %shift_left3A_1431, 128 : i32
        %dma_start3A_1433 = arith.constant 2 : i32
        %dma_start3A_1434 = arith.constant 2 : i32
        %dma_start3A_1435 = arith.constant 0 : i32
        %dma_start3A_1436 = arith.constant 0 : i32
        %dma_start3A_1437 = tpu.memref_slice %arg6[%dma_start3A_1433, %dma_start3A_1435, %dma_start3A_1436] : memref<8x64x128xf32, #tpu.memory_space<vmem>> -> memref<1x64x128xf32, #tpu.memory_space<vmem>>
        %dma_start3A_1438 = tpu.memref_squeeze %dma_start3A_1437 : memref<1x64x128xf32, #tpu.memory_space<vmem>> -> memref<64x128xf32, #tpu.memory_space<vmem>>
        %dma_start3A_1439 = arith.constant 0 : i32
        %dma_start3A_1440 = tpu.memref_slice %arg3[%dma_start3A_1439, %multiple_of3A_1432] : memref<64x1000000xf32, #tpu.memory_space<hbm>> -> memref<64x128xf32, #tpu.memory_space<hbm>>
        %dma_start3A_1441 = tpu.memref_slice %arg8[%dma_start3A_1434] : memref<8x!tpu.dma_semaphore, #tpu.memory_space<semaphore_mem>> -> memref<1x!tpu.dma_semaphore, #tpu.memory_space<semaphore_mem>>
        %dma_start3A_1442 = tpu.memref_squeeze %dma_start3A_1441 : memref<1x!tpu.dma_semaphore, #tpu.memory_space<semaphore_mem>> -> memref<!tpu.dma_semaphore, #tpu.memory_space<semaphore_mem>>
        %dma_start3A_1443 = arith.constant 0 : i32
        %dma_start3A_1444 = arith.constant 0 : i32
        %dma_start3A_1445 = tpu.memref_slice %arg6[%dma_start3A_1433, %dma_start3A_1443, %dma_start3A_1444] : memref<8x64x128xf32, #tpu.memory_space<vmem>> -> memref<1x64x128xf32, #tpu.memory_space<vmem>>
        %dma_start3A_1446 = tpu.memref_squeeze %dma_start3A_1445 : memref<1x64x128xf32, #tpu.memory_space<vmem>> -> memref<64x128xf32, #tpu.memory_space<vmem>>
        %dma_start3A_1447 = arith.constant 0 : i32
        %dma_start3A_1448 = tpu.memref_slice %arg3[%dma_start3A_1447, %multiple_of3A_1432] : memref<64x1000000xf32, #tpu.memory_space<hbm>> -> memref<64x128xf32, #tpu.memory_space<hbm>>
        tpu.enqueue_dma source(%dma_start3A_1448 : memref<64x128xf32, #tpu.memory_space<hbm>>) target(%dma_start3A_1446 : memref<64x128xf32, #tpu.memory_space<vmem>>) target_semaphore(%dma_start3A_1442 : memref<!tpu.dma_semaphore, #tpu.memory_space<semaphore_mem>>)
      } else {
      }
      %slice3A_1053 = vector.extract_strided_slice %scan3A_168 {offsets = [11], sizes = [1], strides = [1]} : vector<16xi32> to vector<1xi32>
      %squeeze3A_1054 = vector.extract %slice3A_1053[0] : i32 from vector<1xi32>
      %shift_right_arithmetic3A_1055 = arith.constant 7 : i32
      %shift_right_arithmetic3A_1056 = arith.shrsi %squeeze3A_1054, %shift_right_arithmetic3A_1055 : i32
      %shift_left3A_1057 = arith.constant 7 : i32
      %shift_left3A_1058 = arith.shli %shift_right_arithmetic3A_1056, %shift_left3A_1057 : i32
      %multiple_of3A_1059 = tpu.assume_multiple %shift_left3A_1058, 128 : i32
      %dma_wait3A_1060 = arith.constant 3 : i32
      %dma_wait3A_1061 = arith.constant 3 : i32
      %dma_wait3A_1062 = arith.constant 0 : i32
      %dma_wait3A_1063 = arith.constant 0 : i32
      %dma_wait3A_1064 = tpu.memref_slice %arg6[%dma_wait3A_1060, %dma_wait3A_1062, %dma_wait3A_1063] : memref<8x64x128xf32, #tpu.memory_space<vmem>> -> memref<1x64x128xf32, #tpu.memory_space<vmem>>
      %dma_wait3A_1065 = tpu.memref_squeeze %dma_wait3A_1064 : memref<1x64x128xf32, #tpu.memory_space<vmem>> -> memref<64x128xf32, #tpu.memory_space<vmem>>
      %dma_wait3A_1066 = arith.constant 0 : i32
      %dma_wait3A_1067 = tpu.memref_slice %arg3[%dma_wait3A_1066, %multiple_of3A_1059] : memref<64x1000000xf32, #tpu.memory_space<hbm>> -> memref<64x128xf32, #tpu.memory_space<hbm>>
      %dma_wait3A_1068 = tpu.memref_slice %arg8[%dma_wait3A_1061] : memref<8x!tpu.dma_semaphore, #tpu.memory_space<semaphore_mem>> -> memref<1x!tpu.dma_semaphore, #tpu.memory_space<semaphore_mem>>
      %dma_wait3A_1069 = tpu.memref_squeeze %dma_wait3A_1068 : memref<1x!tpu.dma_semaphore, #tpu.memory_space<semaphore_mem>> -> memref<!tpu.dma_semaphore, #tpu.memory_space<semaphore_mem>>
      %dma_wait3A_1070 = arith.constant 0 : i32
      %dma_wait3A_1071 = arith.constant 0 : i32
      %dma_wait3A_1072 = tpu.memref_slice %arg6[%dma_wait3A_1060, %dma_wait3A_1070, %dma_wait3A_1071] : memref<8x64x128xf32, #tpu.memory_space<vmem>> -> memref<1x64x128xf32, #tpu.memory_space<vmem>>
      %dma_wait3A_1073 = tpu.memref_squeeze %dma_wait3A_1072 : memref<1x64x128xf32, #tpu.memory_space<vmem>> -> memref<64x128xf32, #tpu.memory_space<vmem>>
      %dma_wait3A_1074 = arith.constant 0 : i32
      %dma_wait3A_1075 = tpu.memref_slice %arg3[%dma_wait3A_1074, %multiple_of3A_1059] : memref<64x1000000xf32, #tpu.memory_space<hbm>> -> memref<64x128xf32, #tpu.memory_space<hbm>>
      tpu.wait_dma2 semaphore(%dma_wait3A_1069 : memref<!tpu.dma_semaphore, #tpu.memory_space<semaphore_mem>>) src(%dma_wait3A_1075 : memref<64x128xf32, #tpu.memory_space<hbm>>) dst(%dma_wait3A_1073 : memref<64x128xf32, #tpu.memory_space<vmem>>)
      %and3A_1076 = arith.constant 127 : i32
      %and3A_1077 = arith.andi %squeeze3A_1054, %and3A_1076 : i32
      %broadcast_in_dim3A_1078 = vector.broadcast %and3A_1077 : i32 to vector<16xi32>
      %broadcast_in_dim3A_1079 = vector.broadcast %add3A_1041 : i32 to vector<16xi32>
      %add3A_1080 = arith.constant 0 : i32
      %add3A_1081 = vector.broadcast %add3A_1080 : i32 to vector<16xi32>
      %add3A_1082 = arith.addi %iota3A, %add3A_1081 : vector<16xi32>
      %gather3A_1083 = arith.constant 3 : i32
      %gather3A_1084 = arith.constant 0 : i32
      %gather3A_1085 = arith.constant 0 : i32
      %gather3A_1086 = tpu.memref_slice %arg6[%gather3A_1083, %gather3A_1084, %gather3A_1085] : memref<8x64x128xf32, #tpu.memory_space<vmem>> -> memref<1x64x128xf32, #tpu.memory_space<vmem>>
      %gather3A_1087 = tpu.memref_squeeze %gather3A_1086 : memref<1x64x128xf32, #tpu.memory_space<vmem>> -> memref<64x128xf32, #tpu.memory_space<vmem>>
      %gather3A_1088 = tpu.vector_load_idx %gather3A_1087[%add3A_1082, %broadcast_in_dim3A_1078] : memref<64x128xf32, #tpu.memory_space<vmem>>[vector<16xi32>, vector<16xi32>], vector<16xf32>,
      tpu.vector_store_idx %arg7[%add3A_1082, %broadcast_in_dim3A_1079], %gather3A_1088 : memref<64x512xf32, #tpu.memory_space<vmem>>[vector<16xi32>, vector<16xi32>], vector<16xf32>,
      %add3A_1089 = arith.constant 16 : i32
      %add3A_1090 = vector.broadcast %add3A_1089 : i32 to vector<16xi32>
      %add3A_1091 = arith.addi %iota3A, %add3A_1090 : vector<16xi32>
      %gather3A_1092 = arith.constant 3 : i32
      %gather3A_1093 = arith.constant 0 : i32
      %gather3A_1094 = arith.constant 0 : i32
      %gather3A_1095 = tpu.memref_slice %arg6[%gather3A_1092, %gather3A_1093, %gather3A_1094] : memref<8x64x128xf32, #tpu.memory_space<vmem>> -> memref<1x64x128xf32, #tpu.memory_space<vmem>>
      %gather3A_1096 = tpu.memref_squeeze %gather3A_1095 : memref<1x64x128xf32, #tpu.memory_space<vmem>> -> memref<64x128xf32, #tpu.memory_space<vmem>>
      %gather3A_1097 = tpu.vector_load_idx %gather3A_1096[%add3A_1091, %broadcast_in_dim3A_1078] : memref<64x128xf32, #tpu.memory_space<vmem>>[vector<16xi32>, vector<16xi32>], vector<16xf32>,
      tpu.vector_store_idx %arg7[%add3A_1091, %broadcast_in_dim3A_1079], %gather3A_1097 : memref<64x512xf32, #tpu.memory_space<vmem>>[vector<16xi32>, vector<16xi32>], vector<16xf32>,
      %add3A_1098 = arith.constant 32 : i32
      %add3A_1099 = vector.broadcast %add3A_1098 : i32 to vector<16xi32>
      %add3A_1100 = arith.addi %iota3A, %add3A_1099 : vector<16xi32>
      %gather3A_1101 = arith.constant 3 : i32
      %gather3A_1102 = arith.constant 0 : i32
      %gather3A_1103 = arith.constant 0 : i32
      %gather3A_1104 = tpu.memref_slice %arg6[%gather3A_1101, %gather3A_1102, %gather3A_1103] : memref<8x64x128xf32, #tpu.memory_space<vmem>> -> memref<1x64x128xf32, #tpu.memory_space<vmem>>
      %gather3A_1105 = tpu.memref_squeeze %gather3A_1104 : memref<1x64x128xf32, #tpu.memory_space<vmem>> -> memref<64x128xf32, #tpu.memory_space<vmem>>
      %gather3A_1106 = tpu.vector_load_idx %gather3A_1105[%add3A_1100, %broadcast_in_dim3A_1078] : memref<64x128xf32, #tpu.memory_space<vmem>>[vector<16xi32>, vector<16xi32>], vector<16xf32>,
      tpu.vector_store_idx %arg7[%add3A_1100, %broadcast_in_dim3A_1079], %gather3A_1106 : memref<64x512xf32, #tpu.memory_space<vmem>>[vector<16xi32>, vector<16xi32>], vector<16xf32>,
      %add3A_1107 = arith.constant 48 : i32
      %add3A_1108 = vector.broadcast %add3A_1107 : i32 to vector<16xi32>
      %add3A_1109 = arith.addi %iota3A, %add3A_1108 : vector<16xi32>
      %gather3A_1110 = arith.constant 3 : i32
      %gather3A_1111 = arith.constant 0 : i32
      %gather3A_1112 = arith.constant 0 : i32
      %gather3A_1113 = tpu.memref_slice %arg6[%gather3A_1110, %gather3A_1111, %gather3A_1112] : memref<8x64x128xf32, #tpu.memory_space<vmem>> -> memref<1x64x128xf32, #tpu.memory_space<vmem>>
      %gather3A_1114 = tpu.memref_squeeze %gather3A_1113 : memref<1x64x128xf32, #tpu.memory_space<vmem>> -> memref<64x128xf32, #tpu.memory_space<vmem>>
      %gather3A_1115 = tpu.vector_load_idx %gather3A_1114[%add3A_1109, %broadcast_in_dim3A_1078] : memref<64x128xf32, #tpu.memory_space<vmem>>[vector<16xi32>, vector<16xi32>], vector<16xf32>,
      tpu.vector_store_idx %arg7[%add3A_1109, %broadcast_in_dim3A_1079], %gather3A_1115 : memref<64x512xf32, #tpu.memory_space<vmem>>[vector<16xi32>, vector<16xi32>], vector<16xf32>,
      %mul3A_1116 = arith.constant 16 : i32
      %mul3A_1117 = arith.muli %scan3A_167, %mul3A_1116 : i32
      %add3A_1118 = arith.constant 12 : i32
      %add3A_1119 = arith.addi %mul3A_1117, %add3A_1118 : i32
      %slice3A_1120 = vector.extract_strided_slice %get3A_185 {offsets = [3], sizes = [1], strides = [1]} : vector<16xi32> to vector<1xi32>
      %squeeze3A_1121 = vector.extract %slice3A_1120[0] : i32 from vector<1xi32>
      %add3A_1122 = arith.constant 8 : i32
      %add3A_1123 = arith.addi %add3A_1119, %add3A_1122 : i32
      %sub3A_1124 = arith.constant 1 : i32
      %sub3A_1125 = arith.subi %add3A_1123, %sub3A_1124 : i32
      %lt3A_1126 = arith.constant 512 : i32
      %lt3A_1127 = arith.cmpi slt, %sub3A_1125, %lt3A_1126 : i32
      %convert_element_type3A_1128 = arith.extui %lt3A_1127 : i1 to i32
      %cond3A_1129 = arith.constant 0 : i32
      %cond3A_1130 = arith.cmpi ne, %convert_element_type3A_1128, %cond3A_1129 : i32
      scf.if %cond3A_1130 {
        %shift_right_arithmetic3A_1428 = arith.constant 7 : i32
        %shift_right_arithmetic3A_1429 = arith.shrsi %squeeze3A_1121, %shift_right_arithmetic3A_1428 : i32
        %shift_left3A_1430 = arith.constant 7 : i32
        %shift_left3A_1431 = arith.shli %shift_right_arithmetic3A_1429, %shift_left3A_1430 : i32
        %multiple_of3A_1432 = tpu.assume_multiple %shift_left3A_1431, 128 : i32
        %dma_start3A_1433 = arith.constant 3 : i32
        %dma_start3A_1434 = arith.constant 3 : i32
        %dma_start3A_1435 = arith.constant 0 : i32
        %dma_start3A_1436 = arith.constant 0 : i32
        %dma_start3A_1437 = tpu.memref_slice %arg6[%dma_start3A_1433, %dma_start3A_1435, %dma_start3A_1436] : memref<8x64x128xf32, #tpu.memory_space<vmem>> -> memref<1x64x128xf32, #tpu.memory_space<vmem>>
        %dma_start3A_1438 = tpu.memref_squeeze %dma_start3A_1437 : memref<1x64x128xf32, #tpu.memory_space<vmem>> -> memref<64x128xf32, #tpu.memory_space<vmem>>
        %dma_start3A_1439 = arith.constant 0 : i32
        %dma_start3A_1440 = tpu.memref_slice %arg3[%dma_start3A_1439, %multiple_of3A_1432] : memref<64x1000000xf32, #tpu.memory_space<hbm>> -> memref<64x128xf32, #tpu.memory_space<hbm>>
        %dma_start3A_1441 = tpu.memref_slice %arg8[%dma_start3A_1434] : memref<8x!tpu.dma_semaphore, #tpu.memory_space<semaphore_mem>> -> memref<1x!tpu.dma_semaphore, #tpu.memory_space<semaphore_mem>>
        %dma_start3A_1442 = tpu.memref_squeeze %dma_start3A_1441 : memref<1x!tpu.dma_semaphore, #tpu.memory_space<semaphore_mem>> -> memref<!tpu.dma_semaphore, #tpu.memory_space<semaphore_mem>>
        %dma_start3A_1443 = arith.constant 0 : i32
        %dma_start3A_1444 = arith.constant 0 : i32
        %dma_start3A_1445 = tpu.memref_slice %arg6[%dma_start3A_1433, %dma_start3A_1443, %dma_start3A_1444] : memref<8x64x128xf32, #tpu.memory_space<vmem>> -> memref<1x64x128xf32, #tpu.memory_space<vmem>>
        %dma_start3A_1446 = tpu.memref_squeeze %dma_start3A_1445 : memref<1x64x128xf32, #tpu.memory_space<vmem>> -> memref<64x128xf32, #tpu.memory_space<vmem>>
        %dma_start3A_1447 = arith.constant 0 : i32
        %dma_start3A_1448 = tpu.memref_slice %arg3[%dma_start3A_1447, %multiple_of3A_1432] : memref<64x1000000xf32, #tpu.memory_space<hbm>> -> memref<64x128xf32, #tpu.memory_space<hbm>>
        tpu.enqueue_dma source(%dma_start3A_1448 : memref<64x128xf32, #tpu.memory_space<hbm>>) target(%dma_start3A_1446 : memref<64x128xf32, #tpu.memory_space<vmem>>) target_semaphore(%dma_start3A_1442 : memref<!tpu.dma_semaphore, #tpu.memory_space<semaphore_mem>>)
      } else {
      }
      %slice3A_1131 = vector.extract_strided_slice %scan3A_168 {offsets = [12], sizes = [1], strides = [1]} : vector<16xi32> to vector<1xi32>
      %squeeze3A_1132 = vector.extract %slice3A_1131[0] : i32 from vector<1xi32>
      %shift_right_arithmetic3A_1133 = arith.constant 7 : i32
      %shift_right_arithmetic3A_1134 = arith.shrsi %squeeze3A_1132, %shift_right_arithmetic3A_1133 : i32
      %shift_left3A_1135 = arith.constant 7 : i32
      %shift_left3A_1136 = arith.shli %shift_right_arithmetic3A_1134, %shift_left3A_1135 : i32
      %multiple_of3A_1137 = tpu.assume_multiple %shift_left3A_1136, 128 : i32
      %dma_wait3A_1138 = arith.constant 4 : i32
      %dma_wait3A_1139 = arith.constant 4 : i32
      %dma_wait3A_1140 = arith.constant 0 : i32
      %dma_wait3A_1141 = arith.constant 0 : i32
      %dma_wait3A_1142 = tpu.memref_slice %arg6[%dma_wait3A_1138, %dma_wait3A_1140, %dma_wait3A_1141] : memref<8x64x128xf32, #tpu.memory_space<vmem>> -> memref<1x64x128xf32, #tpu.memory_space<vmem>>
      %dma_wait3A_1143 = tpu.memref_squeeze %dma_wait3A_1142 : memref<1x64x128xf32, #tpu.memory_space<vmem>> -> memref<64x128xf32, #tpu.memory_space<vmem>>
      %dma_wait3A_1144 = arith.constant 0 : i32
      %dma_wait3A_1145 = tpu.memref_slice %arg3[%dma_wait3A_1144, %multiple_of3A_1137] : memref<64x1000000xf32, #tpu.memory_space<hbm>> -> memref<64x128xf32, #tpu.memory_space<hbm>>
      %dma_wait3A_1146 = tpu.memref_slice %arg8[%dma_wait3A_1139] : memref<8x!tpu.dma_semaphore, #tpu.memory_space<semaphore_mem>> -> memref<1x!tpu.dma_semaphore, #tpu.memory_space<semaphore_mem>>
      %dma_wait3A_1147 = tpu.memref_squeeze %dma_wait3A_1146 : memref<1x!tpu.dma_semaphore, #tpu.memory_space<semaphore_mem>> -> memref<!tpu.dma_semaphore, #tpu.memory_space<semaphore_mem>>
      %dma_wait3A_1148 = arith.constant 0 : i32
      %dma_wait3A_1149 = arith.constant 0 : i32
      %dma_wait3A_1150 = tpu.memref_slice %arg6[%dma_wait3A_1138, %dma_wait3A_1148, %dma_wait3A_1149] : memref<8x64x128xf32, #tpu.memory_space<vmem>> -> memref<1x64x128xf32, #tpu.memory_space<vmem>>
      %dma_wait3A_1151 = tpu.memref_squeeze %dma_wait3A_1150 : memref<1x64x128xf32, #tpu.memory_space<vmem>> -> memref<64x128xf32, #tpu.memory_space<vmem>>
      %dma_wait3A_1152 = arith.constant 0 : i32
      %dma_wait3A_1153 = tpu.memref_slice %arg3[%dma_wait3A_1152, %multiple_of3A_1137] : memref<64x1000000xf32, #tpu.memory_space<hbm>> -> memref<64x128xf32, #tpu.memory_space<hbm>>
      tpu.wait_dma2 semaphore(%dma_wait3A_1147 : memref<!tpu.dma_semaphore, #tpu.memory_space<semaphore_mem>>) src(%dma_wait3A_1153 : memref<64x128xf32, #tpu.memory_space<hbm>>) dst(%dma_wait3A_1151 : memref<64x128xf32, #tpu.memory_space<vmem>>)
      %and3A_1154 = arith.constant 127 : i32
      %and3A_1155 = arith.andi %squeeze3A_1132, %and3A_1154 : i32
      %broadcast_in_dim3A_1156 = vector.broadcast %and3A_1155 : i32 to vector<16xi32>
      %broadcast_in_dim3A_1157 = vector.broadcast %add3A_1119 : i32 to vector<16xi32>
      %add3A_1158 = arith.constant 0 : i32
      %add3A_1159 = vector.broadcast %add3A_1158 : i32 to vector<16xi32>
      %add3A_1160 = arith.addi %iota3A, %add3A_1159 : vector<16xi32>
      %gather3A_1161 = arith.constant 4 : i32
      %gather3A_1162 = arith.constant 0 : i32
      %gather3A_1163 = arith.constant 0 : i32
      %gather3A_1164 = tpu.memref_slice %arg6[%gather3A_1161, %gather3A_1162, %gather3A_1163] : memref<8x64x128xf32, #tpu.memory_space<vmem>> -> memref<1x64x128xf32, #tpu.memory_space<vmem>>
      %gather3A_1165 = tpu.memref_squeeze %gather3A_1164 : memref<1x64x128xf32, #tpu.memory_space<vmem>> -> memref<64x128xf32, #tpu.memory_space<vmem>>
      %gather3A_1166 = tpu.vector_load_idx %gather3A_1165[%add3A_1160, %broadcast_in_dim3A_1156] : memref<64x128xf32, #tpu.memory_space<vmem>>[vector<16xi32>, vector<16xi32>], vector<16xf32>,
      tpu.vector_store_idx %arg7[%add3A_1160, %broadcast_in_dim3A_1157], %gather3A_1166 : memref<64x512xf32, #tpu.memory_space<vmem>>[vector<16xi32>, vector<16xi32>], vector<16xf32>,
      %add3A_1167 = arith.constant 16 : i32
      %add3A_1168 = vector.broadcast %add3A_1167 : i32 to vector<16xi32>
      %add3A_1169 = arith.addi %iota3A, %add3A_1168 : vector<16xi32>
      %gather3A_1170 = arith.constant 4 : i32
      %gather3A_1171 = arith.constant 0 : i32
      %gather3A_1172 = arith.constant 0 : i32
      %gather3A_1173 = tpu.memref_slice %arg6[%gather3A_1170, %gather3A_1171, %gather3A_1172] : memref<8x64x128xf32, #tpu.memory_space<vmem>> -> memref<1x64x128xf32, #tpu.memory_space<vmem>>
      %gather3A_1174 = tpu.memref_squeeze %gather3A_1173 : memref<1x64x128xf32, #tpu.memory_space<vmem>> -> memref<64x128xf32, #tpu.memory_space<vmem>>
      %gather3A_1175 = tpu.vector_load_idx %gather3A_1174[%add3A_1169, %broadcast_in_dim3A_1156] : memref<64x128xf32, #tpu.memory_space<vmem>>[vector<16xi32>, vector<16xi32>], vector<16xf32>,
      tpu.vector_store_idx %arg7[%add3A_1169, %broadcast_in_dim3A_1157], %gather3A_1175 : memref<64x512xf32, #tpu.memory_space<vmem>>[vector<16xi32>, vector<16xi32>], vector<16xf32>,
      %add3A_1176 = arith.constant 32 : i32
      %add3A_1177 = vector.broadcast %add3A_1176 : i32 to vector<16xi32>
      %add3A_1178 = arith.addi %iota3A, %add3A_1177 : vector<16xi32>
      %gather3A_1179 = arith.constant 4 : i32
      %gather3A_1180 = arith.constant 0 : i32
      %gather3A_1181 = arith.constant 0 : i32
      %gather3A_1182 = tpu.memref_slice %arg6[%gather3A_1179, %gather3A_1180, %gather3A_1181] : memref<8x64x128xf32, #tpu.memory_space<vmem>> -> memref<1x64x128xf32, #tpu.memory_space<vmem>>
      %gather3A_1183 = tpu.memref_squeeze %gather3A_1182 : memref<1x64x128xf32, #tpu.memory_space<vmem>> -> memref<64x128xf32, #tpu.memory_space<vmem>>
      %gather3A_1184 = tpu.vector_load_idx %gather3A_1183[%add3A_1178, %broadcast_in_dim3A_1156] : memref<64x128xf32, #tpu.memory_space<vmem>>[vector<16xi32>, vector<16xi32>], vector<16xf32>,
      tpu.vector_store_idx %arg7[%add3A_1178, %broadcast_in_dim3A_1157], %gather3A_1184 : memref<64x512xf32, #tpu.memory_space<vmem>>[vector<16xi32>, vector<16xi32>], vector<16xf32>,
      %add3A_1185 = arith.constant 48 : i32
      %add3A_1186 = vector.broadcast %add3A_1185 : i32 to vector<16xi32>
      %add3A_1187 = arith.addi %iota3A, %add3A_1186 : vector<16xi32>
      %gather3A_1188 = arith.constant 4 : i32
      %gather3A_1189 = arith.constant 0 : i32
      %gather3A_1190 = arith.constant 0 : i32
      %gather3A_1191 = tpu.memref_slice %arg6[%gather3A_1188, %gather3A_1189, %gather3A_1190] : memref<8x64x128xf32, #tpu.memory_space<vmem>> -> memref<1x64x128xf32, #tpu.memory_space<vmem>>
      %gather3A_1192 = tpu.memref_squeeze %gather3A_1191 : memref<1x64x128xf32, #tpu.memory_space<vmem>> -> memref<64x128xf32, #tpu.memory_space<vmem>>
      %gather3A_1193 = tpu.vector_load_idx %gather3A_1192[%add3A_1187, %broadcast_in_dim3A_1156] : memref<64x128xf32, #tpu.memory_space<vmem>>[vector<16xi32>, vector<16xi32>], vector<16xf32>,
      tpu.vector_store_idx %arg7[%add3A_1187, %broadcast_in_dim3A_1157], %gather3A_1193 : memref<64x512xf32, #tpu.memory_space<vmem>>[vector<16xi32>, vector<16xi32>], vector<16xf32>,
      %mul3A_1194 = arith.constant 16 : i32
      %mul3A_1195 = arith.muli %scan3A_167, %mul3A_1194 : i32
      %add3A_1196 = arith.constant 13 : i32
      %add3A_1197 = arith.addi %mul3A_1195, %add3A_1196 : i32
      %slice3A_1198 = vector.extract_strided_slice %get3A_185 {offsets = [4], sizes = [1], strides = [1]} : vector<16xi32> to vector<1xi32>
      %squeeze3A_1199 = vector.extract %slice3A_1198[0] : i32 from vector<1xi32>
      %add3A_1200 = arith.constant 8 : i32
      %add3A_1201 = arith.addi %add3A_1197, %add3A_1200 : i32
      %sub3A_1202 = arith.constant 1 : i32
      %sub3A_1203 = arith.subi %add3A_1201, %sub3A_1202 : i32
      %lt3A_1204 = arith.constant 512 : i32
      %lt3A_1205 = arith.cmpi slt, %sub3A_1203, %lt3A_1204 : i32
      %convert_element_type3A_1206 = arith.extui %lt3A_1205 : i1 to i32
      %cond3A_1207 = arith.constant 0 : i32
      %cond3A_1208 = arith.cmpi ne, %convert_element_type3A_1206, %cond3A_1207 : i32
      scf.if %cond3A_1208 {
        %shift_right_arithmetic3A_1428 = arith.constant 7 : i32
        %shift_right_arithmetic3A_1429 = arith.shrsi %squeeze3A_1199, %shift_right_arithmetic3A_1428 : i32
        %shift_left3A_1430 = arith.constant 7 : i32
        %shift_left3A_1431 = arith.shli %shift_right_arithmetic3A_1429, %shift_left3A_1430 : i32
        %multiple_of3A_1432 = tpu.assume_multiple %shift_left3A_1431, 128 : i32
        %dma_start3A_1433 = arith.constant 4 : i32
        %dma_start3A_1434 = arith.constant 4 : i32
        %dma_start3A_1435 = arith.constant 0 : i32
        %dma_start3A_1436 = arith.constant 0 : i32
        %dma_start3A_1437 = tpu.memref_slice %arg6[%dma_start3A_1433, %dma_start3A_1435, %dma_start3A_1436] : memref<8x64x128xf32, #tpu.memory_space<vmem>> -> memref<1x64x128xf32, #tpu.memory_space<vmem>>
        %dma_start3A_1438 = tpu.memref_squeeze %dma_start3A_1437 : memref<1x64x128xf32, #tpu.memory_space<vmem>> -> memref<64x128xf32, #tpu.memory_space<vmem>>
        %dma_start3A_1439 = arith.constant 0 : i32
        %dma_start3A_1440 = tpu.memref_slice %arg3[%dma_start3A_1439, %multiple_of3A_1432] : memref<64x1000000xf32, #tpu.memory_space<hbm>> -> memref<64x128xf32, #tpu.memory_space<hbm>>
        %dma_start3A_1441 = tpu.memref_slice %arg8[%dma_start3A_1434] : memref<8x!tpu.dma_semaphore, #tpu.memory_space<semaphore_mem>> -> memref<1x!tpu.dma_semaphore, #tpu.memory_space<semaphore_mem>>
        %dma_start3A_1442 = tpu.memref_squeeze %dma_start3A_1441 : memref<1x!tpu.dma_semaphore, #tpu.memory_space<semaphore_mem>> -> memref<!tpu.dma_semaphore, #tpu.memory_space<semaphore_mem>>
        %dma_start3A_1443 = arith.constant 0 : i32
        %dma_start3A_1444 = arith.constant 0 : i32
        %dma_start3A_1445 = tpu.memref_slice %arg6[%dma_start3A_1433, %dma_start3A_1443, %dma_start3A_1444] : memref<8x64x128xf32, #tpu.memory_space<vmem>> -> memref<1x64x128xf32, #tpu.memory_space<vmem>>
        %dma_start3A_1446 = tpu.memref_squeeze %dma_start3A_1445 : memref<1x64x128xf32, #tpu.memory_space<vmem>> -> memref<64x128xf32, #tpu.memory_space<vmem>>
        %dma_start3A_1447 = arith.constant 0 : i32
        %dma_start3A_1448 = tpu.memref_slice %arg3[%dma_start3A_1447, %multiple_of3A_1432] : memref<64x1000000xf32, #tpu.memory_space<hbm>> -> memref<64x128xf32, #tpu.memory_space<hbm>>
        tpu.enqueue_dma source(%dma_start3A_1448 : memref<64x128xf32, #tpu.memory_space<hbm>>) target(%dma_start3A_1446 : memref<64x128xf32, #tpu.memory_space<vmem>>) target_semaphore(%dma_start3A_1442 : memref<!tpu.dma_semaphore, #tpu.memory_space<semaphore_mem>>)
      } else {
      }
      %slice3A_1209 = vector.extract_strided_slice %scan3A_168 {offsets = [13], sizes = [1], strides = [1]} : vector<16xi32> to vector<1xi32>
      %squeeze3A_1210 = vector.extract %slice3A_1209[0] : i32 from vector<1xi32>
      %shift_right_arithmetic3A_1211 = arith.constant 7 : i32
      %shift_right_arithmetic3A_1212 = arith.shrsi %squeeze3A_1210, %shift_right_arithmetic3A_1211 : i32
      %shift_left3A_1213 = arith.constant 7 : i32
      %shift_left3A_1214 = arith.shli %shift_right_arithmetic3A_1212, %shift_left3A_1213 : i32
      %multiple_of3A_1215 = tpu.assume_multiple %shift_left3A_1214, 128 : i32
      %dma_wait3A_1216 = arith.constant 5 : i32
      %dma_wait3A_1217 = arith.constant 5 : i32
      %dma_wait3A_1218 = arith.constant 0 : i32
      %dma_wait3A_1219 = arith.constant 0 : i32
      %dma_wait3A_1220 = tpu.memref_slice %arg6[%dma_wait3A_1216, %dma_wait3A_1218, %dma_wait3A_1219] : memref<8x64x128xf32, #tpu.memory_space<vmem>> -> memref<1x64x128xf32, #tpu.memory_space<vmem>>
      %dma_wait3A_1221 = tpu.memref_squeeze %dma_wait3A_1220 : memref<1x64x128xf32, #tpu.memory_space<vmem>> -> memref<64x128xf32, #tpu.memory_space<vmem>>
      %dma_wait3A_1222 = arith.constant 0 : i32
      %dma_wait3A_1223 = tpu.memref_slice %arg3[%dma_wait3A_1222, %multiple_of3A_1215] : memref<64x1000000xf32, #tpu.memory_space<hbm>> -> memref<64x128xf32, #tpu.memory_space<hbm>>
      %dma_wait3A_1224 = tpu.memref_slice %arg8[%dma_wait3A_1217] : memref<8x!tpu.dma_semaphore, #tpu.memory_space<semaphore_mem>> -> memref<1x!tpu.dma_semaphore, #tpu.memory_space<semaphore_mem>>
      %dma_wait3A_1225 = tpu.memref_squeeze %dma_wait3A_1224 : memref<1x!tpu.dma_semaphore, #tpu.memory_space<semaphore_mem>> -> memref<!tpu.dma_semaphore, #tpu.memory_space<semaphore_mem>>
      %dma_wait3A_1226 = arith.constant 0 : i32
      %dma_wait3A_1227 = arith.constant 0 : i32
      %dma_wait3A_1228 = tpu.memref_slice %arg6[%dma_wait3A_1216, %dma_wait3A_1226, %dma_wait3A_1227] : memref<8x64x128xf32, #tpu.memory_space<vmem>> -> memref<1x64x128xf32, #tpu.memory_space<vmem>>
      %dma_wait3A_1229 = tpu.memref_squeeze %dma_wait3A_1228 : memref<1x64x128xf32, #tpu.memory_space<vmem>> -> memref<64x128xf32, #tpu.memory_space<vmem>>
      %dma_wait3A_1230 = arith.constant 0 : i32
      %dma_wait3A_1231 = tpu.memref_slice %arg3[%dma_wait3A_1230, %multiple_of3A_1215] : memref<64x1000000xf32, #tpu.memory_space<hbm>> -> memref<64x128xf32, #tpu.memory_space<hbm>>
      tpu.wait_dma2 semaphore(%dma_wait3A_1225 : memref<!tpu.dma_semaphore, #tpu.memory_space<semaphore_mem>>) src(%dma_wait3A_1231 : memref<64x128xf32, #tpu.memory_space<hbm>>) dst(%dma_wait3A_1229 : memref<64x128xf32, #tpu.memory_space<vmem>>)
      %and3A_1232 = arith.constant 127 : i32
      %and3A_1233 = arith.andi %squeeze3A_1210, %and3A_1232 : i32
      %broadcast_in_dim3A_1234 = vector.broadcast %and3A_1233 : i32 to vector<16xi32>
      %broadcast_in_dim3A_1235 = vector.broadcast %add3A_1197 : i32 to vector<16xi32>
      %add3A_1236 = arith.constant 0 : i32
      %add3A_1237 = vector.broadcast %add3A_1236 : i32 to vector<16xi32>
      %add3A_1238 = arith.addi %iota3A, %add3A_1237 : vector<16xi32>
      %gather3A_1239 = arith.constant 5 : i32
      %gather3A_1240 = arith.constant 0 : i32
      %gather3A_1241 = arith.constant 0 : i32
      %gather3A_1242 = tpu.memref_slice %arg6[%gather3A_1239, %gather3A_1240, %gather3A_1241] : memref<8x64x128xf32, #tpu.memory_space<vmem>> -> memref<1x64x128xf32, #tpu.memory_space<vmem>>
      %gather3A_1243 = tpu.memref_squeeze %gather3A_1242 : memref<1x64x128xf32, #tpu.memory_space<vmem>> -> memref<64x128xf32, #tpu.memory_space<vmem>>
      %gather3A_1244 = tpu.vector_load_idx %gather3A_1243[%add3A_1238, %broadcast_in_dim3A_1234] : memref<64x128xf32, #tpu.memory_space<vmem>>[vector<16xi32>, vector<16xi32>], vector<16xf32>,
      tpu.vector_store_idx %arg7[%add3A_1238, %broadcast_in_dim3A_1235], %gather3A_1244 : memref<64x512xf32, #tpu.memory_space<vmem>>[vector<16xi32>, vector<16xi32>], vector<16xf32>,
      %add3A_1245 = arith.constant 16 : i32
      %add3A_1246 = vector.broadcast %add3A_1245 : i32 to vector<16xi32>
      %add3A_1247 = arith.addi %iota3A, %add3A_1246 : vector<16xi32>
      %gather3A_1248 = arith.constant 5 : i32
      %gather3A_1249 = arith.constant 0 : i32
      %gather3A_1250 = arith.constant 0 : i32
      %gather3A_1251 = tpu.memref_slice %arg6[%gather3A_1248, %gather3A_1249, %gather3A_1250] : memref<8x64x128xf32, #tpu.memory_space<vmem>> -> memref<1x64x128xf32, #tpu.memory_space<vmem>>
      %gather3A_1252 = tpu.memref_squeeze %gather3A_1251 : memref<1x64x128xf32, #tpu.memory_space<vmem>> -> memref<64x128xf32, #tpu.memory_space<vmem>>
      %gather3A_1253 = tpu.vector_load_idx %gather3A_1252[%add3A_1247, %broadcast_in_dim3A_1234] : memref<64x128xf32, #tpu.memory_space<vmem>>[vector<16xi32>, vector<16xi32>], vector<16xf32>,
      tpu.vector_store_idx %arg7[%add3A_1247, %broadcast_in_dim3A_1235], %gather3A_1253 : memref<64x512xf32, #tpu.memory_space<vmem>>[vector<16xi32>, vector<16xi32>], vector<16xf32>,
      %add3A_1254 = arith.constant 32 : i32
      %add3A_1255 = vector.broadcast %add3A_1254 : i32 to vector<16xi32>
      %add3A_1256 = arith.addi %iota3A, %add3A_1255 : vector<16xi32>
      %gather3A_1257 = arith.constant 5 : i32
      %gather3A_1258 = arith.constant 0 : i32
      %gather3A_1259 = arith.constant 0 : i32
      %gather3A_1260 = tpu.memref_slice %arg6[%gather3A_1257, %gather3A_1258, %gather3A_1259] : memref<8x64x128xf32, #tpu.memory_space<vmem>> -> memref<1x64x128xf32, #tpu.memory_space<vmem>>
      %gather3A_1261 = tpu.memref_squeeze %gather3A_1260 : memref<1x64x128xf32, #tpu.memory_space<vmem>> -> memref<64x128xf32, #tpu.memory_space<vmem>>
      %gather3A_1262 = tpu.vector_load_idx %gather3A_1261[%add3A_1256, %broadcast_in_dim3A_1234] : memref<64x128xf32, #tpu.memory_space<vmem>>[vector<16xi32>, vector<16xi32>], vector<16xf32>,
      tpu.vector_store_idx %arg7[%add3A_1256, %broadcast_in_dim3A_1235], %gather3A_1262 : memref<64x512xf32, #tpu.memory_space<vmem>>[vector<16xi32>, vector<16xi32>], vector<16xf32>,
      %add3A_1263 = arith.constant 48 : i32
      %add3A_1264 = vector.broadcast %add3A_1263 : i32 to vector<16xi32>
      %add3A_1265 = arith.addi %iota3A, %add3A_1264 : vector<16xi32>
      %gather3A_1266 = arith.constant 5 : i32
      %gather3A_1267 = arith.constant 0 : i32
      %gather3A_1268 = arith.constant 0 : i32
      %gather3A_1269 = tpu.memref_slice %arg6[%gather3A_1266, %gather3A_1267, %gather3A_1268] : memref<8x64x128xf32, #tpu.memory_space<vmem>> -> memref<1x64x128xf32, #tpu.memory_space<vmem>>
      %gather3A_1270 = tpu.memref_squeeze %gather3A_1269 : memref<1x64x128xf32, #tpu.memory_space<vmem>> -> memref<64x128xf32, #tpu.memory_space<vmem>>
      %gather3A_1271 = tpu.vector_load_idx %gather3A_1270[%add3A_1265, %broadcast_in_dim3A_1234] : memref<64x128xf32, #tpu.memory_space<vmem>>[vector<16xi32>, vector<16xi32>], vector<16xf32>,
      tpu.vector_store_idx %arg7[%add3A_1265, %broadcast_in_dim3A_1235], %gather3A_1271 : memref<64x512xf32, #tpu.memory_space<vmem>>[vector<16xi32>, vector<16xi32>], vector<16xf32>,
      %mul3A_1272 = arith.constant 16 : i32
      %mul3A_1273 = arith.muli %scan3A_167, %mul3A_1272 : i32
      %add3A_1274 = arith.constant 14 : i32
      %add3A_1275 = arith.addi %mul3A_1273, %add3A_1274 : i32
      %slice3A_1276 = vector.extract_strided_slice %get3A_185 {offsets = [5], sizes = [1], strides = [1]} : vector<16xi32> to vector<1xi32>
      %squeeze3A_1277 = vector.extract %slice3A_1276[0] : i32 from vector<1xi32>
      %add3A_1278 = arith.constant 8 : i32
      %add3A_1279 = arith.addi %add3A_1275, %add3A_1278 : i32
      %sub3A_1280 = arith.constant 1 : i32
      %sub3A_1281 = arith.subi %add3A_1279, %sub3A_1280 : i32
      %lt3A_1282 = arith.constant 512 : i32
      %lt3A_1283 = arith.cmpi slt, %sub3A_1281, %lt3A_1282 : i32
      %convert_element_type3A_1284 = arith.extui %lt3A_1283 : i1 to i32
      %cond3A_1285 = arith.constant 0 : i32
      %cond3A_1286 = arith.cmpi ne, %convert_element_type3A_1284, %cond3A_1285 : i32
      scf.if %cond3A_1286 {
        %shift_right_arithmetic3A_1428 = arith.constant 7 : i32
        %shift_right_arithmetic3A_1429 = arith.shrsi %squeeze3A_1277, %shift_right_arithmetic3A_1428 : i32
        %shift_left3A_1430 = arith.constant 7 : i32
        %shift_left3A_1431 = arith.shli %shift_right_arithmetic3A_1429, %shift_left3A_1430 : i32
        %multiple_of3A_1432 = tpu.assume_multiple %shift_left3A_1431, 128 : i32
        %dma_start3A_1433 = arith.constant 5 : i32
        %dma_start3A_1434 = arith.constant 5 : i32
        %dma_start3A_1435 = arith.constant 0 : i32
        %dma_start3A_1436 = arith.constant 0 : i32
        %dma_start3A_1437 = tpu.memref_slice %arg6[%dma_start3A_1433, %dma_start3A_1435, %dma_start3A_1436] : memref<8x64x128xf32, #tpu.memory_space<vmem>> -> memref<1x64x128xf32, #tpu.memory_space<vmem>>
        %dma_start3A_1438 = tpu.memref_squeeze %dma_start3A_1437 : memref<1x64x128xf32, #tpu.memory_space<vmem>> -> memref<64x128xf32, #tpu.memory_space<vmem>>
        %dma_start3A_1439 = arith.constant 0 : i32
        %dma_start3A_1440 = tpu.memref_slice %arg3[%dma_start3A_1439, %multiple_of3A_1432] : memref<64x1000000xf32, #tpu.memory_space<hbm>> -> memref<64x128xf32, #tpu.memory_space<hbm>>
        %dma_start3A_1441 = tpu.memref_slice %arg8[%dma_start3A_1434] : memref<8x!tpu.dma_semaphore, #tpu.memory_space<semaphore_mem>> -> memref<1x!tpu.dma_semaphore, #tpu.memory_space<semaphore_mem>>
        %dma_start3A_1442 = tpu.memref_squeeze %dma_start3A_1441 : memref<1x!tpu.dma_semaphore, #tpu.memory_space<semaphore_mem>> -> memref<!tpu.dma_semaphore, #tpu.memory_space<semaphore_mem>>
        %dma_start3A_1443 = arith.constant 0 : i32
        %dma_start3A_1444 = arith.constant 0 : i32
        %dma_start3A_1445 = tpu.memref_slice %arg6[%dma_start3A_1433, %dma_start3A_1443, %dma_start3A_1444] : memref<8x64x128xf32, #tpu.memory_space<vmem>> -> memref<1x64x128xf32, #tpu.memory_space<vmem>>
        %dma_start3A_1446 = tpu.memref_squeeze %dma_start3A_1445 : memref<1x64x128xf32, #tpu.memory_space<vmem>> -> memref<64x128xf32, #tpu.memory_space<vmem>>
        %dma_start3A_1447 = arith.constant 0 : i32
        %dma_start3A_1448 = tpu.memref_slice %arg3[%dma_start3A_1447, %multiple_of3A_1432] : memref<64x1000000xf32, #tpu.memory_space<hbm>> -> memref<64x128xf32, #tpu.memory_space<hbm>>
        tpu.enqueue_dma source(%dma_start3A_1448 : memref<64x128xf32, #tpu.memory_space<hbm>>) target(%dma_start3A_1446 : memref<64x128xf32, #tpu.memory_space<vmem>>) target_semaphore(%dma_start3A_1442 : memref<!tpu.dma_semaphore, #tpu.memory_space<semaphore_mem>>)
      } else {
      }
      %slice3A_1287 = vector.extract_strided_slice %scan3A_168 {offsets = [14], sizes = [1], strides = [1]} : vector<16xi32> to vector<1xi32>
      %squeeze3A_1288 = vector.extract %slice3A_1287[0] : i32 from vector<1xi32>
      %shift_right_arithmetic3A_1289 = arith.constant 7 : i32
      %shift_right_arithmetic3A_1290 = arith.shrsi %squeeze3A_1288, %shift_right_arithmetic3A_1289 : i32
      %shift_left3A_1291 = arith.constant 7 : i32
      %shift_left3A_1292 = arith.shli %shift_right_arithmetic3A_1290, %shift_left3A_1291 : i32
      %multiple_of3A_1293 = tpu.assume_multiple %shift_left3A_1292, 128 : i32
      %dma_wait3A_1294 = arith.constant 6 : i32
      %dma_wait3A_1295 = arith.constant 6 : i32
      %dma_wait3A_1296 = arith.constant 0 : i32
      %dma_wait3A_1297 = arith.constant 0 : i32
      %dma_wait3A_1298 = tpu.memref_slice %arg6[%dma_wait3A_1294, %dma_wait3A_1296, %dma_wait3A_1297] : memref<8x64x128xf32, #tpu.memory_space<vmem>> -> memref<1x64x128xf32, #tpu.memory_space<vmem>>
      %dma_wait3A_1299 = tpu.memref_squeeze %dma_wait3A_1298 : memref<1x64x128xf32, #tpu.memory_space<vmem>> -> memref<64x128xf32, #tpu.memory_space<vmem>>
      %dma_wait3A_1300 = arith.constant 0 : i32
      %dma_wait3A_1301 = tpu.memref_slice %arg3[%dma_wait3A_1300, %multiple_of3A_1293] : memref<64x1000000xf32, #tpu.memory_space<hbm>> -> memref<64x128xf32, #tpu.memory_space<hbm>>
      %dma_wait3A_1302 = tpu.memref_slice %arg8[%dma_wait3A_1295] : memref<8x!tpu.dma_semaphore, #tpu.memory_space<semaphore_mem>> -> memref<1x!tpu.dma_semaphore, #tpu.memory_space<semaphore_mem>>
      %dma_wait3A_1303 = tpu.memref_squeeze %dma_wait3A_1302 : memref<1x!tpu.dma_semaphore, #tpu.memory_space<semaphore_mem>> -> memref<!tpu.dma_semaphore, #tpu.memory_space<semaphore_mem>>
      %dma_wait3A_1304 = arith.constant 0 : i32
      %dma_wait3A_1305 = arith.constant 0 : i32
      %dma_wait3A_1306 = tpu.memref_slice %arg6[%dma_wait3A_1294, %dma_wait3A_1304, %dma_wait3A_1305] : memref<8x64x128xf32, #tpu.memory_space<vmem>> -> memref<1x64x128xf32, #tpu.memory_space<vmem>>
      %dma_wait3A_1307 = tpu.memref_squeeze %dma_wait3A_1306 : memref<1x64x128xf32, #tpu.memory_space<vmem>> -> memref<64x128xf32, #tpu.memory_space<vmem>>
      %dma_wait3A_1308 = arith.constant 0 : i32
      %dma_wait3A_1309 = tpu.memref_slice %arg3[%dma_wait3A_1308, %multiple_of3A_1293] : memref<64x1000000xf32, #tpu.memory_space<hbm>> -> memref<64x128xf32, #tpu.memory_space<hbm>>
      tpu.wait_dma2 semaphore(%dma_wait3A_1303 : memref<!tpu.dma_semaphore, #tpu.memory_space<semaphore_mem>>) src(%dma_wait3A_1309 : memref<64x128xf32, #tpu.memory_space<hbm>>) dst(%dma_wait3A_1307 : memref<64x128xf32, #tpu.memory_space<vmem>>)
      %and3A_1310 = arith.constant 127 : i32
      %and3A_1311 = arith.andi %squeeze3A_1288, %and3A_1310 : i32
      %broadcast_in_dim3A_1312 = vector.broadcast %and3A_1311 : i32 to vector<16xi32>
      %broadcast_in_dim3A_1313 = vector.broadcast %add3A_1275 : i32 to vector<16xi32>
      %add3A_1314 = arith.constant 0 : i32
      %add3A_1315 = vector.broadcast %add3A_1314 : i32 to vector<16xi32>
      %add3A_1316 = arith.addi %iota3A, %add3A_1315 : vector<16xi32>
      %gather3A_1317 = arith.constant 6 : i32
      %gather3A_1318 = arith.constant 0 : i32
      %gather3A_1319 = arith.constant 0 : i32
      %gather3A_1320 = tpu.memref_slice %arg6[%gather3A_1317, %gather3A_1318, %gather3A_1319] : memref<8x64x128xf32, #tpu.memory_space<vmem>> -> memref<1x64x128xf32, #tpu.memory_space<vmem>>
      %gather3A_1321 = tpu.memref_squeeze %gather3A_1320 : memref<1x64x128xf32, #tpu.memory_space<vmem>> -> memref<64x128xf32, #tpu.memory_space<vmem>>
      %gather3A_1322 = tpu.vector_load_idx %gather3A_1321[%add3A_1316, %broadcast_in_dim3A_1312] : memref<64x128xf32, #tpu.memory_space<vmem>>[vector<16xi32>, vector<16xi32>], vector<16xf32>,
      tpu.vector_store_idx %arg7[%add3A_1316, %broadcast_in_dim3A_1313], %gather3A_1322 : memref<64x512xf32, #tpu.memory_space<vmem>>[vector<16xi32>, vector<16xi32>], vector<16xf32>,
      %add3A_1323 = arith.constant 16 : i32
      %add3A_1324 = vector.broadcast %add3A_1323 : i32 to vector<16xi32>
      %add3A_1325 = arith.addi %iota3A, %add3A_1324 : vector<16xi32>
      %gather3A_1326 = arith.constant 6 : i32
      %gather3A_1327 = arith.constant 0 : i32
      %gather3A_1328 = arith.constant 0 : i32
      %gather3A_1329 = tpu.memref_slice %arg6[%gather3A_1326, %gather3A_1327, %gather3A_1328] : memref<8x64x128xf32, #tpu.memory_space<vmem>> -> memref<1x64x128xf32, #tpu.memory_space<vmem>>
      %gather3A_1330 = tpu.memref_squeeze %gather3A_1329 : memref<1x64x128xf32, #tpu.memory_space<vmem>> -> memref<64x128xf32, #tpu.memory_space<vmem>>
      %gather3A_1331 = tpu.vector_load_idx %gather3A_1330[%add3A_1325, %broadcast_in_dim3A_1312] : memref<64x128xf32, #tpu.memory_space<vmem>>[vector<16xi32>, vector<16xi32>], vector<16xf32>,
      tpu.vector_store_idx %arg7[%add3A_1325, %broadcast_in_dim3A_1313], %gather3A_1331 : memref<64x512xf32, #tpu.memory_space<vmem>>[vector<16xi32>, vector<16xi32>], vector<16xf32>,
      %add3A_1332 = arith.constant 32 : i32
      %add3A_1333 = vector.broadcast %add3A_1332 : i32 to vector<16xi32>
      %add3A_1334 = arith.addi %iota3A, %add3A_1333 : vector<16xi32>
      %gather3A_1335 = arith.constant 6 : i32
      %gather3A_1336 = arith.constant 0 : i32
      %gather3A_1337 = arith.constant 0 : i32
      %gather3A_1338 = tpu.memref_slice %arg6[%gather3A_1335, %gather3A_1336, %gather3A_1337] : memref<8x64x128xf32, #tpu.memory_space<vmem>> -> memref<1x64x128xf32, #tpu.memory_space<vmem>>
      %gather3A_1339 = tpu.memref_squeeze %gather3A_1338 : memref<1x64x128xf32, #tpu.memory_space<vmem>> -> memref<64x128xf32, #tpu.memory_space<vmem>>
      %gather3A_1340 = tpu.vector_load_idx %gather3A_1339[%add3A_1334, %broadcast_in_dim3A_1312] : memref<64x128xf32, #tpu.memory_space<vmem>>[vector<16xi32>, vector<16xi32>], vector<16xf32>,
      tpu.vector_store_idx %arg7[%add3A_1334, %broadcast_in_dim3A_1313], %gather3A_1340 : memref<64x512xf32, #tpu.memory_space<vmem>>[vector<16xi32>, vector<16xi32>], vector<16xf32>,
      %add3A_1341 = arith.constant 48 : i32
      %add3A_1342 = vector.broadcast %add3A_1341 : i32 to vector<16xi32>
      %add3A_1343 = arith.addi %iota3A, %add3A_1342 : vector<16xi32>
      %gather3A_1344 = arith.constant 6 : i32
      %gather3A_1345 = arith.constant 0 : i32
      %gather3A_1346 = arith.constant 0 : i32
      %gather3A_1347 = tpu.memref_slice %arg6[%gather3A_1344, %gather3A_1345, %gather3A_1346] : memref<8x64x128xf32, #tpu.memory_space<vmem>> -> memref<1x64x128xf32, #tpu.memory_space<vmem>>
      %gather3A_1348 = tpu.memref_squeeze %gather3A_1347 : memref<1x64x128xf32, #tpu.memory_space<vmem>> -> memref<64x128xf32, #tpu.memory_space<vmem>>
      %gather3A_1349 = tpu.vector_load_idx %gather3A_1348[%add3A_1343, %broadcast_in_dim3A_1312] : memref<64x128xf32, #tpu.memory_space<vmem>>[vector<16xi32>, vector<16xi32>], vector<16xf32>,
      tpu.vector_store_idx %arg7[%add3A_1343, %broadcast_in_dim3A_1313], %gather3A_1349 : memref<64x512xf32, #tpu.memory_space<vmem>>[vector<16xi32>, vector<16xi32>], vector<16xf32>,
      %mul3A_1350 = arith.constant 16 : i32
      %mul3A_1351 = arith.muli %scan3A_167, %mul3A_1350 : i32
      %add3A_1352 = arith.constant 15 : i32
      %add3A_1353 = arith.addi %mul3A_1351, %add3A_1352 : i32
      %slice3A_1354 = vector.extract_strided_slice %get3A_185 {offsets = [6], sizes = [1], strides = [1]} : vector<16xi32> to vector<1xi32>
      %squeeze3A_1355 = vector.extract %slice3A_1354[0] : i32 from vector<1xi32>
      %add3A_1356 = arith.constant 8 : i32
      %add3A_1357 = arith.addi %add3A_1353, %add3A_1356 : i32
      %sub3A_1358 = arith.constant 1 : i32
      %sub3A_1359 = arith.subi %add3A_1357, %sub3A_1358 : i32
      %lt3A_1360 = arith.constant 512 : i32
      %lt3A_1361 = arith.cmpi slt, %sub3A_1359, %lt3A_1360 : i32
      %convert_element_type3A_1362 = arith.extui %lt3A_1361 : i1 to i32
      %cond3A_1363 = arith.constant 0 : i32
      %cond3A_1364 = arith.cmpi ne, %convert_element_type3A_1362, %cond3A_1363 : i32
      scf.if %cond3A_1364 {
        %shift_right_arithmetic3A_1428 = arith.constant 7 : i32
        %shift_right_arithmetic3A_1429 = arith.shrsi %squeeze3A_1355, %shift_right_arithmetic3A_1428 : i32
        %shift_left3A_1430 = arith.constant 7 : i32
        %shift_left3A_1431 = arith.shli %shift_right_arithmetic3A_1429, %shift_left3A_1430 : i32
        %multiple_of3A_1432 = tpu.assume_multiple %shift_left3A_1431, 128 : i32
        %dma_start3A_1433 = arith.constant 6 : i32
        %dma_start3A_1434 = arith.constant 6 : i32
        %dma_start3A_1435 = arith.constant 0 : i32
        %dma_start3A_1436 = arith.constant 0 : i32
        %dma_start3A_1437 = tpu.memref_slice %arg6[%dma_start3A_1433, %dma_start3A_1435, %dma_start3A_1436] : memref<8x64x128xf32, #tpu.memory_space<vmem>> -> memref<1x64x128xf32, #tpu.memory_space<vmem>>
        %dma_start3A_1438 = tpu.memref_squeeze %dma_start3A_1437 : memref<1x64x128xf32, #tpu.memory_space<vmem>> -> memref<64x128xf32, #tpu.memory_space<vmem>>
        %dma_start3A_1439 = arith.constant 0 : i32
        %dma_start3A_1440 = tpu.memref_slice %arg3[%dma_start3A_1439, %multiple_of3A_1432] : memref<64x1000000xf32, #tpu.memory_space<hbm>> -> memref<64x128xf32, #tpu.memory_space<hbm>>
        %dma_start3A_1441 = tpu.memref_slice %arg8[%dma_start3A_1434] : memref<8x!tpu.dma_semaphore, #tpu.memory_space<semaphore_mem>> -> memref<1x!tpu.dma_semaphore, #tpu.memory_space<semaphore_mem>>
        %dma_start3A_1442 = tpu.memref_squeeze %dma_start3A_1441 : memref<1x!tpu.dma_semaphore, #tpu.memory_space<semaphore_mem>> -> memref<!tpu.dma_semaphore, #tpu.memory_space<semaphore_mem>>
        %dma_start3A_1443 = arith.constant 0 : i32
        %dma_start3A_1444 = arith.constant 0 : i32
        %dma_start3A_1445 = tpu.memref_slice %arg6[%dma_start3A_1433, %dma_start3A_1443, %dma_start3A_1444] : memref<8x64x128xf32, #tpu.memory_space<vmem>> -> memref<1x64x128xf32, #tpu.memory_space<vmem>>
        %dma_start3A_1446 = tpu.memref_squeeze %dma_start3A_1445 : memref<1x64x128xf32, #tpu.memory_space<vmem>> -> memref<64x128xf32, #tpu.memory_space<vmem>>
        %dma_start3A_1447 = arith.constant 0 : i32
        %dma_start3A_1448 = tpu.memref_slice %arg3[%dma_start3A_1447, %multiple_of3A_1432] : memref<64x1000000xf32, #tpu.memory_space<hbm>> -> memref<64x128xf32, #tpu.memory_space<hbm>>
        tpu.enqueue_dma source(%dma_start3A_1448 : memref<64x128xf32, #tpu.memory_space<hbm>>) target(%dma_start3A_1446 : memref<64x128xf32, #tpu.memory_space<vmem>>) target_semaphore(%dma_start3A_1442 : memref<!tpu.dma_semaphore, #tpu.memory_space<semaphore_mem>>)
      } else {
      }
      %slice3A_1365 = vector.extract_strided_slice %scan3A_168 {offsets = [15], sizes = [1], strides = [1]} : vector<16xi32> to vector<1xi32>
      %squeeze3A_1366 = vector.extract %slice3A_1365[0] : i32 from vector<1xi32>
      %shift_right_arithmetic3A_1367 = arith.constant 7 : i32
      %shift_right_arithmetic3A_1368 = arith.shrsi %squeeze3A_1366, %shift_right_arithmetic3A_1367 : i32
      %shift_left3A_1369 = arith.constant 7 : i32
      %shift_left3A_1370 = arith.shli %shift_right_arithmetic3A_1368, %shift_left3A_1369 : i32
      %multiple_of3A_1371 = tpu.assume_multiple %shift_left3A_1370, 128 : i32
      %dma_wait3A_1372 = arith.constant 7 : i32
      %dma_wait3A_1373 = arith.constant 7 : i32
      %dma_wait3A_1374 = arith.constant 0 : i32
      %dma_wait3A_1375 = arith.constant 0 : i32
      %dma_wait3A_1376 = tpu.memref_slice %arg6[%dma_wait3A_1372, %dma_wait3A_1374, %dma_wait3A_1375] : memref<8x64x128xf32, #tpu.memory_space<vmem>> -> memref<1x64x128xf32, #tpu.memory_space<vmem>>
      %dma_wait3A_1377 = tpu.memref_squeeze %dma_wait3A_1376 : memref<1x64x128xf32, #tpu.memory_space<vmem>> -> memref<64x128xf32, #tpu.memory_space<vmem>>
      %dma_wait3A_1378 = arith.constant 0 : i32
      %dma_wait3A_1379 = tpu.memref_slice %arg3[%dma_wait3A_1378, %multiple_of3A_1371] : memref<64x1000000xf32, #tpu.memory_space<hbm>> -> memref<64x128xf32, #tpu.memory_space<hbm>>
      %dma_wait3A_1380 = tpu.memref_slice %arg8[%dma_wait3A_1373] : memref<8x!tpu.dma_semaphore, #tpu.memory_space<semaphore_mem>> -> memref<1x!tpu.dma_semaphore, #tpu.memory_space<semaphore_mem>>
      %dma_wait3A_1381 = tpu.memref_squeeze %dma_wait3A_1380 : memref<1x!tpu.dma_semaphore, #tpu.memory_space<semaphore_mem>> -> memref<!tpu.dma_semaphore, #tpu.memory_space<semaphore_mem>>
      %dma_wait3A_1382 = arith.constant 0 : i32
      %dma_wait3A_1383 = arith.constant 0 : i32
      %dma_wait3A_1384 = tpu.memref_slice %arg6[%dma_wait3A_1372, %dma_wait3A_1382, %dma_wait3A_1383] : memref<8x64x128xf32, #tpu.memory_space<vmem>> -> memref<1x64x128xf32, #tpu.memory_space<vmem>>
      %dma_wait3A_1385 = tpu.memref_squeeze %dma_wait3A_1384 : memref<1x64x128xf32, #tpu.memory_space<vmem>> -> memref<64x128xf32, #tpu.memory_space<vmem>>
      %dma_wait3A_1386 = arith.constant 0 : i32
      %dma_wait3A_1387 = tpu.memref_slice %arg3[%dma_wait3A_1386, %multiple_of3A_1371] : memref<64x1000000xf32, #tpu.memory_space<hbm>> -> memref<64x128xf32, #tpu.memory_space<hbm>>
      tpu.wait_dma2 semaphore(%dma_wait3A_1381 : memref<!tpu.dma_semaphore, #tpu.memory_space<semaphore_mem>>) src(%dma_wait3A_1387 : memref<64x128xf32, #tpu.memory_space<hbm>>) dst(%dma_wait3A_1385 : memref<64x128xf32, #tpu.memory_space<vmem>>)
      %and3A_1388 = arith.constant 127 : i32
      %and3A_1389 = arith.andi %squeeze3A_1366, %and3A_1388 : i32
      %broadcast_in_dim3A_1390 = vector.broadcast %and3A_1389 : i32 to vector<16xi32>
      %broadcast_in_dim3A_1391 = vector.broadcast %add3A_1353 : i32 to vector<16xi32>
      %add3A_1392 = arith.constant 0 : i32
      %add3A_1393 = vector.broadcast %add3A_1392 : i32 to vector<16xi32>
      %add3A_1394 = arith.addi %iota3A, %add3A_1393 : vector<16xi32>
      %gather3A_1395 = arith.constant 7 : i32
      %gather3A_1396 = arith.constant 0 : i32
      %gather3A_1397 = arith.constant 0 : i32
      %gather3A_1398 = tpu.memref_slice %arg6[%gather3A_1395, %gather3A_1396, %gather3A_1397] : memref<8x64x128xf32, #tpu.memory_space<vmem>> -> memref<1x64x128xf32, #tpu.memory_space<vmem>>
      %gather3A_1399 = tpu.memref_squeeze %gather3A_1398 : memref<1x64x128xf32, #tpu.memory_space<vmem>> -> memref<64x128xf32, #tpu.memory_space<vmem>>
      %gather3A_1400 = tpu.vector_load_idx %gather3A_1399[%add3A_1394, %broadcast_in_dim3A_1390] : memref<64x128xf32, #tpu.memory_space<vmem>>[vector<16xi32>, vector<16xi32>], vector<16xf32>,
      tpu.vector_store_idx %arg7[%add3A_1394, %broadcast_in_dim3A_1391], %gather3A_1400 : memref<64x512xf32, #tpu.memory_space<vmem>>[vector<16xi32>, vector<16xi32>], vector<16xf32>,
      %add3A_1401 = arith.constant 16 : i32
      %add3A_1402 = vector.broadcast %add3A_1401 : i32 to vector<16xi32>
      %add3A_1403 = arith.addi %iota3A, %add3A_1402 : vector<16xi32>
      %gather3A_1404 = arith.constant 7 : i32
      %gather3A_1405 = arith.constant 0 : i32
      %gather3A_1406 = arith.constant 0 : i32
      %gather3A_1407 = tpu.memref_slice %arg6[%gather3A_1404, %gather3A_1405, %gather3A_1406] : memref<8x64x128xf32, #tpu.memory_space<vmem>> -> memref<1x64x128xf32, #tpu.memory_space<vmem>>
      %gather3A_1408 = tpu.memref_squeeze %gather3A_1407 : memref<1x64x128xf32, #tpu.memory_space<vmem>> -> memref<64x128xf32, #tpu.memory_space<vmem>>
      %gather3A_1409 = tpu.vector_load_idx %gather3A_1408[%add3A_1403, %broadcast_in_dim3A_1390] : memref<64x128xf32, #tpu.memory_space<vmem>>[vector<16xi32>, vector<16xi32>], vector<16xf32>,
      tpu.vector_store_idx %arg7[%add3A_1403, %broadcast_in_dim3A_1391], %gather3A_1409 : memref<64x512xf32, #tpu.memory_space<vmem>>[vector<16xi32>, vector<16xi32>], vector<16xf32>,
      %add3A_1410 = arith.constant 32 : i32
      %add3A_1411 = vector.broadcast %add3A_1410 : i32 to vector<16xi32>
      %add3A_1412 = arith.addi %iota3A, %add3A_1411 : vector<16xi32>
      %gather3A_1413 = arith.constant 7 : i32
      %gather3A_1414 = arith.constant 0 : i32
      %gather3A_1415 = arith.constant 0 : i32
      %gather3A_1416 = tpu.memref_slice %arg6[%gather3A_1413, %gather3A_1414, %gather3A_1415] : memref<8x64x128xf32, #tpu.memory_space<vmem>> -> memref<1x64x128xf32, #tpu.memory_space<vmem>>
      %gather3A_1417 = tpu.memref_squeeze %gather3A_1416 : memref<1x64x128xf32, #tpu.memory_space<vmem>> -> memref<64x128xf32, #tpu.memory_space<vmem>>
      %gather3A_1418 = tpu.vector_load_idx %gather3A_1417[%add3A_1412, %broadcast_in_dim3A_1390] : memref<64x128xf32, #tpu.memory_space<vmem>>[vector<16xi32>, vector<16xi32>], vector<16xf32>,
      tpu.vector_store_idx %arg7[%add3A_1412, %broadcast_in_dim3A_1391], %gather3A_1418 : memref<64x512xf32, #tpu.memory_space<vmem>>[vector<16xi32>, vector<16xi32>], vector<16xf32>,
      %add3A_1419 = arith.constant 48 : i32
      %add3A_1420 = vector.broadcast %add3A_1419 : i32 to vector<16xi32>
      %add3A_1421 = arith.addi %iota3A, %add3A_1420 : vector<16xi32>
      %gather3A_1422 = arith.constant 7 : i32
      %gather3A_1423 = arith.constant 0 : i32
      %gather3A_1424 = arith.constant 0 : i32
      %gather3A_1425 = tpu.memref_slice %arg6[%gather3A_1422, %gather3A_1423, %gather3A_1424] : memref<8x64x128xf32, #tpu.memory_space<vmem>> -> memref<1x64x128xf32, #tpu.memory_space<vmem>>
      %gather3A_1426 = tpu.memref_squeeze %gather3A_1425 : memref<1x64x128xf32, #tpu.memory_space<vmem>> -> memref<64x128xf32, #tpu.memory_space<vmem>>
      %gather3A_1427 = tpu.vector_load_idx %gather3A_1426[%add3A_1421, %broadcast_in_dim3A_1390] : memref<64x128xf32, #tpu.memory_space<vmem>>[vector<16xi32>, vector<16xi32>], vector<16xf32>,
      tpu.vector_store_idx %arg7[%add3A_1421, %broadcast_in_dim3A_1391], %gather3A_1427 : memref<64x512xf32, #tpu.memory_space<vmem>>[vector<16xi32>, vector<16xi32>], vector<16xf32>,
      scf.yield %get3A_185 : vector<16xi32>
    }
    %scan3A_166 = arith.constant 32 : i32
    "tpu.region"() ({
      %run_scoped3A = tpu.sem_alloc : memref<!tpu.dma_semaphore, #tpu.memory_space<semaphore_mem>>
      %dma_start3A_167 = arith.constant 0 : i32
      %dma_start3A_168 = tpu.memref_slice %arg4[%dma_start3A_167, %multiple_of3A] : memref<64x16384xf32, #tpu.memory_space<hbm>> -> memref<64x512xf32, #tpu.memory_space<hbm>>
      %dma_start3A_169 = arith.constant 0 : i32
      %dma_start3A_170 = tpu.memref_slice %arg4[%dma_start3A_169, %multiple_of3A] : memref<64x16384xf32, #tpu.memory_space<hbm>> -> memref<64x512xf32, #tpu.memory_space<hbm>>
      tpu.enqueue_dma source(%arg7 : memref<64x512xf32, #tpu.memory_space<vmem>>) target(%dma_start3A_170 : memref<64x512xf32, #tpu.memory_space<hbm>>) target_semaphore(%run_scoped3A : memref<!tpu.dma_semaphore, #tpu.memory_space<semaphore_mem>>)
      %dma_wait3A = arith.constant 0 : i32
      %dma_wait3A_171 = tpu.memref_slice %arg4[%dma_wait3A, %multiple_of3A] : memref<64x16384xf32, #tpu.memory_space<hbm>> -> memref<64x512xf32, #tpu.memory_space<hbm>>
      %dma_wait3A_172 = arith.constant 0 : i32
      %dma_wait3A_173 = tpu.memref_slice %arg4[%dma_wait3A_172, %multiple_of3A] : memref<64x16384xf32, #tpu.memory_space<hbm>> -> memref<64x512xf32, #tpu.memory_space<hbm>>
      tpu.wait_dma2 semaphore(%run_scoped3A : memref<!tpu.dma_semaphore, #tpu.memory_space<semaphore_mem>>) src(%arg7 : memref<64x512xf32, #tpu.memory_space<vmem>>) dst(%dma_wait3A_173 : memref<64x512xf32, #tpu.memory_space<hbm>>)
      tpu.yield
    }) : () -> ()
    return
  }
}

</mosaic_0001>

<sc_bundles>
// kernel: kernel.3.cloned.1.call-start
scs
__scs_entry_jumppad:
0x0: {  	(pc) =	sbr.rel $0x88, $3  }
0x1: {  	(tag) =	ssettag $0x0;
	lr =	simm.s32 $0x1  }
0x2: {  	[smem:$0x3F9F] =	sst lr;
	_ =	strace $0xD0000000  }
0x3: {  	_ = 	snop  }
0x4: {  	_ = 	snop  }
0x5: {  	_ = 	snop  }
0x6: {  	_ = 	snop  }
0x7: {  	_ = 	snop  }
__scs_overlays_trampoline_lowered:
0x8: {  	[smem:$0x3FAE] =	sst s0  }
0x9: {  	[smem:$0x3FAF] =	sst s1  }
0xa: {  	[smem:$0x3FB0] =	sst s2  }
0xb: {  	[smem:$0x3FB1] =	sst s3  }
0xc: {  	[smem:$0x3FB2] =	sst s4  }
0xd: {  	[smem:$0x3FB3] =	sst s5  }
0xe: {  	[smem:$0x3FB4] =	sst s6  }
0xf: {  	[smem:$0x3FB5] =	sst s7  }
0x10: {  	[smem:$0x3FB6] =	sst s8  }
0x11: {  	[smem:$0x3FB7] =	sst s9;
	s0 =	simm.s32 @!p0 $0x0  }
0x12: {  	s1 =	sld [smem:$0x3F9D];
	s0 =	simm.s32 @p0 $0x1  }
0x13: {  	[smem:$0x3FB8] =	sst s0;
	s0 =	simm.s32 @!p1 $0x0  }
0x14: {  	s2 =	sld [smem:$0x3F9C];
	s0 =	simm.s32 @p1 $0x1  }
0x15: {  	[smem:$0x3FB9] =	sst s0;
	s0 =	simm.s32 @!p2 $0x0  }
0x16: {  	s3 =	sld [smem:$0x3FDB];
	s0 =	simm.s32 @p2 $0x1  }
0x17: {  	s4 =	simm.s32 $0x1BF5;
	[smem:$0x3FBB] =	sst s0  }
0x18: {  	s0 =	sld [smem:$0x3F9E];
	_ =	swait.ge [sflag:s4], $0x0  }
0x19: {  	s7 =	sld [smem:$0x3F9F]  }
0x1a: {  	s8 =	sadd.s32 $0xFFFFE003, lr  }
0x1b: {  	s9 =	sadd.s32 $0xFFFFFEF7, lr;
	s5 =	simm.s32 $0xFFFFFFFF;
	p2 =	slt.u32 s8, $0xFFFFF086  }
0x1c: {  	p1 =	slt.u32 s9, $0xF7A;
	s5 =	simm.s32 @!p2 $0x0  }
0x1d: {  	s5 =	simm.s32 @p1 $0x1;
	p0 =	seq.s32 s7, s2  }
0x1e: {  	s7 =	smul.u32 @!p0 $0xF7A, s2;
	p2 =	seq.s32 @!p0 s5, $0x0  }
0x1f: {  	s9 =	smul.u32 $0xF7A, s1;
	s8 =	simm.s32 @!p0 $0x1BF5;
	p2 =	por !p2, p0  }
0x20: {  	[sflag:s8] =	ssyncset.s32 @!p0 $0xFFFFF086;
	s6 =	sadd.s32 @!p0 s3, s7;
	s7 =	simm.s32 @!p0 $0x108  }
0x21: {  	s3 =	sadd.s32 s3, s9;
	s6 =	sadd.s32 @!p0 $0x88, s6;
	s7 =	simm.s32 @p2 $0x1082  }
0x22: {  	[simem:s7], [sflag:s8] =	dma.local @!p0 [hbm:s6], $0xF7A  }
0x23: {  	s9 =	sor.u32 $0xD0000000, s2;
	s6 =	simm.s32 $0x108;
	_ =	swait.ge @!p0 [sflag:s8], $0x0  }
0x24: {  	s3 =	sadd.s32 $0x88, s3;
	s6 =	simm.s32 @!p1 $0x1082;
	[sflag:s4] =	ssyncset.s32 $0xFFFFF086  }
0x25: {  	[simem:s6], [sflag:s4] =	dma.local [hbm:s3], $0xF7A  }
0x26: {  	[smem:$0x3F9F] =	sst s1;
	(tag) =	ssettag s2;
	_ =	strace s9  }
0x27: {  	s1 =	sld [smem:$0x3FAF]  }
0x28: {  	s2 =	sld [smem:$0x3FB0]  }
0x29: {  	s4 =	sld [smem:$0x3FB2]  }
0x2a: {  	p0 =	seq.s32 s5, $0x0;
	s5 =	sld [smem:$0x3FB3]  }
0x2b: {  	s6 =	sld [smem:$0x3FB4]  }
0x2c: {  	s7 =	sld [smem:$0x3FB5]  }
0x2d: {  	s3 =	simm.s32 $0x108;
	s8 =	sld [smem:$0x3FB6]  }
0x2e: {  	s3 =	simm.s32 @!p0 $0x1082;
	s9 =	sld [smem:$0x3FB7]  }
0x2f: {  	lr =	sadd.s32 s0, s3;
	s0 =	sld [smem:$0x3FAE]  }
0x30: {  	s3 =	sld [smem:$0x3FB1]  }
0x31: {  	[smem:$0x3FBA] =	sst s10  }
0x32: {  	s10 =	sld [smem:$0x3FB8];
	_ =	sdelay $0x3  }
0x33: {  	p0 =	seq.s32 s10, $0x1;
	s10 =	sld [smem:$0x3FBA];
	_ =	sdelay $0x3  }
0x34: {  	[smem:$0x3FBA] =	sst s10  }
0x35: {  	s10 =	sld [smem:$0x3FB9];
	_ =	sdelay $0x3  }
0x36: {  	p1 =	seq.s32 s10, $0x1;
	s10 =	sld [smem:$0x3FBA];
	_ =	sdelay $0x3  }
0x37: {  	[smem:$0x3FBA] =	sst s10  }
0x38: {  	s10 =	sld [smem:$0x3FBB]  }
0x39: {  	_ = 	snop;
	(pc) =	sbr.ind lr, $3  }
0x3a: {  	_ = 	snop  }
0x3b: {  	_ = 	snop  }
0x3c: {  	p2 =	seq.s32 s10, $0x1;
	s10 =	sld [smem:$0x3FBA]  }
0x3d: {  	_ =	shalt  }
0x3e: {  	_ =	shalt  }
0x3f: {  	_ =	shalt  }
0x40: {  	_ =	shalt  }
0x41: {  	_ =	shalt  }
0x42: {  	_ =	shalt  }
0x43: {  	_ =	shalt  }
0x44: {  	_ =	shalt  }
0x45: {  	_ =	shalt  }
0x46: {  	_ =	shalt  }
0x47: {  	_ =	shalt  }
0x48: {  	_ =	shalt  }
0x49: {  	_ =	shalt  }
0x4a: {  	_ =	shalt  }
0x4b: {  	_ =	shalt  }
0x4c: {  	_ =	shalt  }
0x4d: {  	_ =	shalt  }
0x4e: {  	_ =	shalt  }
0x4f: {  	_ =	shalt  }
0x50: {  	_ =	shalt  }
0x51: {  	_ =	shalt  }
0x52: {  	_ =	shalt  }
0x53: {  	_ =	shalt  }
0x54: {  	_ =	shalt  }
0x55: {  	_ =	shalt  }
0x56: {  	_ =	shalt  }
0x57: {  	_ =	shalt  }
0x58: {  	_ =	shalt  }
0x59: {  	_ =	shalt  }
0x5a: {  	_ =	shalt  }
0x5b: {  	_ =	shalt  }
0x5c: {  	_ =	shalt  }
0x5d: {  	_ =	shalt  }
0x5e: {  	_ =	shalt  }
0x5f: {  	_ =	shalt  }
0x60: {  	_ =	shalt  }
0x61: {  	_ =	shalt  }
0x62: {  	_ =	shalt  }
0x63: {  	_ =	shalt  }
0x64: {  	_ =	shalt  }
0x65: {  	_ =	shalt  }
0x66: {  	_ =	shalt  }
0x67: {  	_ =	shalt  }
0x68: {  	_ =	shalt  }
0x69: {  	_ =	shalt  }
0x6a: {  	_ =	shalt  }
0x6b: {  	_ =	shalt  }
0x6c: {  	_ =	shalt  }
0x6d: {  	_ =	shalt  }
0x6e: {  	_ =	shalt  }
0x6f: {  	_ =	shalt  }
0x70: {  	_ =	shalt  }
0x71: {  	_ =	shalt  }
0x72: {  	_ =	shalt  }
0x73: {  	_ =	shalt  }
0x74: {  	_ =	shalt  }
0x75: {  	_ =	shalt  }
0x76: {  	_ =	shalt  }
0x77: {  	_ =	shalt  }
0x78: {  	_ =	shalt  }
0x79: {  	_ =	shalt  }
0x7a: {  	_ =	shalt  }
0x7b: {  	_ =	shalt  }
0x7c: {  	_ =	shalt  }
0x7d: {  	_ =	shalt  }
0x7e: {  	_ =	shalt  }
0x7f: {  	_ =	shalt  }
0x80: {  	_ =	shalt  }
0x81: {  	_ =	shalt  }
0x82: {  	_ =	shalt  }
0x83: {  	_ =	shalt  }
0x84: {  	_ =	shalt  }
0x85: {  	_ =	shalt  }
0x86: {  	_ =	shalt  }
0x87: {  	_ =	shalt  }
.Lfunc_end0:
.L_simem_size_0:
called_computation_lowered:
.L_overlay_start_0:
0x88: {  	s2 =	sld [smem:$0x3FD9]  }
0x89: {  	s3 =	sld [smem:$0x3FFE];
	_ =	sdelay $0x1  }
0x8a: {  	s1 =	srdreg.scid  }
0x8b: {  	s0 =	sand.u32 $0x1, s1  }
0x8c: {  	s18 =	sshll.u32 s0, $0xA;
	s2 =	sadd.s32 s3, s2  }
0x8d: {  	s2 =	sadd.s32 s2, s18  }
0x8e: {  	[smem:$0x3FC6] =	sst s2  }
0x8f: {  	_ = 	snop  }
0x90: {  	s2 =	sld [smem:$0x3FC9]  }
0x91: {  	s19 =	sld [smem:$0x3FC8]  }
0x92: {  	s4 =	sld [smem:$0x3FD0];
	(tm) =	ssettm $0x1  }
0x93: {  	s5 =	sld [smem:$0x3FFB];
	_ =	sdelay $0x3  }
0x94: {  	_ =	strace s5  }
0x95: {  	s5 =	sld [smem:$0x3FFC];
	_ =	sdelay $0x3  }
0x96: {  	_ =	strace s5  }
0x97: {  	s5 =	sld [smem:$0x3FFD];
	_ =	sdelay $0x3  }
0x98: {  	_ =	strace s5  }
0x99: {  	_ =	strace $0x8FFFFFFF  }
0x9a: {  	s20 =	sld [smem:$0x3FDB];
	_ =	sdelay $0x1  }
0x9b: {  	s6 =	simm.s32 $_scs_section_size  }
0x9c: {  	s7 =	simm.s32 $_size__tile_overlayer_lowered;
	s8 =	simm.s32 $_tile_overlayer_lowered  }
0x9d: {  	s23 =	simm.s32 $0x1BFF;
	s22 =	sshll.u32 s8, $0x1;
	s5 =	sadd.s32 s6, s20  }
0x9e: {  	s9 =	simm.s32 $0x0;
	s21 =	sshll.u32 s7, $0x1;
	s7 =	sadd.s32 s22, s5  }
0x9f: {  	[timem:s9], [sflag:s23] =	dma.local [hbm:s7], s21  }
0xa0: {  	_ =	swait.ge [sflag:s23], s21  }
0xa1: {  	s6 =	ssub.s32 $0x0, s21;
	[sflag:s23] =	ssyncset.done $0x0  }
0xa2: {  	[sflag:s23] =	ssyncadd.s32 s6;
	_ =	sdelay $0x1  }
0xa3: {  	s24 =	simm.s32 $0x1B8B  }
0xa4: {  	_ =	swait.ge [sflag:s24], $0x1  }
0xa5: {  	[sflag:s24] =	ssyncset.done $0x0  }
0xa6: {  	s25 =	simm.s32 $0x1B8E;
	[sflag:s24] =	ssyncadd.s32 $0xFFFFFFFF  }
0xa7: {  	s26 =	simm.s32 $execute0_lowered;
	[smem:$0x3FD2] =	sst s25  }
0xa8: {  	s6 =	sshll.u32 s26, $0x1;
	_ =	strace $0x80000046;
	[dreg:$0x1] =	wrdreg $0xFFFFFFFF  }
0xa9: {  	s28 =	simm.s32 $_size_execute0_lowered;
	s5 =	sadd.s32 s5, s6;
	[dreg:$0x0] =	wrdreg $0x0  }
0xaa: {  	s6 =	sshll.u32 s28, $0x1;
	[dreg:$0x2] =	wrdreg s5  }
0xab: {  	[dreg:$0x3] =	wrdreg s6  }
0xac: {  	[dreg:$0x4] =	wrdreg $0xC0  }
0xad: {  	_ =	task [dreg:s9], $0x5FFFF  }
0xae: {  	[dreg:$0x1] =	wrdreg $0xFFFFFFFF  }
0xaf: {  	[dreg:$0x0] =	wrdreg $0x60  }
0xb0: {  	[dreg:$0x2] =	wrdreg s2  }
0xb1: {  	[dreg:$0x3] =	wrdreg s19  }
0xb2: {  	[dreg:$0x4] =	wrdreg s4  }
0xb3: {  	[dreg:$0x5] =	wrdreg $0x9  }
0xb4: {  	_ =	task.clear_ibuf [dreg:s9], $0x6FFFF;
	_ =	strace $0x90000046  }
0xb5: {  	s29 =	simm.s32 $0x9;
	_ =	strace $0x80000048  }
0xb6: {  	_ =	swait.ge [sflag:s29], $0x1  }
0xb7: {  	[sflag:s29] =	ssyncadd.s32 $0xFFFFFFFF  }
0xb8: {  	_ =	strace $0x90000048  }
0xb9: {  	_ =	sfence  }
0xba: {  	s30 =	sld [smem:$0x0];
	_ =	sdelay $0x2  }
0xbb: {  	s31 =	sshll.u32 s1, $0xD;
	s1 =	sshrl.u32 s1, $0x2  }
0xbc: {  	s3 =	sand.u32 $0x4000, s31;
	s1 =	sadd.s32 s1, s30  }
0xbd: {  	s0 =	sor.u32 s3, s0;
	s1 =	sshll.u32 s1, $0x11  }
0xbe: {  	s0 =	sor.u32 s1, s0  }
0xbf: {  	s0 =	sadd.s32 $0x8F2B, s0  }
0xc0: {  	[sflag:s0] =	ssyncadd.remote.s32 $0x1  }
0xc1: {  	_ =	sfence.sel $0xFFFF  }
0xc2: {  	[dreg:$0x0] =	wrdreg $0xFFFFFFFF;
	(pc) =	sbr.abs _section_cstart, $3  }
0xc3: {  	[dreg:$0x1] =	wrdreg $0xFFFFFFFF  }
0xc4: {  	_ =	task.clear_ibuf [dreg:s9], $0x2FFFF;
	_ =	strace $0x9FFFFFFF  }
0xc5: {  	(tm) =	ssettm $0x7FFFFFFF  }
tec
execute0_lowered:
.L_overlay_start_1:
0x0: {  	(tag) =	ssettag $0x1  }
0x1: {  	v0 =	vimm.s32 $0x1380;
	vm14 =	vcmask $0x300;
	vm13 =	vcmask $0x704  }
0x2: {  	vm12 =	vcmask $0xB08;
	vm11 =	vcmask $0xF0C;
	vm10 =	vcmask $0x1310  }
0x3: {  	vm9 =	vcmask $0x1714;
	vm8 =	vcmask $0x1B18;
	vm7 =	vcmask $0x1F1C  }
0x4: {  	vm6 =	vcmask $0x2320;
	vm5 =	vcmask $0x2724;
	vm4 =	vcmask $0x2B28  }
0x5: {  	vm3 =	vcmask $0x2F2C;
	v1 =	vlaneseq.u32;
	vm2 =	vcmask $0x3330  }
0x6: {  	vm1 =	vcmask $0x3734;
	vm0 =	vcmask $0x3B38;
	v3 =	vimm.s32 $0x3380  }
0x7: {  	v4 =	vimm.s32 $0x5380;
	v5 =	vimm.s32 $0x7380;
	v0 =	vsel vm14, $0x0, v0  }
0x8: {  	v3 =	vsel vm14, $0x2000, v3;
	v4 =	vsel vm14, $0x4000, v4;
	v5 =	vsel vm14, $0x6000, v5  }
0x9: {  	v0 =	vsel vm13, $0x80, v0;
	v3 =	vsel vm13, $0x2080, v3;
	v4 =	vsel vm13, $0x4080, v4  }
0xa: {  	v5 =	vsel vm13, $0x6080, v5;
	v0 =	vsel vm12, $0x100, v0;
	v3 =	vsel vm12, $0x2100, v3  }
0xb: {  	v4 =	vsel vm12, $0x4100, v4;
	v5 =	vsel vm12, $0x6100, v5;
	v0 =	vsel vm11, $0x180, v0  }
0xc: {  	v3 =	vsel vm11, $0x2180, v3;
	v4 =	vsel vm11, $0x4180, v4;
	v5 =	vsel vm11, $0x6180, v5  }
0xd: {  	s1 =	rddreg [dreg:$0x0];
	v0 =	vsel vm10, $0x200, v0;
	v3 =	vsel vm10, $0x2200, v3;
	v4 =	vsel vm10, $0x4200, v4  }
0xe: {  	s0 =	rddreg [dreg:$0x1];
	v5 =	vsel vm10, $0x6200, v5;
	v0 =	vsel vm9, $0x280, v0;
	v3 =	vsel vm9, $0x2280, v3  }
0xf: {  	s2 =	rddreg [dreg:$0x2];
	s3 =	srdreg.scid;
	v4 =	vsel vm9, $0x4280, v4;
	v5 =	vsel vm9, $0x6280, v5;
	v0 =	vsel vm8, $0x300, v0  }
0x10: {  	s4 =	stileid.u32;
	s6 =	simm.s32 $0x0;
	s8 =	simm.s32 $0x7A1400;
	v3 =	vsel vm8, $0x2300, v3;
	v4 =	vsel vm8, $0x4300, v4;
	v5 =	vsel vm8, $0x6300, v5  }
0x11: {  	s9 =	simm.s32 $0x400;
	s10 =	simm.s32 $0x200;
	s11 =	simm.s32 $0x2200;
	v0 =	vsel vm7, $0x380, v0;
	v3 =	vsel vm7, $0x2380, v3;
	v4 =	vsel vm7, $0x4380, v4  }
0x12: {  	s12 =	simm.s32 $0x4200;
	s13 =	simm.s32 $0x6200;
	s14 =	simm.s32 $0x8200;
	v5 =	vsel vm7, $0x6380, v5;
	v0 =	vsel vm6, $0x1000, v0;
	v3 =	vsel vm6, $0x3000, v3  }
0x13: {  	s15 =	simm.s32 $0xA200;
	s16 =	simm.s32 $0xC200;
	s17 =	simm.s32 $0xE200;
	v4 =	vsel vm6, $0x5000, v4;
	v5 =	vsel vm6, $0x7000, v5;
	v0 =	vsel vm5, $0x1080, v0  }
0x14: {  	s20 =	simm.s32 $0x1;
	s19 =	simm.s32 $0x10200;
	s30 =	simm.s32 $0x2;
	v3 =	vsel vm5, $0x3080, v3;
	v4 =	vsel vm5, $0x5080, v4;
	v5 =	vsel vm5, $0x7080, v5  }
0x15: {  	s28 =	simm.s32 $0x3;
	s22 =	simm.s32 $0x4;
	s23 =	simm.s32 $0x5;
	v0 =	vsel vm4, $0x1100, v0;
	v3 =	vsel vm4, $0x3100, v3;
	v4 =	vsel vm4, $0x5100, v4  }
0x16: {  	s24 =	simm.s32 $0x6;
	s3 =	sand.u32 $0x1, s3;
	s4 =	sshll.u32 s4, $0xA;
	v5 =	vsel vm4, $0x7100, v5;
	v2 =	vsel vm3, $0x1180, v0;
	v0 =	vmul.u32 $0x80, v1  }
0x17: {  	[smem:$0x7FF] =	sst s6;
	s5 =	sshll.u32 s3, $0x9;
	s3 =	ssub.s32 $0x2, s3;
	v3 =	vsel vm3, $0x3180, v3;
	v4 =	vsel vm3, $0x5180, v4;
	v5 =	vsel vm3, $0x7180, v5  }
0x18: {  	_ =	strace $0x80000047;
	s4 =	sor.u32 s5, s4;
	s25 =	sshrl.u32 s3, $0x1;
	v1 =	vsel vm2, $0x1200, v2;
	v3 =	vsel vm2, $0x3200, v3;
	v6 =	vsel vm2, $0x5200, v4  }
0x19: {  	s26 =	sshrl.u32 s4, $0x3;
	s3 =	ssub.s32 s3, s25;
	s29 =	sadd.s32 s2, s4;
	v5 =	vsel vm2, $0x7200, v5;
	v1 =	vsel vm1, $0x1280, v1;
	v2 =	vor.u32 $0x800, v0  }
0x1a: {  	s25 =	simm.s32 $0x7;
	s1 =	sadd.s32 s1, s26;
	[dreg:$0x5] =	wrdreg s29;
	v3 =	vsel vm1, $0x3280, v3;
	v4 =	vor.u32 $0x1000, v0;
	v6 =	vsel vm1, $0x5280, v6  }
0x1b: {  	s2 =	simm.s32 $0x0;
	s31 =	smax.u32 s3, $0x1;
	[dreg:$0x4] =	wrdreg s1;
	v7 =	vsel vm1, $0x7280, v5;
	v1 =	vsel vm0, $0x1300, v1;
	v3 =	vsel vm0, $0x3300, v3  }
0x1c: {  	s3 =	simm.s32 $0x9;
	s26 =	simm.s32 $0x8;
	[dreg:$0x6] =	wrdreg s31;
	v5 =	vsel vm0, $0x5300, v6;
	v6 =	vor.u32 $0x1800, v0;
	v7 =	vsel vm0, $0x7300, v7  }
.LBB2_1:
0x1d: {  	[dreg:$0x7] =	wrdreg s2  }
0x1e: {  	s1 =	simm.s32 $0x0;
	s29 =	rddreg [dreg:$0x4]  }
0x1f: {  	[tilespmem:s1], [sflag:$0x9] =	stream.linear.gather [hbm4b:s29+s1], $0x200, $0x38;
	[tilespmem:$0x18200] =	vst v63  }
0x20: {  	_ =	swait.ge [sflag:s3], $0x200  }
0x21: {  	[sflag:s3] =	ssyncset.done $0x0  }
0x22: {  	[sflag:s3] =	ssyncadd.s32 $0xFFFFFE00  }
0x23: {  	v9 =	vld [tilespmem:$0x0];
	_ =	sdelay $0x4  }
0x24: {  	(v2sf) =	vpush v9, $0x0;
	_ =	sdelay $0x1  }
0x25: {  	(v2sf) =	vpush v9, $0x1;
	_ =	sdelay $0x1  }
0x26: {  	(v2sf) =	vpush v9, $0x2;
	_ =	sdelay $0x5  }
0x27: {  	(v2sf) =	vpush v9, $0x3;
	_ =	sdelay $0x4  }
0x28: {  	s4 =	spop (v2sf);
	(v2sf) =	vpush v9, $0x4;
	_ =	sdelay $0x1  }
0x29: {  	s5 =	spop (v2sf);
	(v2sf) =	vpush v9, $0x5  }
0x2a: {  	s1 =	sand.u32 $0xFFFFF80, s4  }
0x2b: {  	s1 =	sadd.s32 s0, s1;
	s6 =	spop (v2sf)  }
0x2c: {  	(v2sf) =	vpush v9, $0x6;
	[tilespmem:s10], [sflag:$0x1] =	stream.strided.gather [hbm4b:s1+s9], $0x2000, s8, s9, $0x38;
	[tilespmem:$0x18200] =	vst v63  }
0x2d: {  	s1 =	sand.u32 $0xFFFFF80, s5  }
0x2e: {  	s1 =	sadd.s32 s0, s1  }
0x2f: {  	[tilespmem:s11], [sflag:$0x2] =	stream.strided.gather [hbm4b:s1+s9], $0x2000, s8, s9, $0x38;
	[tilespmem:$0x18200] =	vst v63  }
0x30: {  	s1 =	sand.u32 $0xFFFFF80, s6  }
0x31: {  	s7 =	spop (v2sf);
	s1 =	sadd.s32 s0, s1  }
0x32: {  	[tilespmem:s12], [sflag:$0x3] =	stream.strided.gather [hbm4b:s1+s9], $0x2000, s8, s9, $0x38;
	[tilespmem:$0x18200] =	vst v63  }
0x33: {  	s1 =	sand.u32 $0xFFFFF80, s7  }
0x34: {  	s1 =	sadd.s32 s0, s1  }
0x35: {  	[tilespmem:s13], [sflag:$0x4] =	stream.strided.gather [hbm4b:s1+s9], $0x2000, s8, s9, $0x38;
	[tilespmem:$0x18200] =	vst v63  }
0x36: {  	s18 =	spop (v2sf)  }
0x37: {  	s1 =	sand.u32 $0xFFFFF80, s18  }
0x38: {  	s21 =	spop (v2sf);
	s1 =	sadd.s32 s0, s1  }
0x39: {  	[tilespmem:s14], [sflag:$0x5] =	stream.strided.gather [hbm4b:s1+s9], $0x2000, s8, s9, $0x38;
	[tilespmem:$0x18200] =	vst v63  }
0x3a: {  	s1 =	sand.u32 $0xFFFFF80, s21  }
0x3b: {  	s29 =	spop (v2sf);
	s1 =	sadd.s32 s0, s1  }
0x3c: {  	[tilespmem:s15], [sflag:$0x6] =	stream.strided.gather [hbm4b:s1+s9], $0x2000, s8, s9, $0x38;
	[tilespmem:$0x18200] =	vst v63  }
0x3d: {  	s1 =	sand.u32 $0xFFFFF80, s29  }
0x3e: {  	s31 =	simm.s32 $0x0;
	s1 =	sadd.s32 s0, s1  }
0x3f: {  	[tilespmem:s16], [sflag:$0x7] =	stream.strided.gather [hbm4b:s1+s9], $0x2000, s8, s9, $0x38;
	[tilespmem:$0x18200] =	vst v63  }
.LBB2_2:
0x40: {  	(v2sf) =	vpush v9, $0x7  }
0x41: {  	(v2sf) =	vpush v9, $0x0;
	_ =	sdelay $0xd  }
0x42: {  	s2 =	spop (v2sf)  }
0x43: {  	s3 =	spop (v2sf)  }
0x44: {  	s1 =	sadd.s32 $0x10, s31;
	s5 =	sand.u32 $0xFFFFF80, s2;
	s3 =	sand.u32 $0x7F, s3  }
0x45: {  	s4 =	sand.u32 $0x1F0, s1;
	s29 =	sadd.s32 s0, s5;
	v10 =	vor.u32 s3, v0  }
0x46: {  	v11 =	vmov s31;
	v8 =	vld [tilespmem:s4+$0x0];
	[tilespmem:s17], [sflag:$0x8] =	stream.strided.gather [hbm4b:s29+s9], $0x2000, s8, s9, $0x38  }
0x47: {  	v12 =	vshll.u32 v11, $0x3;
	_ =	swait.ge [sflag:s20], $0x2000  }
0x48: {  	v11 =	vand.u32 $0x70, v11;
	v12 =	vand.u32 $0xC00, v12;
	[sflag:s20] =	ssyncset.done $0x0  }
0x49: {  	v11 =	vor.u32 v11, v12;
	[sflag:s20] =	ssyncadd.s32 $0xFFFFE000  }
0x4a: {  	v12 =	vor.u32 v1, v11;
	v10 =	vld.idx.msk [tilespmem:v10+s10+$0x0], $0xffff  }
0x4b: {  	v13 =	vor.u32 s3, v2;
	_ =	sdelay $0x3  }
0x4c: {  	(v2sf) =	vpush v9, $0x8;
	[tilespmem:v12+s19+$0x0] =	vst.idx.msk $0xffff, v10  }
0x4d: {  	v44 =	vor.u32 v3, v11;
	(v2sf) =	vpush v9, $0x1;
	v10 =	vld.idx.msk [tilespmem:v13+s10+$0x0], $0xffff  }
0x4e: {  	v45 =	vor.u32 s3, v4;
	_ =	sdelay $0x3  }
0x4f: {  	[tilespmem:v44+s19+$0x0] =	vst.idx.msk $0xffff, v10  }
0x50: {  	v46 =	vor.u32 v5, v11;
	v10 =	vld.idx.msk [tilespmem:v45+s10+$0x0], $0xffff  }
0x51: {  	v47 =	vor.u32 s3, v6;
	_ =	sdelay $0x3  }
0x52: {  	[tilespmem:v46+s19+$0x0] =	vst.idx.msk $0xffff, v10  }
0x53: {  	v11 =	vor.u32 v7, v11;
	v10 =	vld.idx.msk [tilespmem:v47+s10+$0x0], $0xffff;
	_ =	sdelay $0x1  }
0x54: {  	s29 =	spop (v2sf)  }
0x55: {  	s5 =	spop (v2sf)  }
0x56: {  	s6 =	sand.u32 $0xFFFFF80, s29;
	s3 =	sand.u32 $0x7F, s5  }
0x57: {  	s7 =	sadd.s32 $0x1, s31;
	s4 =	sadd.s32 s0, s6;
	[tilespmem:v11+s19+$0x0] =	vst.idx.msk $0xffff, v10;
	v10 =	vor.u32 s3, v0  }
0x58: {  	v11 =	vmov s7;
	[tilespmem:s10], [sflag:$0x1] =	stream.strided.gather [hbm4b:s4+s9], $0x2000, s8, s9, $0x38;
	[tilespmem:$0x18200] =	vst v63  }
0x59: {  	v48 =	vshll.u32 v11, $0x3;
	_ =	swait.ge [sflag:s30], $0x2000  }
0x5a: {  	v11 =	vand.u32 $0x71, v11;
	v12 =	vand.u32 $0xC00, v48;
	[sflag:s30] =	ssyncset.done $0x0  }
0x5b: {  	v11 =	vor.u32 v11, v12;
	[sflag:s30] =	ssyncadd.s32 $0xFFFFE000  }
0x5c: {  	v12 =	vor.u32 v1, v11;
	v10 =	vld.idx.msk [tilespmem:v10+s11+$0x0], $0xffff  }
0x5d: {  	v49 =	vor.u32 s3, v2;
	_ =	sdelay $0x3  }
0x5e: {  	(v2sf) =	vpush v9, $0x9;
	[tilespmem:v12+s19+$0x0] =	vst.idx.msk $0xffff, v10  }
0x5f: {  	v50 =	vor.u32 v3, v11;
	(v2sf) =	vpush v9, $0x2;
	v10 =	vld.idx.msk [tilespmem:v49+s11+$0x0], $0xffff  }
0x60: {  	v51 =	vor.u32 s3, v4;
	_ =	sdelay $0x3  }
0x61: {  	[tilespmem:v50+s19+$0x0] =	vst.idx.msk $0xffff, v10  }
0x62: {  	v52 =	vor.u32 v5, v11;
	v10 =	vld.idx.msk [tilespmem:v51+s11+$0x0], $0xffff  }
0x63: {  	v53 =	vor.u32 s3, v6;
	_ =	sdelay $0x3  }
0x64: {  	[tilespmem:v52+s19+$0x0] =	vst.idx.msk $0xffff, v10  }
0x65: {  	v11 =	vor.u32 v7, v11;
	v10 =	vld.idx.msk [tilespmem:v53+s11+$0x0], $0xffff;
	_ =	sdelay $0x1  }
0x66: {  	s3 =	spop (v2sf)  }
0x67: {  	s18 =	spop (v2sf)  }
0x68: {  	s21 =	sand.u32 $0xFFFFF80, s3;
	s4 =	sand.u32 $0x7F, s18  }
0x69: {  	s6 =	sadd.s32 $0x2, s31;
	s5 =	sadd.s32 s0, s21;
	[tilespmem:v11+s19+$0x0] =	vst.idx.msk $0xffff, v10;
	v10 =	vor.u32 s4, v0  }
0x6a: {  	v11 =	vmov s6;
	[tilespmem:s11], [sflag:$0x2] =	stream.strided.gather [hbm4b:s5+s9], $0x2000, s8, s9, $0x38;
	[tilespmem:$0x18200] =	vst v63  }
0x6b: {  	v54 =	vshll.u32 v11, $0x3;
	_ =	swait.ge [sflag:s28], $0x2000  }
0x6c: {  	v11 =	vand.u32 $0x72, v11;
	v12 =	vand.u32 $0xC00, v54;
	[sflag:s28] =	ssyncset.done $0x0  }
0x6d: {  	v11 =	vor.u32 v11, v12;
	[sflag:s28] =	ssyncadd.s32 $0xFFFFE000  }
0x6e: {  	v12 =	vor.u32 v1, v11;
	v10 =	vld.idx.msk [tilespmem:v10+s12+$0x0], $0xffff  }
0x6f: {  	v55 =	vor.u32 s4, v2;
	_ =	sdelay $0x3  }
0x70: {  	(v2sf) =	vpush v9, $0xA;
	[tilespmem:v12+s19+$0x0] =	vst.idx.msk $0xffff, v10  }
0x71: {  	v56 =	vor.u32 v3, v11;
	(v2sf) =	vpush v9, $0x3;
	v10 =	vld.idx.msk [tilespmem:v55+s12+$0x0], $0xffff  }
0x72: {  	v57 =	vor.u32 s4, v4;
	_ =	sdelay $0x3  }
0x73: {  	[tilespmem:v56+s19+$0x0] =	vst.idx.msk $0xffff, v10  }
0x74: {  	v58 =	vor.u32 v5, v11;
	v10 =	vld.idx.msk [tilespmem:v57+s12+$0x0], $0xffff  }
0x75: {  	v59 =	vor.u32 s4, v6;
	_ =	sdelay $0x3  }
0x76: {  	[tilespmem:v58+s19+$0x0] =	vst.idx.msk $0xffff, v10  }
0x77: {  	v11 =	vor.u32 v7, v11;
	v10 =	vld.idx.msk [tilespmem:v59+s12+$0x0], $0xffff;
	_ =	sdelay $0x1  }
0x78: {  	s28 =	spop (v2sf)  }
0x79: {  	s5 =	spop (v2sf)  }
0x7a: {  	s6 =	sand.u32 $0xFFFFF80, s28;
	s4 =	sand.u32 $0x7F, s5  }
0x7b: {  	s7 =	sadd.s32 $0x3, s31;
	s5 =	sadd.s32 s0, s6;
	[tilespmem:v11+s19+$0x0] =	vst.idx.msk $0xffff, v10;
	v10 =	vor.u32 s4, v0  }
0x7c: {  	v11 =	vmov s7;
	[tilespmem:s12], [sflag:$0x3] =	stream.strided.gather [hbm4b:s5+s9], $0x2000, s8, s9, $0x38;
	[tilespmem:$0x18200] =	vst v63  }
0x7d: {  	v60 =	vshll.u32 v11, $0x3;
	_ =	swait.ge [sflag:s22], $0x2000  }
0x7e: {  	v11 =	vand.u32 $0x73, v11;
	v12 =	vand.u32 $0xC00, v60;
	[sflag:s22] =	ssyncset.done $0x0  }
0x7f: {  	v11 =	vor.u32 v11, v12;
	[sflag:s22] =	ssyncadd.s32 $0xFFFFE000  }
0x80: {  	v12 =	vor.u32 v1, v11;
	v10 =	vld.idx.msk [tilespmem:v10+s13+$0x0], $0xffff  }
0x81: {  	v61 =	vor.u32 s4, v2;
	_ =	sdelay $0x3  }
0x82: {  	(v2sf) =	vpush v9, $0xB;
	[tilespmem:v12+s19+$0x0] =	vst.idx.msk $0xffff, v10  }
0x83: {  	v62 =	vor.u32 v3, v11;
	(v2sf) =	vpush v9, $0x4;
	v10 =	vld.idx.msk [tilespmem:v61+s13+$0x0], $0xffff  }
0x84: {  	v63 =	vor.u32 s4, v4;
	_ =	sdelay $0x3  }
0x85: {  	[tilespmem:v62+s19+$0x0] =	vst.idx.msk $0xffff, v10  }
0x86: {  	v16 =	vor.u32 v5, v11;
	v10 =	vld.idx.msk [tilespmem:v63+s13+$0x0], $0xffff  }
0x87: {  	v17 =	vor.u32 s4, v6;
	_ =	sdelay $0x3  }
0x88: {  	[tilespmem:v16+s19+$0x0] =	vst.idx.msk $0xffff, v10  }
0x89: {  	v11 =	vor.u32 v7, v11;
	v10 =	vld.idx.msk [tilespmem:v17+s13+$0x0], $0xffff;
	_ =	sdelay $0x1  }
0x8a: {  	s4 =	spop (v2sf)  }
0x8b: {  	s18 =	spop (v2sf)  }
0x8c: {  	s21 =	sand.u32 $0xFFFFF80, s4;
	s5 =	sand.u32 $0x7F, s18  }
0x8d: {  	s7 =	sadd.s32 $0x4, s31;
	s6 =	sadd.s32 s0, s21;
	[tilespmem:v11+s19+$0x0] =	vst.idx.msk $0xffff, v10;
	v10 =	vor.u32 s5, v0  }
0x8e: {  	v11 =	vmov s7;
	[tilespmem:s13], [sflag:$0x4] =	stream.strided.gather [hbm4b:s6+s9], $0x2000, s8, s9, $0x38;
	[tilespmem:$0x18200] =	vst v63  }
0x8f: {  	v18 =	vshll.u32 v11, $0x3;
	_ =	swait.ge [sflag:s23], $0x2000  }
0x90: {  	v11 =	vand.u32 $0x74, v11;
	v12 =	vand.u32 $0xC00, v18;
	[sflag:s23] =	ssyncset.done $0x0  }
0x91: {  	v11 =	vor.u32 v11, v12;
	[sflag:s23] =	ssyncadd.s32 $0xFFFFE000  }
0x92: {  	v12 =	vor.u32 v1, v11;
	v10 =	vld.idx.msk [tilespmem:v10+s14+$0x0], $0xffff  }
0x93: {  	v19 =	vor.u32 s5, v2;
	_ =	sdelay $0x3  }
0x94: {  	(v2sf) =	vpush v9, $0xC;
	[tilespmem:v12+s19+$0x0] =	vst.idx.msk $0xffff, v10  }
0x95: {  	v20 =	vor.u32 v3, v11;
	(v2sf) =	vpush v9, $0x5;
	v10 =	vld.idx.msk [tilespmem:v19+s14+$0x0], $0xffff  }
0x96: {  	v21 =	vor.u32 s5, v4;
	_ =	sdelay $0x3  }
0x97: {  	[tilespmem:v20+s19+$0x0] =	vst.idx.msk $0xffff, v10  }
0x98: {  	v22 =	vor.u32 v5, v11;
	v10 =	vld.idx.msk [tilespmem:v21+s14+$0x0], $0xffff  }
0x99: {  	v23 =	vor.u32 s5, v6;
	_ =	sdelay $0x3  }
0x9a: {  	[tilespmem:v22+s19+$0x0] =	vst.idx.msk $0xffff, v10  }
0x9b: {  	v11 =	vor.u32 v7, v11;
	v10 =	vld.idx.msk [tilespmem:v23+s14+$0x0], $0xffff;
	_ =	sdelay $0x1  }
0x9c: {  	s5 =	spop (v2sf)  }
0x9d: {  	s18 =	spop (v2sf)  }
0x9e: {  	s21 =	sand.u32 $0xFFFFF80, s5;
	s6 =	sand.u32 $0x7F, s18  }
0x9f: {  	s30 =	sadd.s32 $0x5, s31;
	s7 =	sadd.s32 s0, s21;
	[tilespmem:v11+s19+$0x0] =	vst.idx.msk $0xffff, v10;
	v10 =	vor.u32 s6, v0  }
0xa0: {  	v11 =	vmov s30;
	[tilespmem:s14], [sflag:$0x5] =	stream.strided.gather [hbm4b:s7+s9], $0x2000, s8, s9, $0x38;
	[tilespmem:$0x18200] =	vst v63  }
0xa1: {  	v24 =	vshll.u32 v11, $0x3;
	_ =	swait.ge [sflag:s24], $0x2000  }
0xa2: {  	v11 =	vand.u32 $0x75, v11;
	v12 =	vand.u32 $0xC00, v24;
	[sflag:s24] =	ssyncset.done $0x0  }
0xa3: {  	v11 =	vor.u32 v11, v12;
	[sflag:s24] =	ssyncadd.s32 $0xFFFFE000  }
0xa4: {  	v12 =	vor.u32 v1, v11;
	v10 =	vld.idx.msk [tilespmem:v10+s15+$0x0], $0xffff  }
0xa5: {  	v25 =	vor.u32 s6, v2;
	_ =	sdelay $0x3  }
0xa6: {  	(v2sf) =	vpush v9, $0xD;
	[tilespmem:v12+s19+$0x0] =	vst.idx.msk $0xffff, v10  }
0xa7: {  	v26 =	vor.u32 v3, v11;
	(v2sf) =	vpush v9, $0x6;
	v10 =	vld.idx.msk [tilespmem:v25+s15+$0x0], $0xffff  }
0xa8: {  	v27 =	vor.u32 s6, v4;
	_ =	sdelay $0x3  }
0xa9: {  	[tilespmem:v26+s19+$0x0] =	vst.idx.msk $0xffff, v10  }
0xaa: {  	v28 =	vor.u32 v5, v11;
	v10 =	vld.idx.msk [tilespmem:v27+s15+$0x0], $0xffff  }
0xab: {  	v29 =	vor.u32 s6, v6;
	_ =	sdelay $0x3  }
0xac: {  	[tilespmem:v28+s19+$0x0] =	vst.idx.msk $0xffff, v10  }
0xad: {  	v11 =	vor.u32 v7, v11;
	v10 =	vld.idx.msk [tilespmem:v29+s15+$0x0], $0xffff;
	_ =	sdelay $0x1  }
0xae: {  	s6 =	spop (v2sf)  }
0xaf: {  	s18 =	spop (v2sf)  }
0xb0: {  	s30 =	sand.u32 $0xFFFFF80, s6;
	s7 =	sand.u32 $0x7F, s18  }
0xb1: {  	s18 =	sadd.s32 $0x6, s31;
	s30 =	sadd.s32 s0, s30;
	[tilespmem:v11+s19+$0x0] =	vst.idx.msk $0xffff, v10;
	v10 =	vor.u32 s7, v0  }
0xb2: {  	v11 =	vmov s18;
	[tilespmem:s15], [sflag:$0x6] =	stream.strided.gather [hbm4b:s30+s9], $0x2000, s8, s9, $0x38;
	[tilespmem:$0x18200] =	vst v63  }
0xb3: {  	v30 =	vshll.u32 v11, $0x3;
	_ =	swait.ge [sflag:s25], $0x2000  }
0xb4: {  	v11 =	vand.u32 $0x76, v11;
	v12 =	vand.u32 $0xC00, v30;
	[sflag:s25] =	ssyncset.done $0x0  }
0xb5: {  	v11 =	vor.u32 v11, v12;
	[sflag:s25] =	ssyncadd.s32 $0xFFFFE000  }
0xb6: {  	v12 =	vor.u32 v1, v11;
	v10 =	vld.idx.msk [tilespmem:v10+s16+$0x0], $0xffff  }
0xb7: {  	v31 =	vor.u32 s7, v2;
	_ =	sdelay $0x3  }
0xb8: {  	[tilespmem:v12+s19+$0x0] =	vst.idx.msk $0xffff, v10  }
0xb9: {  	(v2sf) =	vpush v9, $0xE;
	v32 =	vor.u32 v3, v11;
	v10 =	vld.idx.msk [tilespmem:v31+s16+$0x0], $0xffff  }
0xba: {  	v33 =	vor.u32 s7, v4;
	_ =	sdelay $0x3  }
0xbb: {  	[tilespmem:v32+s19+$0x0] =	vst.idx.msk $0xffff, v10  }
0xbc: {  	v34 =	vor.u32 v5, v11;
	v10 =	vld.idx.msk [tilespmem:v33+s16+$0x0], $0xffff  }
0xbd: {  	v35 =	vor.u32 s7, v6;
	_ =	sdelay $0x3  }
0xbe: {  	[tilespmem:v34+s19+$0x0] =	vst.idx.msk $0xffff, v10  }
0xbf: {  	v11 =	vor.u32 v7, v11;
	v10 =	vld.idx.msk [tilespmem:v35+s16+$0x0], $0xffff;
	_ =	sdelay $0x2  }
0xc0: {  	s7 =	spop (v2sf)  }
0xc1: {  	s2 =	sand.u32 $0x7F, s2;
	s21 =	sand.u32 $0xFFFFF80, s7  }
0xc2: {  	s30 =	sadd.s32 $0x7, s31;
	s18 =	sadd.s32 s0, s21;
	[tilespmem:v11+s19+$0x0] =	vst.idx.msk $0xffff, v10;
	v10 =	vor.u32 s2, v0  }
0xc3: {  	v11 =	vmov s30;
	[tilespmem:s16], [sflag:$0x7] =	stream.strided.gather [hbm4b:s18+s9], $0x2000, s8, s9, $0x38;
	[tilespmem:$0x18200] =	vst v63  }
0xc4: {  	v36 =	vshll.u32 v11, $0x3;
	_ =	swait.ge [sflag:s26], $0x2000  }
0xc5: {  	v11 =	vand.u32 $0x77, v11;
	v12 =	vand.u32 $0xC00, v36;
	[sflag:s26] =	ssyncset.done $0x0  }
0xc6: {  	v11 =	vor.u32 v11, v12;
	[sflag:s26] =	ssyncadd.s32 $0xFFFFE000  }
0xc7: {  	v12 =	vor.u32 v1, v11;
	v10 =	vld.idx.msk [tilespmem:v10+s17+$0x0], $0xffff  }
0xc8: {  	v37 =	vor.u32 s2, v2;
	_ =	sdelay $0x3  }
0xc9: {  	[tilespmem:v12+s19+$0x0] =	vst.idx.msk $0xffff, v10  }
0xca: {  	(v2sf) =	vpush v9, $0xF;
	v38 =	vor.u32 v3, v11;
	v10 =	vld.idx.msk [tilespmem:v37+s17+$0x0], $0xffff  }
0xcb: {  	v9 =	vor.u32 s2, v4;
	_ =	sdelay $0x3  }
0xcc: {  	[tilespmem:v38+s19+$0x0] =	vst.idx.msk $0xffff, v10  }
0xcd: {  	v10 =	vor.u32 v5, v11;
	v9 =	vld.idx.msk [tilespmem:v9+s17+$0x0], $0xffff  }
0xce: {  	v39 =	vor.u32 s2, v6;
	_ =	sdelay $0x3  }
0xcf: {  	[tilespmem:v10+s19+$0x0] =	vst.idx.msk $0xffff, v9  }
0xd0: {  	v10 =	vor.u32 v7, v11;
	v9 =	vld.idx.msk [tilespmem:v39+s17+$0x0], $0xffff;
	_ =	sdelay $0x2  }
0xd1: {  	s2 =	spop (v2sf)  }
0xd2: {  	s29 =	sand.u32 $0x7F, s29;
	s21 =	sand.u32 $0xFFFFF80, s2  }
0xd3: {  	s30 =	sadd.s32 $0x8, s31;
	s18 =	sadd.s32 s0, s21;
	[tilespmem:v10+s19+$0x0] =	vst.idx.msk $0xffff, v9;
	v9 =	vor.u32 s29, v0  }
0xd4: {  	v10 =	vmov s30;
	[tilespmem:s17], [sflag:$0x8] =	stream.strided.gather [hbm4b:s18+s9], $0x2000, s8, s9, $0x38;
	[tilespmem:$0x18200] =	vst v63  }
0xd5: {  	v11 =	vshll.u32 v10, $0x3;
	_ =	swait.ge [sflag:s20], $0x2000  }
0xd6: {  	v10 =	vand.u32 $0x78, v10;
	v11 =	vand.u32 $0xC00, v11;
	[sflag:s20] =	ssyncset.done $0x0  }
0xd7: {  	v10 =	vor.u32 v10, v11;
	[sflag:s20] =	ssyncadd.s32 $0xFFFFE000  }
0xd8: {  	v11 =	vor.u32 v1, v10;
	v9 =	vld.idx.msk [tilespmem:v9+s10+$0x0], $0xffff  }
0xd9: {  	v40 =	vor.u32 s29, v2;
	_ =	sdelay $0x3  }
0xda: {  	p0 =	seq.s32 s31, $0x1F0;
	[tilespmem:v11+s19+$0x0] =	vst.idx.msk $0xffff, v9  }
0xdb: {  	(v2sf) =	vpush @!p0 v8, $0x0;
	v11 =	vor.u32 v3, v10;
	v9 =	vld.idx.msk [tilespmem:v40+s10+$0x0], $0xffff  }
0xdc: {  	v41 =	vor.u32 s29, v4;
	_ =	sdelay $0x3  }
0xdd: {  	[tilespmem:v11+s19+$0x0] =	vst.idx.msk $0xffff, v9  }
0xde: {  	v11 =	vor.u32 v5, v10;
	v9 =	vld.idx.msk [tilespmem:v41+s10+$0x0], $0xffff  }
0xdf: {  	v42 =	vor.u32 s29, v6;
	_ =	sdelay $0x3  }
0xe0: {  	[tilespmem:v11+s19+$0x0] =	vst.idx.msk $0xffff, v9  }
0xe1: {  	v10 =	vor.u32 v7, v10;
	v9 =	vld.idx.msk [tilespmem:v42+s10+$0x0], $0xffff;
	_ =	sdelay $0x2  }
0xe2: {  	s21 =	simm.s32 @!p0 $0x200;
	s29 =	simm.s32 @!p0 $0x7A1400;
	s18 =	spop @!p0 (v2sf)  }
0xe3: {  	s30 =	sadd.s32 $0x9, s31;
	s20 =	sand.u32 $0x7F, s3;
	s18 =	sand.u32 @!p0 $0xFFFFF80, s18  }
0xe4: {  	s3 =	simm.s32 @!p0 $0x400;
	s18 =	sadd.s32 @!p0 s0, s18;
	[tilespmem:v10+s19+$0x0] =	vst.idx.msk $0xffff, v9;
	v9 =	vor.u32 s20, v0;
	v10 =	vmov s30;
	s30 =	simm.s32 $0x2  }
0xe5: {  	[tilespmem:s21], [sflag:$0x1] =	stream.strided.gather @!p0 [hbm4b:s18+s3], $0x2000, s29, s3, $0x38;
	[tilespmem:$0x18200] =	vst v63  }
0xe6: {  	v11 =	vshll.u32 v10, $0x3;
	_ =	swait.ge [sflag:s30], $0x2000  }
0xe7: {  	v10 =	vand.u32 $0x79, v10;
	v11 =	vand.u32 $0xC00, v11;
	[sflag:s30] =	ssyncset.done $0x0  }
0xe8: {  	v10 =	vor.u32 v10, v11;
	[sflag:s30] =	ssyncadd.s32 $0xFFFFE000  }
0xe9: {  	v11 =	vor.u32 v1, v10;
	v9 =	vld.idx.msk [tilespmem:v9+s11+$0x0], $0xffff  }
0xea: {  	v43 =	vor.u32 s20, v2;
	_ =	sdelay $0x3  }
0xeb: {  	[tilespmem:v11+s19+$0x0] =	vst.idx.msk $0xffff, v9  }
0xec: {  	(v2sf) =	vpush @!p0 v8, $0x1;
	v11 =	vor.u32 v3, v10;
	v9 =	vld.idx.msk [tilespmem:v43+s11+$0x0], $0xffff  }
0xed: {  	v44 =	vor.u32 s20, v4;
	_ =	sdelay $0x3  }
0xee: {  	[tilespmem:v11+s19+$0x0] =	vst.idx.msk $0xffff, v9  }
0xef: {  	v11 =	vor.u32 v5, v10;
	v9 =	vld.idx.msk [tilespmem:v44+s11+$0x0], $0xffff  }
0xf0: {  	v45 =	vor.u32 s20, v6;
	_ =	sdelay $0x3  }
0xf1: {  	[tilespmem:v11+s19+$0x0] =	vst.idx.msk $0xffff, v9  }
0xf2: {  	v10 =	vor.u32 v7, v10;
	v9 =	vld.idx.msk [tilespmem:v45+s11+$0x0], $0xffff;
	_ =	sdelay $0x2  }
0xf3: {  	s18 =	spop @!p0 (v2sf)  }
0xf4: {  	s20 =	sand.u32 $0x7F, s28;
	s18 =	sand.u32 @!p0 $0xFFFFF80, s18  }
0xf5: {  	s28 =	simm.s32 @!p0 $0x2200;
	s21 =	sadd.s32 $0xA, s31;
	s18 =	sadd.s32 @!p0 s0, s18;
	[tilespmem:v10+s19+$0x0] =	vst.idx.msk $0xffff, v9  }
0xf6: {  	v9 =	vor.u32 s20, v0;
	[tilespmem:s28], [sflag:$0x2] =	stream.strided.gather @!p0 [hbm4b:s18+s3], $0x2000, s29, s3, $0x38;
	[tilespmem:$0x18200] =	vst v63  }
0xf7: {  	v10 =	vmov s21;
	s28 =	simm.s32 $0x3  }
0xf8: {  	v11 =	vshll.u32 v10, $0x3;
	_ =	swait.ge [sflag:s28], $0x2000  }
0xf9: {  	v10 =	vand.u32 $0x7A, v10;
	v11 =	vand.u32 $0xC00, v11;
	[sflag:s28] =	ssyncset.done $0x0  }
0xfa: {  	v10 =	vor.u32 v10, v11;
	[sflag:s28] =	ssyncadd.s32 $0xFFFFE000  }
0xfb: {  	v11 =	vor.u32 v1, v10;
	v9 =	vld.idx.msk [tilespmem:v9+s12+$0x0], $0xffff  }
0xfc: {  	v46 =	vor.u32 s20, v2;
	_ =	sdelay $0x3  }
0xfd: {  	[tilespmem:v11+s19+$0x0] =	vst.idx.msk $0xffff, v9  }
0xfe: {  	(v2sf) =	vpush @!p0 v8, $0x2;
	v11 =	vor.u32 v3, v10;
	v9 =	vld.idx.msk [tilespmem:v46+s12+$0x0], $0xffff  }
0xff: {  	v47 =	vor.u32 s20, v4;
	_ =	sdelay $0x3  }
0x100: {  	[tilespmem:v11+s19+$0x0] =	vst.idx.msk $0xffff, v9  }
0x101: {  	v11 =	vor.u32 v5, v10;
	v9 =	vld.idx.msk [tilespmem:v47+s12+$0x0], $0xffff  }
0x102: {  	v48 =	vor.u32 s20, v6;
	_ =	sdelay $0x3  }
0x103: {  	[tilespmem:v11+s19+$0x0] =	vst.idx.msk $0xffff, v9  }
0x104: {  	v10 =	vor.u32 v7, v10;
	v9 =	vld.idx.msk [tilespmem:v48+s12+$0x0], $0xffff;
	_ =	sdelay $0x2  }
0x105: {  	s18 =	spop @!p0 (v2sf)  }
0x106: {  	s4 =	sand.u32 $0x7F, s4;
	s18 =	sand.u32 @!p0 $0xFFFFF80, s18  }
0x107: {  	s20 =	sadd.s32 $0xB, s31;
	s21 =	simm.s32 @!p0 $0x4200;
	s18 =	sadd.s32 @!p0 s0, s18;
	[tilespmem:v10+s19+$0x0] =	vst.idx.msk $0xffff, v9;
	v9 =	vor.u32 s4, v0  }
0x108: {  	v10 =	vmov s20;
	[tilespmem:s21], [sflag:$0x3] =	stream.strided.gather @!p0 [hbm4b:s18+s3], $0x2000, s29, s3, $0x38;
	[tilespmem:$0x18200] =	vst v63  }
0x109: {  	v11 =	vshll.u32 v10, $0x3;
	_ =	swait.ge [sflag:s22], $0x2000  }
0x10a: {  	v10 =	vand.u32 $0x7B, v10;
	v11 =	vand.u32 $0xC00, v11;
	[sflag:s22] =	ssyncset.done $0x0  }
0x10b: {  	v10 =	vor.u32 v10, v11;
	[sflag:s22] =	ssyncadd.s32 $0xFFFFE000  }
0x10c: {  	v11 =	vor.u32 v1, v10;
	v9 =	vld.idx.msk [tilespmem:v9+s13+$0x0], $0xffff  }
0x10d: {  	v49 =	vor.u32 s4, v2;
	_ =	sdelay $0x3  }
0x10e: {  	[tilespmem:v11+s19+$0x0] =	vst.idx.msk $0xffff, v9  }
0x10f: {  	(v2sf) =	vpush @!p0 v8, $0x3;
	v11 =	vor.u32 v3, v10;
	v9 =	vld.idx.msk [tilespmem:v49+s13+$0x0], $0xffff  }
0x110: {  	v50 =	vor.u32 s4, v4;
	_ =	sdelay $0x3  }
0x111: {  	[tilespmem:v11+s19+$0x0] =	vst.idx.msk $0xffff, v9  }
0x112: {  	v11 =	vor.u32 v5, v10;
	v9 =	vld.idx.msk [tilespmem:v50+s13+$0x0], $0xffff  }
0x113: {  	v51 =	vor.u32 s4, v6;
	_ =	sdelay $0x3  }
0x114: {  	[tilespmem:v11+s19+$0x0] =	vst.idx.msk $0xffff, v9  }
0x115: {  	v10 =	vor.u32 v7, v10;
	v9 =	vld.idx.msk [tilespmem:v51+s13+$0x0], $0xffff;
	_ =	sdelay $0x2  }
0x116: {  	s4 =	spop @!p0 (v2sf)  }
0x117: {  	s5 =	sand.u32 $0x7F, s5;
	s4 =	sand.u32 @!p0 $0xFFFFF80, s4  }
0x118: {  	s20 =	simm.s32 @!p0 $0x6200;
	s21 =	sadd.s32 $0xC, s31;
	s4 =	sadd.s32 @!p0 s0, s4;
	[tilespmem:v10+s19+$0x0] =	vst.idx.msk $0xffff, v9;
	v9 =	vor.u32 s5, v0  }
0x119: {  	v10 =	vmov s21;
	[tilespmem:s20], [sflag:$0x4] =	stream.strided.gather @!p0 [hbm4b:s4+s3], $0x2000, s29, s3, $0x38;
	[tilespmem:$0x18200] =	vst v63  }
0x11a: {  	v11 =	vshll.u32 v10, $0x3;
	_ =	swait.ge [sflag:s23], $0x2000  }
0x11b: {  	v10 =	vand.u32 $0x7C, v10;
	v11 =	vand.u32 $0xC00, v11;
	[sflag:s23] =	ssyncset.done $0x0  }
0x11c: {  	v10 =	vor.u32 v10, v11;
	[sflag:s23] =	ssyncadd.s32 $0xFFFFE000  }
0x11d: {  	v11 =	vor.u32 v1, v10;
	v9 =	vld.idx.msk [tilespmem:v9+s14+$0x0], $0xffff  }
0x11e: {  	v52 =	vor.u32 s5, v2;
	_ =	sdelay $0x3  }
0x11f: {  	[tilespmem:v11+s19+$0x0] =	vst.idx.msk $0xffff, v9  }
0x120: {  	(v2sf) =	vpush @!p0 v8, $0x4;
	v11 =	vor.u32 v3, v10;
	v9 =	vld.idx.msk [tilespmem:v52+s14+$0x0], $0xffff  }
0x121: {  	v53 =	vor.u32 s5, v4;
	_ =	sdelay $0x3  }
0x122: {  	[tilespmem:v11+s19+$0x0] =	vst.idx.msk $0xffff, v9  }
0x123: {  	v11 =	vor.u32 v5, v10;
	v9 =	vld.idx.msk [tilespmem:v53+s14+$0x0], $0xffff  }
0x124: {  	v54 =	vor.u32 s5, v6;
	_ =	sdelay $0x3  }
0x125: {  	[tilespmem:v11+s19+$0x0] =	vst.idx.msk $0xffff, v9  }
0x126: {  	v10 =	vor.u32 v7, v10;
	v9 =	vld.idx.msk [tilespmem:v54+s14+$0x0], $0xffff;
	_ =	sdelay $0x2  }
0x127: {  	s4 =	spop @!p0 (v2sf)  }
0x128: {  	s5 =	sand.u32 $0x7F, s6;
	s4 =	sand.u32 @!p0 $0xFFFFF80, s4  }
0x129: {  	s18 =	simm.s32 @!p0 $0x8200;
	s21 =	sadd.s32 $0xD, s31;
	s4 =	sadd.s32 @!p0 s0, s4;
	[tilespmem:v10+s19+$0x0] =	vst.idx.msk $0xffff, v9;
	v9 =	vor.u32 s5, v0  }
0x12a: {  	v10 =	vmov s21;
	[tilespmem:s18], [sflag:$0x5] =	stream.strided.gather @!p0 [hbm4b:s4+s3], $0x2000, s29, s3, $0x38;
	[tilespmem:$0x18200] =	vst v63  }
0x12b: {  	v11 =	vshll.u32 v10, $0x3;
	_ =	swait.ge [sflag:s24], $0x2000  }
0x12c: {  	v10 =	vand.u32 $0x7D, v10;
	v11 =	vand.u32 $0xC00, v11;
	[sflag:s24] =	ssyncset.done $0x0  }
0x12d: {  	v10 =	vor.u32 v10, v11;
	[sflag:s24] =	ssyncadd.s32 $0xFFFFE000  }
0x12e: {  	v11 =	vor.u32 v1, v10;
	v9 =	vld.idx.msk [tilespmem:v9+s15+$0x0], $0xffff  }
0x12f: {  	v55 =	vor.u32 s5, v2;
	_ =	sdelay $0x3  }
0x130: {  	[tilespmem:v11+s19+$0x0] =	vst.idx.msk $0xffff, v9  }
0x131: {  	(v2sf) =	vpush @!p0 v8, $0x5;
	v11 =	vor.u32 v3, v10;
	v9 =	vld.idx.msk [tilespmem:v55+s15+$0x0], $0xffff  }
0x132: {  	v56 =	vor.u32 s5, v4;
	_ =	sdelay $0x3  }
0x133: {  	[tilespmem:v11+s19+$0x0] =	vst.idx.msk $0xffff, v9  }
0x134: {  	v11 =	vor.u32 v5, v10;
	v9 =	vld.idx.msk [tilespmem:v56+s15+$0x0], $0xffff  }
0x135: {  	v57 =	vor.u32 s5, v6;
	_ =	sdelay $0x3  }
0x136: {  	[tilespmem:v11+s19+$0x0] =	vst.idx.msk $0xffff, v9  }
0x137: {  	v10 =	vor.u32 v7, v10;
	v9 =	vld.idx.msk [tilespmem:v57+s15+$0x0], $0xffff;
	_ =	sdelay $0x2  }
0x138: {  	s4 =	spop @!p0 (v2sf)  }
0x139: {  	s21 =	sand.u32 $0x7F, s7;
	s4 =	sand.u32 @!p0 $0xFFFFF80, s4  }
0x13a: {  	s7 =	simm.s32 @!p0 $0xA200;
	s18 =	sadd.s32 $0xE, s31;
	s4 =	sadd.s32 @!p0 s0, s4;
	[tilespmem:v10+s19+$0x0] =	vst.idx.msk $0xffff, v9;
	v9 =	vor.u32 s21, v0  }
0x13b: {  	v10 =	vmov s18;
	[tilespmem:s7], [sflag:$0x6] =	stream.strided.gather @!p0 [hbm4b:s4+s3], $0x2000, s29, s3, $0x38;
	[tilespmem:$0x18200] =	vst v63  }
0x13c: {  	v11 =	vshll.u32 v10, $0x3;
	_ =	swait.ge [sflag:s25], $0x2000  }
0x13d: {  	v10 =	vand.u32 $0x7E, v10;
	v11 =	vand.u32 $0xC00, v11;
	[sflag:s25] =	ssyncset.done $0x0  }
0x13e: {  	v10 =	vor.u32 v10, v11;
	[sflag:s25] =	ssyncadd.s32 $0xFFFFE000  }
0x13f: {  	v11 =	vor.u32 v1, v10;
	v9 =	vld.idx.msk [tilespmem:v9+s16+$0x0], $0xffff  }
0x140: {  	v58 =	vor.u32 s21, v2;
	_ =	sdelay $0x3  }
0x141: {  	[tilespmem:v11+s19+$0x0] =	vst.idx.msk $0xffff, v9  }
0x142: {  	(v2sf) =	vpush @!p0 v8, $0x6;
	v11 =	vor.u32 v3, v10;
	v9 =	vld.idx.msk [tilespmem:v58+s16+$0x0], $0xffff  }
0x143: {  	v59 =	vor.u32 s21, v4;
	_ =	sdelay $0x3  }
0x144: {  	[tilespmem:v11+s19+$0x0] =	vst.idx.msk $0xffff, v9  }
0x145: {  	v11 =	vor.u32 v5, v10;
	v9 =	vld.idx.msk [tilespmem:v59+s16+$0x0], $0xffff  }
0x146: {  	v60 =	vor.u32 s21, v6;
	_ =	sdelay $0x3  }
0x147: {  	[tilespmem:v11+s19+$0x0] =	vst.idx.msk $0xffff, v9  }
0x148: {  	v10 =	vor.u32 v7, v10;
	v9 =	vld.idx.msk [tilespmem:v60+s16+$0x0], $0xffff;
	_ =	sdelay $0x2  }
0x149: {  	s4 =	spop @!p0 (v2sf)  }
0x14a: {  	s2 =	sand.u32 $0x7F, s2;
	s4 =	sand.u32 @!p0 $0xFFFFF80, s4  }
0x14b: {  	s6 =	simm.s32 @!p0 $0xC200;
	s21 =	sadd.s32 $0xF, s31;
	s4 =	sadd.s32 @!p0 s0, s4;
	[tilespmem:v10+s19+$0x0] =	vst.idx.msk $0xffff, v9;
	v9 =	vor.u32 s2, v0  }
0x14c: {  	v10 =	vmov s21;
	[tilespmem:s6], [sflag:$0x7] =	stream.strided.gather @!p0 [hbm4b:s4+s3], $0x2000, s29, s3, $0x38;
	[tilespmem:$0x18200] =	vst v63  }
0x14d: {  	v11 =	vshll.u32 v10, $0x3;
	_ =	swait.ge [sflag:s26], $0x2000  }
0x14e: {  	v10 =	vand.u32 $0x7F, v10;
	v11 =	vand.u32 $0xC00, v11;
	[sflag:s26] =	ssyncset.done $0x0  }
0x14f: {  	v10 =	vor.u32 v10, v11;
	[sflag:s26] =	ssyncadd.s32 $0xFFFFE000  }
0x150: {  	v11 =	vor.u32 v1, v10;
	v9 =	vld.idx.msk [tilespmem:v9+s17+$0x0], $0xffff  }
0x151: {  	v61 =	vor.u32 s2, v2;
	_ =	sdelay $0x3  }
0x152: {  	[tilespmem:v11+s19+$0x0] =	vst.idx.msk $0xffff, v9  }
0x153: {  	v11 =	vor.u32 v3, v10;
	v9 =	vld.idx.msk [tilespmem:v61+s17+$0x0], $0xffff  }
0x154: {  	v62 =	vor.u32 s2, v4;
	_ =	sdelay $0x3  }
0x155: {  	[tilespmem:v11+s19+$0x0] =	vst.idx.msk $0xffff, v9  }
0x156: {  	v11 =	vor.u32 v5, v10;
	v9 =	vld.idx.msk [tilespmem:v62+s17+$0x0], $0xffff  }
0x157: {  	v63 =	vor.u32 s2, v6;
	_ =	sdelay $0x3  }
0x158: {  	[tilespmem:v11+s19+$0x0] =	vst.idx.msk $0xffff, v9  }
0x159: {  	p0 =	sne.s32 s1, $0x200;
	v10 =	vor.u32 v7, v10;
	v9 =	vld.idx.msk [tilespmem:v63+s17+$0x0], $0xffff  }
.Ltmp0:
0x15a: {  	_ = 	snop;
	(pc) =	sbr.rel @p0 .LBB2_2-.Ltmp0, $2  }
0x15b: {  	_ =	sdelay $0x2  }
0x15c: {  	s20 =	simm.s32 $0x1;
	s31 =	smov.u32 s1;
	[tilespmem:v10+s19+$0x0] =	vst.idx.msk $0xffff, v9;
	v9 =	vmov v8  }
0x15d: {  	s1 =	rddreg [dreg:$0x5];
	s2 =	simm.s32 $0x1000;
	s3 =	simm.s32 $0x20000  }
0x15e: {  	[hbm4b:s1+s2] =	stream.strided.scatter [tilespmem:s19], [sflag:$0x9], $0x8000, s3, s2, $0x38;
	[tilespmem:$0x18200] =	vst v63  }
0x15f: {  	s3 =	simm.s32 $0x9  }
0x160: {  	_ =	swait.ge [sflag:s3], $0x8000  }
0x161: {  	s29 =	rddreg [dreg:$0x7]  }
0x162: {  	s31 =	rddreg [dreg:$0x6];
	s2 =	sadd.s32 $0x1, s29  }
0x163: {  	p0 =	sne.s32 s2, s31  }
.Ltmp1:
0x164: {  	_ = 	snop;
	(pc) =	sbr.rel @p0 .LBB2_1-.Ltmp1, $3  }
0x165: {  	_ =	sdelay $0x1  }
0x166: {  	[sflag:s3] =	ssyncset.done $0x0  }
0x167: {  	[sflag:s3] =	ssyncadd.s32 $0xFFFF8000  }
0x168: {  	_ =	sfence.sel $0x180000  }
0x169: {  	[bflag:$0x0] =	sbarrier.arrive $0xFFFF  }
0x16a: {  	_ =	strace $0x90000047  }
0x16b: {  	s0 =	stileid.u32;
	[bflag:$0x2] =	sbarrier.arrive $0xFFFF  }
0x16c: {  	p0 =	sne.s32 s0, $0x0;
	s0 =	rddreg [dreg:$0x3]  }
0x16d: {  	s0 =	sadd.s32 @!p0 $0x100000, s0  }
0x16e: {  	[sflag:s0] =	ssyncadd.tile.s32 @!p0 $0x1;
	_ =	shalt  }
.Lfunc_end2:
_tile_overlayer_lowered:
.L_overlay_start_2:
0x16f: {  	(tag) =	ssettag $0x2  }
0x170: {  	s0 =	rddreg [dreg:$0x0];
	s2 =	stileid.u32  }
0x171: {  	s1 =	rddreg [dreg:$0x1];
	p0 =	sne.s32 s2, $0x0  }
0x172: {  	s3 =	rddreg [dreg:$0x2];
	[bflag:$0x3] =	sbarrier.arrive $0xFFFF;
	s2 =	simm.s32 @!p0 $0x1C09  }
0x173: {  	[timem:s3], [sflag:s2] =	dma.local @!p0 [hbm:s0], s1  }
0x174: {  	s0 =	simm.s32 @!p0 $0x9  }
0x175: {  	_ =	swait.ge @!p0 [sflag:s0], s1  }
0x176: {  	s1 =	ssub.s32 @!p0 $0x0, s1;
	[sflag:s0] =	ssyncset.done @!p0 $0x0  }
0x177: {  	[sflag:s0] =	ssyncadd.s32 @!p0 s1  }
0x178: {  	[bflag:$0x3] =	sbarrier.arrive $0xFFFF  }
0x179: {  	_ =	shalt  }

</sc_bundles>
